<compile_context>
chip_gen: v7x
topology: tpu7x:2x2x1
jax: 0.10.2.dev20260603
libtpu: 0.0.44.dev20260713+nightly
codegen_flags: <defaults>
</compile_context>

<pallas_src>
import functools

import jax
import jax.numpy as jnp
from jax import lax
from jax.experimental import pallas as pl
from jax.experimental.pallas import tpu as pltpu
from jax.experimental.pallas import tpu_sc as plsc

N = 10000
E = 320000
NTILES = 32
CHUNK = 80
EPT = E // NTILES
NCH = EPT // CHUNK
NBUF = 5
NPAD = 10240
RPT = NPAD // 16
BLK = 1000


def _make_agg(feat):
    mesh = plsc.VectorSubcoreMesh(core_axis_name="c", subcore_axis_name="s")

    @functools.partial(
        pl.kernel,
        out_type=jax.ShapeDtypeStruct((2, NPAD, feat), jnp.float32),
        mesh=mesh,
        scratch_types=[
            pltpu.VMEM((NCH, CHUNK), jnp.int32),
            pltpu.VMEM((NCH, CHUNK), jnp.int32),
        ] + [pltpu.VMEM((CHUNK, feat), jnp.float32)] * (2 * NBUF)
          + [pltpu.SemaphoreType.DMA] * (2 * NBUF)
          + [pltpu.SemaphoreType.DMA] * (2 * NBUF)
          + [pltpu.VMEM_SHARED((NPAD, feat), jnp.float32)],
        compiler_params=pltpu.CompilerParams(use_tc_tiling_on_sc=False),
    )
    def agg(y_hbm, ei_hbm, z_hbm, out_hbm, ridx, sidx, *scr):
        nb = 2 * NBUF
        bufs = scr[:nb]
        gsem = scr[nb:2 * nb]
        ssem = scr[2 * nb:3 * nb]
        acc = scr[3 * nb]
        cid = lax.axis_index("c")
        sid = lax.axis_index("s")
        r0 = sid * RPT
        pltpu.sync_copy(z_hbm.at[pl.ds(r0, RPT)], acc.at[pl.ds(r0, RPT)])
        tile = cid * 16 + sid
        pltpu.sync_copy(ei_hbm.at[0, pl.ds(tile * NCH, NCH)], ridx)
        pltpu.sync_copy(ei_hbm.at[1, pl.ds(tile * NCH, NCH)], sidx)
        plsc.subcore_barrier()

        def g_start(j, b):
            pltpu.async_copy(y_hbm.at[ridx.at[j]], bufs[b], gsem[b])

        def g_wait(j, b):
            pltpu.make_async_copy(y_hbm.at[ridx.at[j]], bufs[b], gsem[b]).wait()

        def s_start(j, b):
            pltpu.async_copy(bufs[b], acc.at[sidx.at[j]], ssem[b], add=True)

        def s_wait(j, b):
            pltpu.make_async_copy(bufs[b], acc.at[sidx.at[j]], ssem[b]).wait()

        for b in range(2 * NBUF):
            g_start(b, b)

        @pl.loop(0, (NCH - NBUF) // (2 * NBUF))
        def _(kk):
            j0 = 2 * NBUF * kk
            for h in range(2):
                for i in range(NBUF):
                    j = j0 + h * NBUF + i
                    b = h * NBUF + i
                    g_wait(j, b)
                    s_start(j, b)
                for i in range(NBUF):
                    j = j0 + h * NBUF + i
                    b = h * NBUF + i
                    jn = j + 2 * NBUF

                    @pl.when(jn < NCH)
                    def _():
                        s_wait(j, b)
                        g_start(jn, b)

        for i in range(NBUF):
            j = NCH - NBUF + i
            g_wait(j, i)
            s_start(j, i)
        for i in range(NBUF):
            s_wait(NCH - 2 * NBUF + i, NBUF + i)
        for i in range(NBUF):
            s_wait(NCH - NBUF + i, i)

        plsc.subcore_barrier()
        pltpu.sync_copy(acc.at[pl.ds(r0, RPT)], out_hbm.at[cid, pl.ds(r0, RPT)])

    return agg


def _deg_hist(ei3, z16):
    mesh = plsc.VectorSubcoreMesh(core_axis_name="c", subcore_axis_name="s")

    @functools.partial(
        pl.kernel,
        out_type=jax.ShapeDtypeStruct((2, NPAD, 16), jnp.float32),
        mesh=mesh,
        scratch_types=[
            pltpu.VMEM((NCH, CHUNK), jnp.int32),
            pltpu.VMEM((CHUNK, 16), jnp.float32),
            pltpu.VMEM_SHARED((NPAD, 16), jnp.float32),
            pltpu.SemaphoreType.DMA,
        ],
        compiler_params=pltpu.CompilerParams(use_tc_tiling_on_sc=False),
    )
    def deg(ei_hbm, z_hbm, out_hbm, sidx, ones, acc, sem):
        cid = lax.axis_index("c")
        sid = lax.axis_index("s")
        r0 = sid * RPT
        pltpu.sync_copy(z_hbm.at[pl.ds(r0, RPT)], acc.at[pl.ds(r0, RPT)])
        tile = cid * 16 + sid
        pltpu.sync_copy(ei_hbm.at[1, pl.ds(tile * NCH, NCH)], sidx)

        @pl.loop(0, CHUNK)
        def _(i):
            ones[i, :] = jnp.ones((16,), jnp.float32)

        plsc.subcore_barrier()

        @pl.loop(0, NCH)
        def _(j):
            pltpu.async_copy(ones, acc.at[sidx.at[j]], sem, add=True)

        @pl.loop(0, NCH)
        def _(j):
            pltpu.make_async_copy(ones, acc.at[sidx.at[j]], sem).wait()

        plsc.subcore_barrier()
        pltpu.sync_copy(acc.at[pl.ds(r0, RPT)], out_hbm.at[cid, pl.ds(r0, RPT)])

    return deg(ei3, z16)


def _f32_dot(a, b):
    return jnp.dot(a, b, preferred_element_type=jnp.float32)


def _dinv(d_ref):
    d = (d_ref[0] + d_ref[1] + 1.0)[:, 0:1]
    return lax.rsqrt(d)


def _tc_xw1(x, W1, degp):
    def body(x_ref, w_ref, d_ref, o_ref):
        o_ref[...] = _f32_dot(x_ref[...], w_ref[...]) * _dinv(d_ref)

    return pl.pallas_call(
        body,
        grid=(N // BLK,),
        in_specs=[
            pl.BlockSpec((BLK, 128), lambda i: (i, 0)),
            pl.BlockSpec((128, 64), lambda i: (0, 0)),
            pl.BlockSpec((2, BLK, 16), lambda i: (0, i, 0)),
        ],
        out_specs=pl.BlockSpec((BLK, 64), lambda i: (i, 0)),
        out_shape=jax.ShapeDtypeStruct((N, 64), jnp.float32),
    )(x, W1, degp)


def _tc_mid(aggp, y1, degp, b1r, W2p):
    def body(a_ref, y_ref, d_ref, b_ref, w_ref, o_ref):
        dinv = _dinv(d_ref)
        h = jnp.maximum(dinv * (a_ref[0] + a_ref[1] + y_ref[...]) + b_ref[...],
                        0.0)
        o_ref[...] = dinv * _f32_dot(h, w_ref[...])

    return pl.pallas_call(
        body,
        grid=(N // BLK,),
        in_specs=[
            pl.BlockSpec((2, BLK, 64), lambda i: (0, i, 0)),
            pl.BlockSpec((BLK, 64), lambda i: (i, 0)),
            pl.BlockSpec((2, BLK, 16), lambda i: (0, i, 0)),
            pl.BlockSpec((1, 64), lambda i: (0, 0)),
            pl.BlockSpec((64, 16), lambda i: (0, 0)),
        ],
        out_specs=pl.BlockSpec((BLK, 16), lambda i: (i, 0)),
        out_shape=jax.ShapeDtypeStruct((N, 16), jnp.float32),
    )(aggp, y1, degp, b1r, W2p)


def _tc_fin(agg2p, y2p, degp, b2p):
    def body(a_ref, y_ref, d_ref, b_ref, o_ref):
        s = _dinv(d_ref) * (a_ref[0] + a_ref[1] + y_ref[...]) + b_ref[...]
        o_ref[...] = s[:, 0:2]

    return pl.pallas_call(
        body,
        grid=(N // BLK,),
        in_specs=[
            pl.BlockSpec((2, BLK, 16), lambda i: (0, i, 0)),
            pl.BlockSpec((BLK, 16), lambda i: (i, 0)),
            pl.BlockSpec((2, BLK, 16), lambda i: (0, i, 0)),
            pl.BlockSpec((1, 16), lambda i: (0, 0)),
        ],
        out_specs=pl.BlockSpec((BLK, 2), lambda i: (i, 0)),
        out_shape=jax.ShapeDtypeStruct((N, 2), jnp.float32),
    )(agg2p, y2p, degp, b2p)


def kernel(x, edge_index, W1, b1, W2, b2):
    ei3 = edge_index.astype(jnp.int32).reshape(2, E // CHUNK, CHUNK)

    z16 = jnp.zeros((NPAD, 16), jnp.float32)
    z64 = jnp.zeros((NPAD, 64), jnp.float32)
    W2p = jnp.zeros((64, 16), jnp.float32).at[:, 0:2].set(W2)
    b1r = b1.reshape(1, 64)
    b2p = jnp.zeros((1, 16), jnp.float32).at[0, 0:2].set(b2)

    degp = _deg_hist(ei3, z16)
    y1 = _tc_xw1(x, W1, degp)
    agg1 = _make_agg(64)(y1, ei3, z64)
    y2p = _tc_mid(agg1, y1, degp, b1r, W2p)
    agg2 = _make_agg(16)(y2p, ei3, z16)
    return _tc_fin(agg2, y2p, degp, b2p)

# --- scband reference (transcript-rebuilt; emitter-appended) ---
"""Pipeline reference for scband-git-gcn-36180804502073 (READ-ONLY COPY).

The authoritative reference and input builder live on the scoring server;
editing this copy changes nothing except your own understanding.
"""

import jax, jax.numpy as jnp
import numpy as np

N_NODES = 10000

def _gcn_conv(x, W, b, row, col, n_nodes):
    # PyG GCNConv with normalize=True: add self-loops, symmetric normalization,
    # aggregate messages from source (row) at destination (col).
    loop = jnp.arange(n_nodes, dtype=row.dtype)
    row_f = jnp.concatenate([row, loop])
    col_f = jnp.concatenate([col, loop])
    ew = jnp.ones(row_f.shape[0], dtype=x.dtype)
    deg = jnp.zeros((n_nodes,), dtype=x.dtype).at[col_f].add(ew)
    deg_inv_sqrt = jnp.where(deg > 0, deg ** -0.5, 0.0)
    norm = deg_inv_sqrt[row_f] * ew * deg_inv_sqrt[col_f]
    xw = x @ W
    msg = norm[:, None] * jnp.take(xw, row_f, axis=0)
    out = jnp.zeros((n_nodes, W.shape[1]), dtype=x.dtype).at[col_f].add(msg)
    return out + b

def setup_inputs(seed: int = 0) -> dict:
    key = jax.random.key(seed)
    k1, k2, k3, k4 = jax.random.split(key, 4)
    x = jax.random.normal(k1, (N_NODES, 128), dtype=jnp.float32)
    edge_index = jax.random.randint(k2, (2, 320000), 0, N_NODES, dtype=jnp.int64)
    # Glorot-initialized weights, zero bias (PyG GCNConv defaults)
    W1 = jax.random.normal(k3, (128, 64), dtype=jnp.float32) * jnp.sqrt(2.0 / (128 + 64))
    b1 = jnp.zeros((64,), dtype=jnp.float32)
    W2 = jax.random.normal(k4, (64, 2), dtype=jnp.float32) * jnp.sqrt(2.0 / (64 + 2))
    b2 = jnp.zeros((2,), dtype=jnp.float32)
    return {"x": x, "edge_index": edge_index, "W1": W1, "b1": b1, "W2": W2, "b2": b2}

def reference(x, edge_index, W1, b1, W2, b2):
    row = edge_index[0]
    col = edge_index[1]
    h = _gcn_conv(x, W1, b1, row, col, N_NODES)
    h = jax.nn.relu(h)
    # dropout p=0.2 is identity in eval mode
    out = _gcn_conv(h, W2, b2, row, col, N_NODES)
    return out

if __name__ == "__main__":
    import jax
    _d = setup_inputs()
    print(jax.jit(kernel)(*tuple(_d.values())))

</pallas_src>

<mosaic_0001>
#map = affine_map<(d0, d1) -> (0, 0)>
#map1 = affine_map<(d0, d1) -> (0, 0, 0)>
module attributes {stable_mosaic.version = 14 : i64} {
  func.func @agg(%arg0: i32, %arg1: i32, %arg2: memref<10000x64xf32, #tpu.memory_space<hbm>>, %arg3: memref<2x4000x80xi32, #tpu.memory_space<hbm>>, %arg4: memref<10240x64xf32, #tpu.memory_space<hbm>>, %arg5: memref<2x10240x64xf32, #tpu.memory_space<hbm>>, %arg6: memref<125x80xi32, #tpu.memory_space<vmem>>, %arg7: memref<125x80xi32, #tpu.memory_space<vmem>>, %arg8: memref<80x64xf32, #tpu.memory_space<vmem>>, %arg9: memref<80x64xf32, #tpu.memory_space<vmem>>, %arg10: memref<80x64xf32, #tpu.memory_space<vmem>>, %arg11: memref<80x64xf32, #tpu.memory_space<vmem>>, %arg12: memref<80x64xf32, #tpu.memory_space<vmem>>, %arg13: memref<80x64xf32, #tpu.memory_space<vmem>>, %arg14: memref<80x64xf32, #tpu.memory_space<vmem>>, %arg15: memref<80x64xf32, #tpu.memory_space<vmem>>, %arg16: memref<80x64xf32, #tpu.memory_space<vmem>>, %arg17: memref<80x64xf32, #tpu.memory_space<vmem>>, %arg18: memref<!tpu.dma_semaphore, #tpu.memory_space<semaphore_mem>>, %arg19: memref<!tpu.dma_semaphore, #tpu.memory_space<semaphore_mem>>, %arg20: memref<!tpu.dma_semaphore, #tpu.memory_space<semaphore_mem>>, %arg21: memref<!tpu.dma_semaphore, #tpu.memory_space<semaphore_mem>>, %arg22: memref<!tpu.dma_semaphore, #tpu.memory_space<semaphore_mem>>, %arg23: memref<!tpu.dma_semaphore, #tpu.memory_space<semaphore_mem>>, %arg24: memref<!tpu.dma_semaphore, #tpu.memory_space<semaphore_mem>>, %arg25: memref<!tpu.dma_semaphore, #tpu.memory_space<semaphore_mem>>, %arg26: memref<!tpu.dma_semaphore, #tpu.memory_space<semaphore_mem>>, %arg27: memref<!tpu.dma_semaphore, #tpu.memory_space<semaphore_mem>>, %arg28: memref<!tpu.dma_semaphore, #tpu.memory_space<semaphore_mem>>, %arg29: memref<!tpu.dma_semaphore, #tpu.memory_space<semaphore_mem>>, %arg30: memref<!tpu.dma_semaphore, #tpu.memory_space<semaphore_mem>>, %arg31: memref<!tpu.dma_semaphore, #tpu.memory_space<semaphore_mem>>, %arg32: memref<!tpu.dma_semaphore, #tpu.memory_space<semaphore_mem>>, %arg33: memref<!tpu.dma_semaphore, #tpu.memory_space<semaphore_mem>>, %arg34: memref<!tpu.dma_semaphore, #tpu.memory_space<semaphore_mem>>, %arg35: memref<!tpu.dma_semaphore, #tpu.memory_space<semaphore_mem>>, %arg36: memref<!tpu.dma_semaphore, #tpu.memory_space<semaphore_mem>>, %arg37: memref<!tpu.dma_semaphore, #tpu.memory_space<semaphore_mem>>, %arg38: memref<10240x64xf32, #tpu.memory_space<vmem_shared>>) attributes {dimension_semantics = [#tpu.dimension_semantics<core_parallel>, #tpu.dimension_semantics<subcore_parallel>], iteration_bounds = array<i64: 2, 16>, scalar_prefetch = 0 : i64, scratch_operands = 33 : i64, tpu.core_type = #tpu.core_type<sc_vector_subcore>, window_params = [{transform_indices = #map}, {transform_indices = #map1}, {transform_indices = #map}, {transform_indices = #map1}]} {
    %mul3A = arith.constant 640 : i32
    %mul3A_0 = arith.muli %arg1, %mul3A : i32
    "tpu.region"() ({
      %run_scoped3A_221 = tpu.sem_alloc : memref<!tpu.dma_semaphore, #tpu.memory_space<semaphore_mem>>
      %dma_start3A_222 = arith.constant 0 : i32
      %dma_start3A_223 = tpu.memref_slice %arg38[%mul3A_0, %dma_start3A_222] : memref<10240x64xf32, #tpu.memory_space<vmem_shared>> -> memref<640x64xf32, #tpu.memory_space<vmem_shared>>
      %dma_start3A_224 = arith.constant 0 : i32
      %dma_start3A_225 = tpu.memref_slice %arg4[%mul3A_0, %dma_start3A_224] : memref<10240x64xf32, #tpu.memory_space<hbm>> -> memref<640x64xf32, #tpu.memory_space<hbm>>
      tpu.enqueue_dma source(%dma_start3A_225 : memref<640x64xf32, #tpu.memory_space<hbm>>) target(%dma_start3A_223 : memref<640x64xf32, #tpu.memory_space<vmem_shared>>) target_semaphore(%run_scoped3A_221 : memref<!tpu.dma_semaphore, #tpu.memory_space<semaphore_mem>>)
      %dma_wait3A_226 = arith.constant 0 : i32
      %dma_wait3A_227 = tpu.memref_slice %arg38[%mul3A_0, %dma_wait3A_226] : memref<10240x64xf32, #tpu.memory_space<vmem_shared>> -> memref<640x64xf32, #tpu.memory_space<vmem_shared>>
      %dma_wait3A_228 = arith.constant 0 : i32
      %dma_wait3A_229 = tpu.memref_slice %arg4[%mul3A_0, %dma_wait3A_228] : memref<10240x64xf32, #tpu.memory_space<hbm>> -> memref<640x64xf32, #tpu.memory_space<hbm>>
      tpu.wait_dma2 semaphore(%run_scoped3A_221 : memref<!tpu.dma_semaphore, #tpu.memory_space<semaphore_mem>>) src(%dma_wait3A_229 : memref<640x64xf32, #tpu.memory_space<hbm>>) dst(%dma_wait3A_227 : memref<640x64xf32, #tpu.memory_space<vmem_shared>>)
      tpu.yield
    }) : () -> ()
    %mul3A_1 = arith.constant 16 : i32
    %mul3A_2 = arith.muli %arg0, %mul3A_1 : i32
    %add3A = arith.addi %mul3A_2, %arg1 : i32
    %mul3A_3 = arith.constant 125 : i32
    %mul3A_4 = arith.muli %add3A, %mul3A_3 : i32
    %run_scoped3A = arith.constant 0 : i32
    "tpu.region"() ({
      %run_scoped3A_221 = tpu.sem_alloc : memref<!tpu.dma_semaphore, #tpu.memory_space<semaphore_mem>>
      %dma_start3A_222 = arith.constant 0 : i32
      %dma_start3A_223 = tpu.memref_slice %arg3[%run_scoped3A, %mul3A_4, %dma_start3A_222] : memref<2x4000x80xi32, #tpu.memory_space<hbm>> -> memref<1x125x80xi32, #tpu.memory_space<hbm>>
      %dma_start3A_224 = tpu.memref_squeeze %dma_start3A_223 : memref<1x125x80xi32, #tpu.memory_space<hbm>> -> memref<125x80xi32, #tpu.memory_space<hbm>>
      %dma_start3A_225 = arith.constant 0 : i32
      %dma_start3A_226 = tpu.memref_slice %arg3[%run_scoped3A, %mul3A_4, %dma_start3A_225] : memref<2x4000x80xi32, #tpu.memory_space<hbm>> -> memref<1x125x80xi32, #tpu.memory_space<hbm>>
      %dma_start3A_227 = tpu.memref_squeeze %dma_start3A_226 : memref<1x125x80xi32, #tpu.memory_space<hbm>> -> memref<125x80xi32, #tpu.memory_space<hbm>>
      tpu.enqueue_dma source(%dma_start3A_227 : memref<125x80xi32, #tpu.memory_space<hbm>>) target(%arg6 : memref<125x80xi32, #tpu.memory_space<vmem>>) target_semaphore(%run_scoped3A_221 : memref<!tpu.dma_semaphore, #tpu.memory_space<semaphore_mem>>)
      %dma_wait3A_228 = arith.constant 0 : i32
      %dma_wait3A_229 = tpu.memref_slice %arg3[%run_scoped3A, %mul3A_4, %dma_wait3A_228] : memref<2x4000x80xi32, #tpu.memory_space<hbm>> -> memref<1x125x80xi32, #tpu.memory_space<hbm>>
      %dma_wait3A_230 = tpu.memref_squeeze %dma_wait3A_229 : memref<1x125x80xi32, #tpu.memory_space<hbm>> -> memref<125x80xi32, #tpu.memory_space<hbm>>
      %dma_wait3A_231 = arith.constant 0 : i32
      %dma_wait3A_232 = tpu.memref_slice %arg3[%run_scoped3A, %mul3A_4, %dma_wait3A_231] : memref<2x4000x80xi32, #tpu.memory_space<hbm>> -> memref<1x125x80xi32, #tpu.memory_space<hbm>>
      %dma_wait3A_233 = tpu.memref_squeeze %dma_wait3A_232 : memref<1x125x80xi32, #tpu.memory_space<hbm>> -> memref<125x80xi32, #tpu.memory_space<hbm>>
      tpu.wait_dma2 semaphore(%run_scoped3A_221 : memref<!tpu.dma_semaphore, #tpu.memory_space<semaphore_mem>>) src(%dma_wait3A_233 : memref<125x80xi32, #tpu.memory_space<hbm>>) dst(%arg6 : memref<125x80xi32, #tpu.memory_space<vmem>>)
      tpu.yield
    }) : () -> ()
    %mul3A_5 = arith.constant 125 : i32
    %mul3A_6 = arith.muli %add3A, %mul3A_5 : i32
    %run_scoped3A_7 = arith.constant 1 : i32
    "tpu.region"() ({
      %run_scoped3A_221 = tpu.sem_alloc : memref<!tpu.dma_semaphore, #tpu.memory_space<semaphore_mem>>
      %dma_start3A_222 = arith.constant 0 : i32
      %dma_start3A_223 = tpu.memref_slice %arg3[%run_scoped3A_7, %mul3A_6, %dma_start3A_222] : memref<2x4000x80xi32, #tpu.memory_space<hbm>> -> memref<1x125x80xi32, #tpu.memory_space<hbm>>
      %dma_start3A_224 = tpu.memref_squeeze %dma_start3A_223 : memref<1x125x80xi32, #tpu.memory_space<hbm>> -> memref<125x80xi32, #tpu.memory_space<hbm>>
      %dma_start3A_225 = arith.constant 0 : i32
      %dma_start3A_226 = tpu.memref_slice %arg3[%run_scoped3A_7, %mul3A_6, %dma_start3A_225] : memref<2x4000x80xi32, #tpu.memory_space<hbm>> -> memref<1x125x80xi32, #tpu.memory_space<hbm>>
      %dma_start3A_227 = tpu.memref_squeeze %dma_start3A_226 : memref<1x125x80xi32, #tpu.memory_space<hbm>> -> memref<125x80xi32, #tpu.memory_space<hbm>>
      tpu.enqueue_dma source(%dma_start3A_227 : memref<125x80xi32, #tpu.memory_space<hbm>>) target(%arg7 : memref<125x80xi32, #tpu.memory_space<vmem>>) target_semaphore(%run_scoped3A_221 : memref<!tpu.dma_semaphore, #tpu.memory_space<semaphore_mem>>)
      %dma_wait3A_228 = arith.constant 0 : i32
      %dma_wait3A_229 = tpu.memref_slice %arg3[%run_scoped3A_7, %mul3A_6, %dma_wait3A_228] : memref<2x4000x80xi32, #tpu.memory_space<hbm>> -> memref<1x125x80xi32, #tpu.memory_space<hbm>>
      %dma_wait3A_230 = tpu.memref_squeeze %dma_wait3A_229 : memref<1x125x80xi32, #tpu.memory_space<hbm>> -> memref<125x80xi32, #tpu.memory_space<hbm>>
      %dma_wait3A_231 = arith.constant 0 : i32
      %dma_wait3A_232 = tpu.memref_slice %arg3[%run_scoped3A_7, %mul3A_6, %dma_wait3A_231] : memref<2x4000x80xi32, #tpu.memory_space<hbm>> -> memref<1x125x80xi32, #tpu.memory_space<hbm>>
      %dma_wait3A_233 = tpu.memref_squeeze %dma_wait3A_232 : memref<1x125x80xi32, #tpu.memory_space<hbm>> -> memref<125x80xi32, #tpu.memory_space<hbm>>
      tpu.wait_dma2 semaphore(%run_scoped3A_221 : memref<!tpu.dma_semaphore, #tpu.memory_space<semaphore_mem>>) src(%dma_wait3A_233 : memref<125x80xi32, #tpu.memory_space<hbm>>) dst(%arg7 : memref<125x80xi32, #tpu.memory_space<vmem>>)
      tpu.yield
    }) : () -> ()
    %barrier3A = arith.constant 0 : index
    tpu.barrier barrier_id(%barrier3A)
    %dma_start3A = arith.constant 0 : i32
    %dma_start3A_8 = arith.constant 0 : i32
    %dma_start3A_9 = tpu.memref_slice %arg6[%dma_start3A, %dma_start3A_8] : memref<125x80xi32, #tpu.memory_space<vmem>> -> memref<1x80xi32, #tpu.memory_space<vmem>>
    %dma_start3A_10 = tpu.memref_squeeze %dma_start3A_9 : memref<1x80xi32, #tpu.memory_space<vmem>> -> memref<80xi32, #tpu.memory_space<vmem>>
    %dma_start3A_11 = arith.constant 0 : i32
    %dma_start3A_12 = arith.constant 0 : i32
    %dma_start3A_13 = tpu.memref_slice %arg2[%dma_start3A_11, %dma_start3A_12] : memref<10000x64xf32, #tpu.memory_space<hbm>> -> memref<10000x64xf32, #tpu.memory_space<hbm>>
    tpu.enqueue_indirect_dma source(%dma_start3A_13 : memref<10000x64xf32, #tpu.memory_space<hbm>>) target(%arg8 : memref<80x64xf32, #tpu.memory_space<vmem>>) offsets(%dma_start3A_10 : memref<80xi32, #tpu.memory_space<vmem>>) semaphore(%arg18 : memref<!tpu.dma_semaphore, #tpu.memory_space<semaphore_mem>>)
    %dma_start3A_14 = arith.constant 1 : i32
    %dma_start3A_15 = arith.constant 0 : i32
    %dma_start3A_16 = tpu.memref_slice %arg6[%dma_start3A_14, %dma_start3A_15] : memref<125x80xi32, #tpu.memory_space<vmem>> -> memref<1x80xi32, #tpu.memory_space<vmem>>
    %dma_start3A_17 = tpu.memref_squeeze %dma_start3A_16 : memref<1x80xi32, #tpu.memory_space<vmem>> -> memref<80xi32, #tpu.memory_space<vmem>>
    %dma_start3A_18 = arith.constant 0 : i32
    %dma_start3A_19 = arith.constant 0 : i32
    %dma_start3A_20 = tpu.memref_slice %arg2[%dma_start3A_18, %dma_start3A_19] : memref<10000x64xf32, #tpu.memory_space<hbm>> -> memref<10000x64xf32, #tpu.memory_space<hbm>>
    tpu.enqueue_indirect_dma source(%dma_start3A_20 : memref<10000x64xf32, #tpu.memory_space<hbm>>) target(%arg9 : memref<80x64xf32, #tpu.memory_space<vmem>>) offsets(%dma_start3A_17 : memref<80xi32, #tpu.memory_space<vmem>>) semaphore(%arg19 : memref<!tpu.dma_semaphore, #tpu.memory_space<semaphore_mem>>)
    %dma_start3A_21 = arith.constant 2 : i32
    %dma_start3A_22 = arith.constant 0 : i32
    %dma_start3A_23 = tpu.memref_slice %arg6[%dma_start3A_21, %dma_start3A_22] : memref<125x80xi32, #tpu.memory_space<vmem>> -> memref<1x80xi32, #tpu.memory_space<vmem>>
    %dma_start3A_24 = tpu.memref_squeeze %dma_start3A_23 : memref<1x80xi32, #tpu.memory_space<vmem>> -> memref<80xi32, #tpu.memory_space<vmem>>
    %dma_start3A_25 = arith.constant 0 : i32
    %dma_start3A_26 = arith.constant 0 : i32
    %dma_start3A_27 = tpu.memref_slice %arg2[%dma_start3A_25, %dma_start3A_26] : memref<10000x64xf32, #tpu.memory_space<hbm>> -> memref<10000x64xf32, #tpu.memory_space<hbm>>
    tpu.enqueue_indirect_dma source(%dma_start3A_27 : memref<10000x64xf32, #tpu.memory_space<hbm>>) target(%arg10 : memref<80x64xf32, #tpu.memory_space<vmem>>) offsets(%dma_start3A_24 : memref<80xi32, #tpu.memory_space<vmem>>) semaphore(%arg20 : memref<!tpu.dma_semaphore, #tpu.memory_space<semaphore_mem>>)
    %dma_start3A_28 = arith.constant 3 : i32
    %dma_start3A_29 = arith.constant 0 : i32
    %dma_start3A_30 = tpu.memref_slice %arg6[%dma_start3A_28, %dma_start3A_29] : memref<125x80xi32, #tpu.memory_space<vmem>> -> memref<1x80xi32, #tpu.memory_space<vmem>>
    %dma_start3A_31 = tpu.memref_squeeze %dma_start3A_30 : memref<1x80xi32, #tpu.memory_space<vmem>> -> memref<80xi32, #tpu.memory_space<vmem>>
    %dma_start3A_32 = arith.constant 0 : i32
    %dma_start3A_33 = arith.constant 0 : i32
    %dma_start3A_34 = tpu.memref_slice %arg2[%dma_start3A_32, %dma_start3A_33] : memref<10000x64xf32, #tpu.memory_space<hbm>> -> memref<10000x64xf32, #tpu.memory_space<hbm>>
    tpu.enqueue_indirect_dma source(%dma_start3A_34 : memref<10000x64xf32, #tpu.memory_space<hbm>>) target(%arg11 : memref<80x64xf32, #tpu.memory_space<vmem>>) offsets(%dma_start3A_31 : memref<80xi32, #tpu.memory_space<vmem>>) semaphore(%arg21 : memref<!tpu.dma_semaphore, #tpu.memory_space<semaphore_mem>>)
    %dma_start3A_35 = arith.constant 4 : i32
    %dma_start3A_36 = arith.constant 0 : i32
    %dma_start3A_37 = tpu.memref_slice %arg6[%dma_start3A_35, %dma_start3A_36] : memref<125x80xi32, #tpu.memory_space<vmem>> -> memref<1x80xi32, #tpu.memory_space<vmem>>
    %dma_start3A_38 = tpu.memref_squeeze %dma_start3A_37 : memref<1x80xi32, #tpu.memory_space<vmem>> -> memref<80xi32, #tpu.memory_space<vmem>>
    %dma_start3A_39 = arith.constant 0 : i32
    %dma_start3A_40 = arith.constant 0 : i32
    %dma_start3A_41 = tpu.memref_slice %arg2[%dma_start3A_39, %dma_start3A_40] : memref<10000x64xf32, #tpu.memory_space<hbm>> -> memref<10000x64xf32, #tpu.memory_space<hbm>>
    tpu.enqueue_indirect_dma source(%dma_start3A_41 : memref<10000x64xf32, #tpu.memory_space<hbm>>) target(%arg12 : memref<80x64xf32, #tpu.memory_space<vmem>>) offsets(%dma_start3A_38 : memref<80xi32, #tpu.memory_space<vmem>>) semaphore(%arg22 : memref<!tpu.dma_semaphore, #tpu.memory_space<semaphore_mem>>)
    %dma_start3A_42 = arith.constant 5 : i32
    %dma_start3A_43 = arith.constant 0 : i32
    %dma_start3A_44 = tpu.memref_slice %arg6[%dma_start3A_42, %dma_start3A_43] : memref<125x80xi32, #tpu.memory_space<vmem>> -> memref<1x80xi32, #tpu.memory_space<vmem>>
    %dma_start3A_45 = tpu.memref_squeeze %dma_start3A_44 : memref<1x80xi32, #tpu.memory_space<vmem>> -> memref<80xi32, #tpu.memory_space<vmem>>
    %dma_start3A_46 = arith.constant 0 : i32
    %dma_start3A_47 = arith.constant 0 : i32
    %dma_start3A_48 = tpu.memref_slice %arg2[%dma_start3A_46, %dma_start3A_47] : memref<10000x64xf32, #tpu.memory_space<hbm>> -> memref<10000x64xf32, #tpu.memory_space<hbm>>
    tpu.enqueue_indirect_dma source(%dma_start3A_48 : memref<10000x64xf32, #tpu.memory_space<hbm>>) target(%arg13 : memref<80x64xf32, #tpu.memory_space<vmem>>) offsets(%dma_start3A_45 : memref<80xi32, #tpu.memory_space<vmem>>) semaphore(%arg23 : memref<!tpu.dma_semaphore, #tpu.memory_space<semaphore_mem>>)
    %dma_start3A_49 = arith.constant 6 : i32
    %dma_start3A_50 = arith.constant 0 : i32
    %dma_start3A_51 = tpu.memref_slice %arg6[%dma_start3A_49, %dma_start3A_50] : memref<125x80xi32, #tpu.memory_space<vmem>> -> memref<1x80xi32, #tpu.memory_space<vmem>>
    %dma_start3A_52 = tpu.memref_squeeze %dma_start3A_51 : memref<1x80xi32, #tpu.memory_space<vmem>> -> memref<80xi32, #tpu.memory_space<vmem>>
    %dma_start3A_53 = arith.constant 0 : i32
    %dma_start3A_54 = arith.constant 0 : i32
    %dma_start3A_55 = tpu.memref_slice %arg2[%dma_start3A_53, %dma_start3A_54] : memref<10000x64xf32, #tpu.memory_space<hbm>> -> memref<10000x64xf32, #tpu.memory_space<hbm>>
    tpu.enqueue_indirect_dma source(%dma_start3A_55 : memref<10000x64xf32, #tpu.memory_space<hbm>>) target(%arg14 : memref<80x64xf32, #tpu.memory_space<vmem>>) offsets(%dma_start3A_52 : memref<80xi32, #tpu.memory_space<vmem>>) semaphore(%arg24 : memref<!tpu.dma_semaphore, #tpu.memory_space<semaphore_mem>>)
    %dma_start3A_56 = arith.constant 7 : i32
    %dma_start3A_57 = arith.constant 0 : i32
    %dma_start3A_58 = tpu.memref_slice %arg6[%dma_start3A_56, %dma_start3A_57] : memref<125x80xi32, #tpu.memory_space<vmem>> -> memref<1x80xi32, #tpu.memory_space<vmem>>
    %dma_start3A_59 = tpu.memref_squeeze %dma_start3A_58 : memref<1x80xi32, #tpu.memory_space<vmem>> -> memref<80xi32, #tpu.memory_space<vmem>>
    %dma_start3A_60 = arith.constant 0 : i32
    %dma_start3A_61 = arith.constant 0 : i32
    %dma_start3A_62 = tpu.memref_slice %arg2[%dma_start3A_60, %dma_start3A_61] : memref<10000x64xf32, #tpu.memory_space<hbm>> -> memref<10000x64xf32, #tpu.memory_space<hbm>>
    tpu.enqueue_indirect_dma source(%dma_start3A_62 : memref<10000x64xf32, #tpu.memory_space<hbm>>) target(%arg15 : memref<80x64xf32, #tpu.memory_space<vmem>>) offsets(%dma_start3A_59 : memref<80xi32, #tpu.memory_space<vmem>>) semaphore(%arg25 : memref<!tpu.dma_semaphore, #tpu.memory_space<semaphore_mem>>)
    %dma_start3A_63 = arith.constant 8 : i32
    %dma_start3A_64 = arith.constant 0 : i32
    %dma_start3A_65 = tpu.memref_slice %arg6[%dma_start3A_63, %dma_start3A_64] : memref<125x80xi32, #tpu.memory_space<vmem>> -> memref<1x80xi32, #tpu.memory_space<vmem>>
    %dma_start3A_66 = tpu.memref_squeeze %dma_start3A_65 : memref<1x80xi32, #tpu.memory_space<vmem>> -> memref<80xi32, #tpu.memory_space<vmem>>
    %dma_start3A_67 = arith.constant 0 : i32
    %dma_start3A_68 = arith.constant 0 : i32
    %dma_start3A_69 = tpu.memref_slice %arg2[%dma_start3A_67, %dma_start3A_68] : memref<10000x64xf32, #tpu.memory_space<hbm>> -> memref<10000x64xf32, #tpu.memory_space<hbm>>
    tpu.enqueue_indirect_dma source(%dma_start3A_69 : memref<10000x64xf32, #tpu.memory_space<hbm>>) target(%arg16 : memref<80x64xf32, #tpu.memory_space<vmem>>) offsets(%dma_start3A_66 : memref<80xi32, #tpu.memory_space<vmem>>) semaphore(%arg26 : memref<!tpu.dma_semaphore, #tpu.memory_space<semaphore_mem>>)
    %dma_start3A_70 = arith.constant 9 : i32
    %dma_start3A_71 = arith.constant 0 : i32
    %dma_start3A_72 = tpu.memref_slice %arg6[%dma_start3A_70, %dma_start3A_71] : memref<125x80xi32, #tpu.memory_space<vmem>> -> memref<1x80xi32, #tpu.memory_space<vmem>>
    %dma_start3A_73 = tpu.memref_squeeze %dma_start3A_72 : memref<1x80xi32, #tpu.memory_space<vmem>> -> memref<80xi32, #tpu.memory_space<vmem>>
    %dma_start3A_74 = arith.constant 0 : i32
    %dma_start3A_75 = arith.constant 0 : i32
    %dma_start3A_76 = tpu.memref_slice %arg2[%dma_start3A_74, %dma_start3A_75] : memref<10000x64xf32, #tpu.memory_space<hbm>> -> memref<10000x64xf32, #tpu.memory_space<hbm>>
    tpu.enqueue_indirect_dma source(%dma_start3A_76 : memref<10000x64xf32, #tpu.memory_space<hbm>>) target(%arg17 : memref<80x64xf32, #tpu.memory_space<vmem>>) offsets(%dma_start3A_73 : memref<80xi32, #tpu.memory_space<vmem>>) semaphore(%arg27 : memref<!tpu.dma_semaphore, #tpu.memory_space<semaphore_mem>>)
    %scan3A = arith.constant 0 : i32
    %scan3A_77 = arith.constant 12 : i32
    %scan3A_78 = arith.addi %scan3A, %scan3A_77 : i32
    %scan3A_79 = arith.constant 1 : i32
    scf.for %scan3A_221 = %scan3A to %scan3A_78 step %scan3A_79  : i32 {
      %mul3A_222 = arith.constant 1 : i32
      %mul3A_223 = arith.muli %scan3A_221, %mul3A_222 : i32
      %add3A_224 = arith.constant 0 : i32
      %add3A_225 = arith.addi %add3A_224, %mul3A_223 : i32
      %mul3A_226 = arith.constant 10 : i32
      %mul3A_227 = arith.muli %mul3A_226, %add3A_225 : i32
      %add3A_228 = arith.constant 0 : i32
      %add3A_229 = arith.addi %mul3A_227, %add3A_228 : i32
      %add3A_230 = arith.constant 0 : i32
      %add3A_231 = arith.addi %add3A_229, %add3A_230 : i32
      %dma_wait3A_232 = arith.constant 0 : i32
      %dma_wait3A_233 = tpu.memref_slice %arg6[%add3A_231, %dma_wait3A_232] : memref<125x80xi32, #tpu.memory_space<vmem>> -> memref<1x80xi32, #tpu.memory_space<vmem>>
      %dma_wait3A_234 = tpu.memref_squeeze %dma_wait3A_233 : memref<1x80xi32, #tpu.memory_space<vmem>> -> memref<80xi32, #tpu.memory_space<vmem>>
      %dma_wait3A_235 = arith.constant 0 : i32
      %dma_wait3A_236 = arith.constant 0 : i32
      %dma_wait3A_237 = tpu.memref_slice %arg2[%dma_wait3A_235, %dma_wait3A_236] : memref<10000x64xf32, #tpu.memory_space<hbm>> -> memref<10000x64xf32, #tpu.memory_space<hbm>>
      tpu.wait_indirect_dma semaphore(%arg18 : memref<!tpu.dma_semaphore, #tpu.memory_space<semaphore_mem>>) src(%dma_wait3A_237 : memref<10000x64xf32, #tpu.memory_space<hbm>>) dst(%arg8 : memref<80x64xf32, #tpu.memory_space<vmem>>)
      %dma_start3A_238 = arith.constant 0 : i32
      %dma_start3A_239 = tpu.memref_slice %arg7[%add3A_231, %dma_start3A_238] : memref<125x80xi32, #tpu.memory_space<vmem>> -> memref<1x80xi32, #tpu.memory_space<vmem>>
      %dma_start3A_240 = tpu.memref_squeeze %dma_start3A_239 : memref<1x80xi32, #tpu.memory_space<vmem>> -> memref<80xi32, #tpu.memory_space<vmem>>
      %dma_start3A_241 = arith.constant 0 : i32
      %dma_start3A_242 = arith.constant 0 : i32
      %dma_start3A_243 = tpu.memref_slice %arg38[%dma_start3A_241, %dma_start3A_242] : memref<10240x64xf32, #tpu.memory_space<vmem_shared>> -> memref<10240x64xf32, #tpu.memory_space<vmem_shared>>
      tpu.enqueue_indirect_dma source(%arg8 : memref<80x64xf32, #tpu.memory_space<vmem>>) target(%dma_start3A_243 : memref<10240x64xf32, #tpu.memory_space<vmem_shared>>) offsets(%dma_start3A_240 : memref<80xi32, #tpu.memory_space<vmem>>) semaphore(%arg28 : memref<!tpu.dma_semaphore, #tpu.memory_space<semaphore_mem>>) {add = true}
      %add3A_244 = arith.constant 0 : i32
      %add3A_245 = arith.addi %mul3A_227, %add3A_244 : i32
      %add3A_246 = arith.constant 1 : i32
      %add3A_247 = arith.addi %add3A_245, %add3A_246 : i32
      %dma_wait3A_248 = arith.constant 0 : i32
      %dma_wait3A_249 = tpu.memref_slice %arg6[%add3A_247, %dma_wait3A_248] : memref<125x80xi32, #tpu.memory_space<vmem>> -> memref<1x80xi32, #tpu.memory_space<vmem>>
      %dma_wait3A_250 = tpu.memref_squeeze %dma_wait3A_249 : memref<1x80xi32, #tpu.memory_space<vmem>> -> memref<80xi32, #tpu.memory_space<vmem>>
      %dma_wait3A_251 = arith.constant 0 : i32
      %dma_wait3A_252 = arith.constant 0 : i32
      %dma_wait3A_253 = tpu.memref_slice %arg2[%dma_wait3A_251, %dma_wait3A_252] : memref<10000x64xf32, #tpu.memory_space<hbm>> -> memref<10000x64xf32, #tpu.memory_space<hbm>>
      tpu.wait_indirect_dma semaphore(%arg19 : memref<!tpu.dma_semaphore, #tpu.memory_space<semaphore_mem>>) src(%dma_wait3A_253 : memref<10000x64xf32, #tpu.memory_space<hbm>>) dst(%arg9 : memref<80x64xf32, #tpu.memory_space<vmem>>)
      %dma_start3A_254 = arith.constant 0 : i32
      %dma_start3A_255 = tpu.memref_slice %arg7[%add3A_247, %dma_start3A_254] : memref<125x80xi32, #tpu.memory_space<vmem>> -> memref<1x80xi32, #tpu.memory_space<vmem>>
      %dma_start3A_256 = tpu.memref_squeeze %dma_start3A_255 : memref<1x80xi32, #tpu.memory_space<vmem>> -> memref<80xi32, #tpu.memory_space<vmem>>
      %dma_start3A_257 = arith.constant 0 : i32
      %dma_start3A_258 = arith.constant 0 : i32
      %dma_start3A_259 = tpu.memref_slice %arg38[%dma_start3A_257, %dma_start3A_258] : memref<10240x64xf32, #tpu.memory_space<vmem_shared>> -> memref<10240x64xf32, #tpu.memory_space<vmem_shared>>
      tpu.enqueue_indirect_dma source(%arg9 : memref<80x64xf32, #tpu.memory_space<vmem>>) target(%dma_start3A_259 : memref<10240x64xf32, #tpu.memory_space<vmem_shared>>) offsets(%dma_start3A_256 : memref<80xi32, #tpu.memory_space<vmem>>) semaphore(%arg29 : memref<!tpu.dma_semaphore, #tpu.memory_space<semaphore_mem>>) {add = true}
      %add3A_260 = arith.constant 0 : i32
      %add3A_261 = arith.addi %mul3A_227, %add3A_260 : i32
      %add3A_262 = arith.constant 2 : i32
      %add3A_263 = arith.addi %add3A_261, %add3A_262 : i32
      %dma_wait3A_264 = arith.constant 0 : i32
      %dma_wait3A_265 = tpu.memref_slice %arg6[%add3A_263, %dma_wait3A_264] : memref<125x80xi32, #tpu.memory_space<vmem>> -> memref<1x80xi32, #tpu.memory_space<vmem>>
      %dma_wait3A_266 = tpu.memref_squeeze %dma_wait3A_265 : memref<1x80xi32, #tpu.memory_space<vmem>> -> memref<80xi32, #tpu.memory_space<vmem>>
      %dma_wait3A_267 = arith.constant 0 : i32
      %dma_wait3A_268 = arith.constant 0 : i32
      %dma_wait3A_269 = tpu.memref_slice %arg2[%dma_wait3A_267, %dma_wait3A_268] : memref<10000x64xf32, #tpu.memory_space<hbm>> -> memref<10000x64xf32, #tpu.memory_space<hbm>>
      tpu.wait_indirect_dma semaphore(%arg20 : memref<!tpu.dma_semaphore, #tpu.memory_space<semaphore_mem>>) src(%dma_wait3A_269 : memref<10000x64xf32, #tpu.memory_space<hbm>>) dst(%arg10 : memref<80x64xf32, #tpu.memory_space<vmem>>)
      %dma_start3A_270 = arith.constant 0 : i32
      %dma_start3A_271 = tpu.memref_slice %arg7[%add3A_263, %dma_start3A_270] : memref<125x80xi32, #tpu.memory_space<vmem>> -> memref<1x80xi32, #tpu.memory_space<vmem>>
      %dma_start3A_272 = tpu.memref_squeeze %dma_start3A_271 : memref<1x80xi32, #tpu.memory_space<vmem>> -> memref<80xi32, #tpu.memory_space<vmem>>
      %dma_start3A_273 = arith.constant 0 : i32
      %dma_start3A_274 = arith.constant 0 : i32
      %dma_start3A_275 = tpu.memref_slice %arg38[%dma_start3A_273, %dma_start3A_274] : memref<10240x64xf32, #tpu.memory_space<vmem_shared>> -> memref<10240x64xf32, #tpu.memory_space<vmem_shared>>
      tpu.enqueue_indirect_dma source(%arg10 : memref<80x64xf32, #tpu.memory_space<vmem>>) target(%dma_start3A_275 : memref<10240x64xf32, #tpu.memory_space<vmem_shared>>) offsets(%dma_start3A_272 : memref<80xi32, #tpu.memory_space<vmem>>) semaphore(%arg30 : memref<!tpu.dma_semaphore, #tpu.memory_space<semaphore_mem>>) {add = true}
      %add3A_276 = arith.constant 0 : i32
      %add3A_277 = arith.addi %mul3A_227, %add3A_276 : i32
      %add3A_278 = arith.constant 3 : i32
      %add3A_279 = arith.addi %add3A_277, %add3A_278 : i32
      %dma_wait3A_280 = arith.constant 0 : i32
      %dma_wait3A_281 = tpu.memref_slice %arg6[%add3A_279, %dma_wait3A_280] : memref<125x80xi32, #tpu.memory_space<vmem>> -> memref<1x80xi32, #tpu.memory_space<vmem>>
      %dma_wait3A_282 = tpu.memref_squeeze %dma_wait3A_281 : memref<1x80xi32, #tpu.memory_space<vmem>> -> memref<80xi32, #tpu.memory_space<vmem>>
      %dma_wait3A_283 = arith.constant 0 : i32
      %dma_wait3A_284 = arith.constant 0 : i32
      %dma_wait3A_285 = tpu.memref_slice %arg2[%dma_wait3A_283, %dma_wait3A_284] : memref<10000x64xf32, #tpu.memory_space<hbm>> -> memref<10000x64xf32, #tpu.memory_space<hbm>>
      tpu.wait_indirect_dma semaphore(%arg21 : memref<!tpu.dma_semaphore, #tpu.memory_space<semaphore_mem>>) src(%dma_wait3A_285 : memref<10000x64xf32, #tpu.memory_space<hbm>>) dst(%arg11 : memref<80x64xf32, #tpu.memory_space<vmem>>)
      %dma_start3A_286 = arith.constant 0 : i32
      %dma_start3A_287 = tpu.memref_slice %arg7[%add3A_279, %dma_start3A_286] : memref<125x80xi32, #tpu.memory_space<vmem>> -> memref<1x80xi32, #tpu.memory_space<vmem>>
      %dma_start3A_288 = tpu.memref_squeeze %dma_start3A_287 : memref<1x80xi32, #tpu.memory_space<vmem>> -> memref<80xi32, #tpu.memory_space<vmem>>
      %dma_start3A_289 = arith.constant 0 : i32
      %dma_start3A_290 = arith.constant 0 : i32
      %dma_start3A_291 = tpu.memref_slice %arg38[%dma_start3A_289, %dma_start3A_290] : memref<10240x64xf32, #tpu.memory_space<vmem_shared>> -> memref<10240x64xf32, #tpu.memory_space<vmem_shared>>
      tpu.enqueue_indirect_dma source(%arg11 : memref<80x64xf32, #tpu.memory_space<vmem>>) target(%dma_start3A_291 : memref<10240x64xf32, #tpu.memory_space<vmem_shared>>) offsets(%dma_start3A_288 : memref<80xi32, #tpu.memory_space<vmem>>) semaphore(%arg31 : memref<!tpu.dma_semaphore, #tpu.memory_space<semaphore_mem>>) {add = true}
      %add3A_292 = arith.constant 0 : i32
      %add3A_293 = arith.addi %mul3A_227, %add3A_292 : i32
      %add3A_294 = arith.constant 4 : i32
      %add3A_295 = arith.addi %add3A_293, %add3A_294 : i32
      %dma_wait3A_296 = arith.constant 0 : i32
      %dma_wait3A_297 = tpu.memref_slice %arg6[%add3A_295, %dma_wait3A_296] : memref<125x80xi32, #tpu.memory_space<vmem>> -> memref<1x80xi32, #tpu.memory_space<vmem>>
      %dma_wait3A_298 = tpu.memref_squeeze %dma_wait3A_297 : memref<1x80xi32, #tpu.memory_space<vmem>> -> memref<80xi32, #tpu.memory_space<vmem>>
      %dma_wait3A_299 = arith.constant 0 : i32
      %dma_wait3A_300 = arith.constant 0 : i32
      %dma_wait3A_301 = tpu.memref_slice %arg2[%dma_wait3A_299, %dma_wait3A_300] : memref<10000x64xf32, #tpu.memory_space<hbm>> -> memref<10000x64xf32, #tpu.memory_space<hbm>>
      tpu.wait_indirect_dma semaphore(%arg22 : memref<!tpu.dma_semaphore, #tpu.memory_space<semaphore_mem>>) src(%dma_wait3A_301 : memref<10000x64xf32, #tpu.memory_space<hbm>>) dst(%arg12 : memref<80x64xf32, #tpu.memory_space<vmem>>)
      %dma_start3A_302 = arith.constant 0 : i32
      %dma_start3A_303 = tpu.memref_slice %arg7[%add3A_295, %dma_start3A_302] : memref<125x80xi32, #tpu.memory_space<vmem>> -> memref<1x80xi32, #tpu.memory_space<vmem>>
      %dma_start3A_304 = tpu.memref_squeeze %dma_start3A_303 : memref<1x80xi32, #tpu.memory_space<vmem>> -> memref<80xi32, #tpu.memory_space<vmem>>
      %dma_start3A_305 = arith.constant 0 : i32
      %dma_start3A_306 = arith.constant 0 : i32
      %dma_start3A_307 = tpu.memref_slice %arg38[%dma_start3A_305, %dma_start3A_306] : memref<10240x64xf32, #tpu.memory_space<vmem_shared>> -> memref<10240x64xf32, #tpu.memory_space<vmem_shared>>
      tpu.enqueue_indirect_dma source(%arg12 : memref<80x64xf32, #tpu.memory_space<vmem>>) target(%dma_start3A_307 : memref<10240x64xf32, #tpu.memory_space<vmem_shared>>) offsets(%dma_start3A_304 : memref<80xi32, #tpu.memory_space<vmem>>) semaphore(%arg32 : memref<!tpu.dma_semaphore, #tpu.memory_space<semaphore_mem>>) {add = true}
      %add3A_308 = arith.constant 0 : i32
      %add3A_309 = arith.addi %mul3A_227, %add3A_308 : i32
      %add3A_310 = arith.constant 0 : i32
      %add3A_311 = arith.addi %add3A_309, %add3A_310 : i32
      %add3A_312 = arith.constant 10 : i32
      %add3A_313 = arith.addi %add3A_311, %add3A_312 : i32
      %lt3A = arith.constant 125 : i32
      %lt3A_314 = arith.cmpi slt, %add3A_313, %lt3A : i32
      %convert_element_type3A = arith.extui %lt3A_314 : i1 to i32
      %cond3A = arith.constant 0 : i32
      %cond3A_315 = arith.cmpi ne, %convert_element_type3A, %cond3A : i32
      scf.if %cond3A_315 {
        %dma_wait3A_495 = arith.constant 0 : i32
        %dma_wait3A_496 = tpu.memref_slice %arg7[%add3A_311, %dma_wait3A_495] : memref<125x80xi32, #tpu.memory_space<vmem>> -> memref<1x80xi32, #tpu.memory_space<vmem>>
        %dma_wait3A_497 = tpu.memref_squeeze %dma_wait3A_496 : memref<1x80xi32, #tpu.memory_space<vmem>> -> memref<80xi32, #tpu.memory_space<vmem>>
        %dma_wait3A_498 = arith.constant 0 : i32
        %dma_wait3A_499 = arith.constant 0 : i32
        %dma_wait3A_500 = tpu.memref_slice %arg38[%dma_wait3A_498, %dma_wait3A_499] : memref<10240x64xf32, #tpu.memory_space<vmem_shared>> -> memref<10240x64xf32, #tpu.memory_space<vmem_shared>>
        tpu.wait_indirect_dma semaphore(%arg28 : memref<!tpu.dma_semaphore, #tpu.memory_space<semaphore_mem>>) src(%arg8 : memref<80x64xf32, #tpu.memory_space<vmem>>) dst(%dma_wait3A_500 : memref<10240x64xf32, #tpu.memory_space<vmem_shared>>)
        %dma_start3A_501 = arith.constant 0 : i32
        %dma_start3A_502 = tpu.memref_slice %arg6[%add3A_313, %dma_start3A_501] : memref<125x80xi32, #tpu.memory_space<vmem>> -> memref<1x80xi32, #tpu.memory_space<vmem>>
        %dma_start3A_503 = tpu.memref_squeeze %dma_start3A_502 : memref<1x80xi32, #tpu.memory_space<vmem>> -> memref<80xi32, #tpu.memory_space<vmem>>
        %dma_start3A_504 = arith.constant 0 : i32
        %dma_start3A_505 = arith.constant 0 : i32
        %dma_start3A_506 = tpu.memref_slice %arg2[%dma_start3A_504, %dma_start3A_505] : memref<10000x64xf32, #tpu.memory_space<hbm>> -> memref<10000x64xf32, #tpu.memory_space<hbm>>
        tpu.enqueue_indirect_dma source(%dma_start3A_506 : memref<10000x64xf32, #tpu.memory_space<hbm>>) target(%arg8 : memref<80x64xf32, #tpu.memory_space<vmem>>) offsets(%dma_start3A_503 : memref<80xi32, #tpu.memory_space<vmem>>) semaphore(%arg18 : memref<!tpu.dma_semaphore, #tpu.memory_space<semaphore_mem>>)
      } else {
      }
      %add3A_316 = arith.constant 0 : i32
      %add3A_317 = arith.addi %mul3A_227, %add3A_316 : i32
      %add3A_318 = arith.constant 1 : i32
      %add3A_319 = arith.addi %add3A_317, %add3A_318 : i32
      %add3A_320 = arith.constant 10 : i32
      %add3A_321 = arith.addi %add3A_319, %add3A_320 : i32
      %lt3A_322 = arith.constant 125 : i32
      %lt3A_323 = arith.cmpi slt, %add3A_321, %lt3A_322 : i32
      %convert_element_type3A_324 = arith.extui %lt3A_323 : i1 to i32
      %cond3A_325 = arith.constant 0 : i32
      %cond3A_326 = arith.cmpi ne, %convert_element_type3A_324, %cond3A_325 : i32
      scf.if %cond3A_326 {
        %dma_wait3A_495 = arith.constant 0 : i32
        %dma_wait3A_496 = tpu.memref_slice %arg7[%add3A_319, %dma_wait3A_495] : memref<125x80xi32, #tpu.memory_space<vmem>> -> memref<1x80xi32, #tpu.memory_space<vmem>>
        %dma_wait3A_497 = tpu.memref_squeeze %dma_wait3A_496 : memref<1x80xi32, #tpu.memory_space<vmem>> -> memref<80xi32, #tpu.memory_space<vmem>>
        %dma_wait3A_498 = arith.constant 0 : i32
        %dma_wait3A_499 = arith.constant 0 : i32
        %dma_wait3A_500 = tpu.memref_slice %arg38[%dma_wait3A_498, %dma_wait3A_499] : memref<10240x64xf32, #tpu.memory_space<vmem_shared>> -> memref<10240x64xf32, #tpu.memory_space<vmem_shared>>
        tpu.wait_indirect_dma semaphore(%arg29 : memref<!tpu.dma_semaphore, #tpu.memory_space<semaphore_mem>>) src(%arg9 : memref<80x64xf32, #tpu.memory_space<vmem>>) dst(%dma_wait3A_500 : memref<10240x64xf32, #tpu.memory_space<vmem_shared>>)
        %dma_start3A_501 = arith.constant 0 : i32
        %dma_start3A_502 = tpu.memref_slice %arg6[%add3A_321, %dma_start3A_501] : memref<125x80xi32, #tpu.memory_space<vmem>> -> memref<1x80xi32, #tpu.memory_space<vmem>>
        %dma_start3A_503 = tpu.memref_squeeze %dma_start3A_502 : memref<1x80xi32, #tpu.memory_space<vmem>> -> memref<80xi32, #tpu.memory_space<vmem>>
        %dma_start3A_504 = arith.constant 0 : i32
        %dma_start3A_505 = arith.constant 0 : i32
        %dma_start3A_506 = tpu.memref_slice %arg2[%dma_start3A_504, %dma_start3A_505] : memref<10000x64xf32, #tpu.memory_space<hbm>> -> memref<10000x64xf32, #tpu.memory_space<hbm>>
        tpu.enqueue_indirect_dma source(%dma_start3A_506 : memref<10000x64xf32, #tpu.memory_space<hbm>>) target(%arg9 : memref<80x64xf32, #tpu.memory_space<vmem>>) offsets(%dma_start3A_503 : memref<80xi32, #tpu.memory_space<vmem>>) semaphore(%arg19 : memref<!tpu.dma_semaphore, #tpu.memory_space<semaphore_mem>>)
      } else {
      }
      %add3A_327 = arith.constant 0 : i32
      %add3A_328 = arith.addi %mul3A_227, %add3A_327 : i32
      %add3A_329 = arith.constant 2 : i32
      %add3A_330 = arith.addi %add3A_328, %add3A_329 : i32
      %add3A_331 = arith.constant 10 : i32
      %add3A_332 = arith.addi %add3A_330, %add3A_331 : i32
      %lt3A_333 = arith.constant 125 : i32
      %lt3A_334 = arith.cmpi slt, %add3A_332, %lt3A_333 : i32
      %convert_element_type3A_335 = arith.extui %lt3A_334 : i1 to i32
      %cond3A_336 = arith.constant 0 : i32
      %cond3A_337 = arith.cmpi ne, %convert_element_type3A_335, %cond3A_336 : i32
      scf.if %cond3A_337 {
        %dma_wait3A_495 = arith.constant 0 : i32
        %dma_wait3A_496 = tpu.memref_slice %arg7[%add3A_330, %dma_wait3A_495] : memref<125x80xi32, #tpu.memory_space<vmem>> -> memref<1x80xi32, #tpu.memory_space<vmem>>
        %dma_wait3A_497 = tpu.memref_squeeze %dma_wait3A_496 : memref<1x80xi32, #tpu.memory_space<vmem>> -> memref<80xi32, #tpu.memory_space<vmem>>
        %dma_wait3A_498 = arith.constant 0 : i32
        %dma_wait3A_499 = arith.constant 0 : i32
        %dma_wait3A_500 = tpu.memref_slice %arg38[%dma_wait3A_498, %dma_wait3A_499] : memref<10240x64xf32, #tpu.memory_space<vmem_shared>> -> memref<10240x64xf32, #tpu.memory_space<vmem_shared>>
        tpu.wait_indirect_dma semaphore(%arg30 : memref<!tpu.dma_semaphore, #tpu.memory_space<semaphore_mem>>) src(%arg10 : memref<80x64xf32, #tpu.memory_space<vmem>>) dst(%dma_wait3A_500 : memref<10240x64xf32, #tpu.memory_space<vmem_shared>>)
        %dma_start3A_501 = arith.constant 0 : i32
        %dma_start3A_502 = tpu.memref_slice %arg6[%add3A_332, %dma_start3A_501] : memref<125x80xi32, #tpu.memory_space<vmem>> -> memref<1x80xi32, #tpu.memory_space<vmem>>
        %dma_start3A_503 = tpu.memref_squeeze %dma_start3A_502 : memref<1x80xi32, #tpu.memory_space<vmem>> -> memref<80xi32, #tpu.memory_space<vmem>>
        %dma_start3A_504 = arith.constant 0 : i32
        %dma_start3A_505 = arith.constant 0 : i32
        %dma_start3A_506 = tpu.memref_slice %arg2[%dma_start3A_504, %dma_start3A_505] : memref<10000x64xf32, #tpu.memory_space<hbm>> -> memref<10000x64xf32, #tpu.memory_space<hbm>>
        tpu.enqueue_indirect_dma source(%dma_start3A_506 : memref<10000x64xf32, #tpu.memory_space<hbm>>) target(%arg10 : memref<80x64xf32, #tpu.memory_space<vmem>>) offsets(%dma_start3A_503 : memref<80xi32, #tpu.memory_space<vmem>>) semaphore(%arg20 : memref<!tpu.dma_semaphore, #tpu.memory_space<semaphore_mem>>)
      } else {
      }
      %add3A_338 = arith.constant 0 : i32
      %add3A_339 = arith.addi %mul3A_227, %add3A_338 : i32
      %add3A_340 = arith.constant 3 : i32
      %add3A_341 = arith.addi %add3A_339, %add3A_340 : i32
      %add3A_342 = arith.constant 10 : i32
      %add3A_343 = arith.addi %add3A_341, %add3A_342 : i32
      %lt3A_344 = arith.constant 125 : i32
      %lt3A_345 = arith.cmpi slt, %add3A_343, %lt3A_344 : i32
      %convert_element_type3A_346 = arith.extui %lt3A_345 : i1 to i32
      %cond3A_347 = arith.constant 0 : i32
      %cond3A_348 = arith.cmpi ne, %convert_element_type3A_346, %cond3A_347 : i32
      scf.if %cond3A_348 {
        %dma_wait3A_495 = arith.constant 0 : i32
        %dma_wait3A_496 = tpu.memref_slice %arg7[%add3A_341, %dma_wait3A_495] : memref<125x80xi32, #tpu.memory_space<vmem>> -> memref<1x80xi32, #tpu.memory_space<vmem>>
        %dma_wait3A_497 = tpu.memref_squeeze %dma_wait3A_496 : memref<1x80xi32, #tpu.memory_space<vmem>> -> memref<80xi32, #tpu.memory_space<vmem>>
        %dma_wait3A_498 = arith.constant 0 : i32
        %dma_wait3A_499 = arith.constant 0 : i32
        %dma_wait3A_500 = tpu.memref_slice %arg38[%dma_wait3A_498, %dma_wait3A_499] : memref<10240x64xf32, #tpu.memory_space<vmem_shared>> -> memref<10240x64xf32, #tpu.memory_space<vmem_shared>>
        tpu.wait_indirect_dma semaphore(%arg31 : memref<!tpu.dma_semaphore, #tpu.memory_space<semaphore_mem>>) src(%arg11 : memref<80x64xf32, #tpu.memory_space<vmem>>) dst(%dma_wait3A_500 : memref<10240x64xf32, #tpu.memory_space<vmem_shared>>)
        %dma_start3A_501 = arith.constant 0 : i32
        %dma_start3A_502 = tpu.memref_slice %arg6[%add3A_343, %dma_start3A_501] : memref<125x80xi32, #tpu.memory_space<vmem>> -> memref<1x80xi32, #tpu.memory_space<vmem>>
        %dma_start3A_503 = tpu.memref_squeeze %dma_start3A_502 : memref<1x80xi32, #tpu.memory_space<vmem>> -> memref<80xi32, #tpu.memory_space<vmem>>
        %dma_start3A_504 = arith.constant 0 : i32
        %dma_start3A_505 = arith.constant 0 : i32
        %dma_start3A_506 = tpu.memref_slice %arg2[%dma_start3A_504, %dma_start3A_505] : memref<10000x64xf32, #tpu.memory_space<hbm>> -> memref<10000x64xf32, #tpu.memory_space<hbm>>
        tpu.enqueue_indirect_dma source(%dma_start3A_506 : memref<10000x64xf32, #tpu.memory_space<hbm>>) target(%arg11 : memref<80x64xf32, #tpu.memory_space<vmem>>) offsets(%dma_start3A_503 : memref<80xi32, #tpu.memory_space<vmem>>) semaphore(%arg21 : memref<!tpu.dma_semaphore, #tpu.memory_space<semaphore_mem>>)
      } else {
      }
      %add3A_349 = arith.constant 0 : i32
      %add3A_350 = arith.addi %mul3A_227, %add3A_349 : i32
      %add3A_351 = arith.constant 4 : i32
      %add3A_352 = arith.addi %add3A_350, %add3A_351 : i32
      %add3A_353 = arith.constant 10 : i32
      %add3A_354 = arith.addi %add3A_352, %add3A_353 : i32
      %lt3A_355 = arith.constant 125 : i32
      %lt3A_356 = arith.cmpi slt, %add3A_354, %lt3A_355 : i32
      %convert_element_type3A_357 = arith.extui %lt3A_356 : i1 to i32
      %cond3A_358 = arith.constant 0 : i32
      %cond3A_359 = arith.cmpi ne, %convert_element_type3A_357, %cond3A_358 : i32
      scf.if %cond3A_359 {
        %dma_wait3A_495 = arith.constant 0 : i32
        %dma_wait3A_496 = tpu.memref_slice %arg7[%add3A_352, %dma_wait3A_495] : memref<125x80xi32, #tpu.memory_space<vmem>> -> memref<1x80xi32, #tpu.memory_space<vmem>>
        %dma_wait3A_497 = tpu.memref_squeeze %dma_wait3A_496 : memref<1x80xi32, #tpu.memory_space<vmem>> -> memref<80xi32, #tpu.memory_space<vmem>>
        %dma_wait3A_498 = arith.constant 0 : i32
        %dma_wait3A_499 = arith.constant 0 : i32
        %dma_wait3A_500 = tpu.memref_slice %arg38[%dma_wait3A_498, %dma_wait3A_499] : memref<10240x64xf32, #tpu.memory_space<vmem_shared>> -> memref<10240x64xf32, #tpu.memory_space<vmem_shared>>
        tpu.wait_indirect_dma semaphore(%arg32 : memref<!tpu.dma_semaphore, #tpu.memory_space<semaphore_mem>>) src(%arg12 : memref<80x64xf32, #tpu.memory_space<vmem>>) dst(%dma_wait3A_500 : memref<10240x64xf32, #tpu.memory_space<vmem_shared>>)
        %dma_start3A_501 = arith.constant 0 : i32
        %dma_start3A_502 = tpu.memref_slice %arg6[%add3A_354, %dma_start3A_501] : memref<125x80xi32, #tpu.memory_space<vmem>> -> memref<1x80xi32, #tpu.memory_space<vmem>>
        %dma_start3A_503 = tpu.memref_squeeze %dma_start3A_502 : memref<1x80xi32, #tpu.memory_space<vmem>> -> memref<80xi32, #tpu.memory_space<vmem>>
        %dma_start3A_504 = arith.constant 0 : i32
        %dma_start3A_505 = arith.constant 0 : i32
        %dma_start3A_506 = tpu.memref_slice %arg2[%dma_start3A_504, %dma_start3A_505] : memref<10000x64xf32, #tpu.memory_space<hbm>> -> memref<10000x64xf32, #tpu.memory_space<hbm>>
        tpu.enqueue_indirect_dma source(%dma_start3A_506 : memref<10000x64xf32, #tpu.memory_space<hbm>>) target(%arg12 : memref<80x64xf32, #tpu.memory_space<vmem>>) offsets(%dma_start3A_503 : memref<80xi32, #tpu.memory_space<vmem>>) semaphore(%arg22 : memref<!tpu.dma_semaphore, #tpu.memory_space<semaphore_mem>>)
      } else {
      }
      %add3A_360 = arith.constant 5 : i32
      %add3A_361 = arith.addi %mul3A_227, %add3A_360 : i32
      %add3A_362 = arith.constant 0 : i32
      %add3A_363 = arith.addi %add3A_361, %add3A_362 : i32
      %dma_wait3A_364 = arith.constant 0 : i32
      %dma_wait3A_365 = tpu.memref_slice %arg6[%add3A_363, %dma_wait3A_364] : memref<125x80xi32, #tpu.memory_space<vmem>> -> memref<1x80xi32, #tpu.memory_space<vmem>>
      %dma_wait3A_366 = tpu.memref_squeeze %dma_wait3A_365 : memref<1x80xi32, #tpu.memory_space<vmem>> -> memref<80xi32, #tpu.memory_space<vmem>>
      %dma_wait3A_367 = arith.constant 0 : i32
      %dma_wait3A_368 = arith.constant 0 : i32
      %dma_wait3A_369 = tpu.memref_slice %arg2[%dma_wait3A_367, %dma_wait3A_368] : memref<10000x64xf32, #tpu.memory_space<hbm>> -> memref<10000x64xf32, #tpu.memory_space<hbm>>
      tpu.wait_indirect_dma semaphore(%arg23 : memref<!tpu.dma_semaphore, #tpu.memory_space<semaphore_mem>>) src(%dma_wait3A_369 : memref<10000x64xf32, #tpu.memory_space<hbm>>) dst(%arg13 : memref<80x64xf32, #tpu.memory_space<vmem>>)
      %dma_start3A_370 = arith.constant 0 : i32
      %dma_start3A_371 = tpu.memref_slice %arg7[%add3A_363, %dma_start3A_370] : memref<125x80xi32, #tpu.memory_space<vmem>> -> memref<1x80xi32, #tpu.memory_space<vmem>>
      %dma_start3A_372 = tpu.memref_squeeze %dma_start3A_371 : memref<1x80xi32, #tpu.memory_space<vmem>> -> memref<80xi32, #tpu.memory_space<vmem>>
      %dma_start3A_373 = arith.constant 0 : i32
      %dma_start3A_374 = arith.constant 0 : i32
      %dma_start3A_375 = tpu.memref_slice %arg38[%dma_start3A_373, %dma_start3A_374] : memref<10240x64xf32, #tpu.memory_space<vmem_shared>> -> memref<10240x64xf32, #tpu.memory_space<vmem_shared>>
      tpu.enqueue_indirect_dma source(%arg13 : memref<80x64xf32, #tpu.memory_space<vmem>>) target(%dma_start3A_375 : memref<10240x64xf32, #tpu.memory_space<vmem_shared>>) offsets(%dma_start3A_372 : memref<80xi32, #tpu.memory_space<vmem>>) semaphore(%arg33 : memref<!tpu.dma_semaphore, #tpu.memory_space<semaphore_mem>>) {add = true}
      %add3A_376 = arith.constant 5 : i32
      %add3A_377 = arith.addi %mul3A_227, %add3A_376 : i32
      %add3A_378 = arith.constant 1 : i32
      %add3A_379 = arith.addi %add3A_377, %add3A_378 : i32
      %dma_wait3A_380 = arith.constant 0 : i32
      %dma_wait3A_381 = tpu.memref_slice %arg6[%add3A_379, %dma_wait3A_380] : memref<125x80xi32, #tpu.memory_space<vmem>> -> memref<1x80xi32, #tpu.memory_space<vmem>>
      %dma_wait3A_382 = tpu.memref_squeeze %dma_wait3A_381 : memref<1x80xi32, #tpu.memory_space<vmem>> -> memref<80xi32, #tpu.memory_space<vmem>>
      %dma_wait3A_383 = arith.constant 0 : i32
      %dma_wait3A_384 = arith.constant 0 : i32
      %dma_wait3A_385 = tpu.memref_slice %arg2[%dma_wait3A_383, %dma_wait3A_384] : memref<10000x64xf32, #tpu.memory_space<hbm>> -> memref<10000x64xf32, #tpu.memory_space<hbm>>
      tpu.wait_indirect_dma semaphore(%arg24 : memref<!tpu.dma_semaphore, #tpu.memory_space<semaphore_mem>>) src(%dma_wait3A_385 : memref<10000x64xf32, #tpu.memory_space<hbm>>) dst(%arg14 : memref<80x64xf32, #tpu.memory_space<vmem>>)
      %dma_start3A_386 = arith.constant 0 : i32
      %dma_start3A_387 = tpu.memref_slice %arg7[%add3A_379, %dma_start3A_386] : memref<125x80xi32, #tpu.memory_space<vmem>> -> memref<1x80xi32, #tpu.memory_space<vmem>>
      %dma_start3A_388 = tpu.memref_squeeze %dma_start3A_387 : memref<1x80xi32, #tpu.memory_space<vmem>> -> memref<80xi32, #tpu.memory_space<vmem>>
      %dma_start3A_389 = arith.constant 0 : i32
      %dma_start3A_390 = arith.constant 0 : i32
      %dma_start3A_391 = tpu.memref_slice %arg38[%dma_start3A_389, %dma_start3A_390] : memref<10240x64xf32, #tpu.memory_space<vmem_shared>> -> memref<10240x64xf32, #tpu.memory_space<vmem_shared>>
      tpu.enqueue_indirect_dma source(%arg14 : memref<80x64xf32, #tpu.memory_space<vmem>>) target(%dma_start3A_391 : memref<10240x64xf32, #tpu.memory_space<vmem_shared>>) offsets(%dma_start3A_388 : memref<80xi32, #tpu.memory_space<vmem>>) semaphore(%arg34 : memref<!tpu.dma_semaphore, #tpu.memory_space<semaphore_mem>>) {add = true}
      %add3A_392 = arith.constant 5 : i32
      %add3A_393 = arith.addi %mul3A_227, %add3A_392 : i32
      %add3A_394 = arith.constant 2 : i32
      %add3A_395 = arith.addi %add3A_393, %add3A_394 : i32
      %dma_wait3A_396 = arith.constant 0 : i32
      %dma_wait3A_397 = tpu.memref_slice %arg6[%add3A_395, %dma_wait3A_396] : memref<125x80xi32, #tpu.memory_space<vmem>> -> memref<1x80xi32, #tpu.memory_space<vmem>>
      %dma_wait3A_398 = tpu.memref_squeeze %dma_wait3A_397 : memref<1x80xi32, #tpu.memory_space<vmem>> -> memref<80xi32, #tpu.memory_space<vmem>>
      %dma_wait3A_399 = arith.constant 0 : i32
      %dma_wait3A_400 = arith.constant 0 : i32
      %dma_wait3A_401 = tpu.memref_slice %arg2[%dma_wait3A_399, %dma_wait3A_400] : memref<10000x64xf32, #tpu.memory_space<hbm>> -> memref<10000x64xf32, #tpu.memory_space<hbm>>
      tpu.wait_indirect_dma semaphore(%arg25 : memref<!tpu.dma_semaphore, #tpu.memory_space<semaphore_mem>>) src(%dma_wait3A_401 : memref<10000x64xf32, #tpu.memory_space<hbm>>) dst(%arg15 : memref<80x64xf32, #tpu.memory_space<vmem>>)
      %dma_start3A_402 = arith.constant 0 : i32
      %dma_start3A_403 = tpu.memref_slice %arg7[%add3A_395, %dma_start3A_402] : memref<125x80xi32, #tpu.memory_space<vmem>> -> memref<1x80xi32, #tpu.memory_space<vmem>>
      %dma_start3A_404 = tpu.memref_squeeze %dma_start3A_403 : memref<1x80xi32, #tpu.memory_space<vmem>> -> memref<80xi32, #tpu.memory_space<vmem>>
      %dma_start3A_405 = arith.constant 0 : i32
      %dma_start3A_406 = arith.constant 0 : i32
      %dma_start3A_407 = tpu.memref_slice %arg38[%dma_start3A_405, %dma_start3A_406] : memref<10240x64xf32, #tpu.memory_space<vmem_shared>> -> memref<10240x64xf32, #tpu.memory_space<vmem_shared>>
      tpu.enqueue_indirect_dma source(%arg15 : memref<80x64xf32, #tpu.memory_space<vmem>>) target(%dma_start3A_407 : memref<10240x64xf32, #tpu.memory_space<vmem_shared>>) offsets(%dma_start3A_404 : memref<80xi32, #tpu.memory_space<vmem>>) semaphore(%arg35 : memref<!tpu.dma_semaphore, #tpu.memory_space<semaphore_mem>>) {add = true}
      %add3A_408 = arith.constant 5 : i32
      %add3A_409 = arith.addi %mul3A_227, %add3A_408 : i32
      %add3A_410 = arith.constant 3 : i32
      %add3A_411 = arith.addi %add3A_409, %add3A_410 : i32
      %dma_wait3A_412 = arith.constant 0 : i32
      %dma_wait3A_413 = tpu.memref_slice %arg6[%add3A_411, %dma_wait3A_412] : memref<125x80xi32, #tpu.memory_space<vmem>> -> memref<1x80xi32, #tpu.memory_space<vmem>>
      %dma_wait3A_414 = tpu.memref_squeeze %dma_wait3A_413 : memref<1x80xi32, #tpu.memory_space<vmem>> -> memref<80xi32, #tpu.memory_space<vmem>>
      %dma_wait3A_415 = arith.constant 0 : i32
      %dma_wait3A_416 = arith.constant 0 : i32
      %dma_wait3A_417 = tpu.memref_slice %arg2[%dma_wait3A_415, %dma_wait3A_416] : memref<10000x64xf32, #tpu.memory_space<hbm>> -> memref<10000x64xf32, #tpu.memory_space<hbm>>
      tpu.wait_indirect_dma semaphore(%arg26 : memref<!tpu.dma_semaphore, #tpu.memory_space<semaphore_mem>>) src(%dma_wait3A_417 : memref<10000x64xf32, #tpu.memory_space<hbm>>) dst(%arg16 : memref<80x64xf32, #tpu.memory_space<vmem>>)
      %dma_start3A_418 = arith.constant 0 : i32
      %dma_start3A_419 = tpu.memref_slice %arg7[%add3A_411, %dma_start3A_418] : memref<125x80xi32, #tpu.memory_space<vmem>> -> memref<1x80xi32, #tpu.memory_space<vmem>>
      %dma_start3A_420 = tpu.memref_squeeze %dma_start3A_419 : memref<1x80xi32, #tpu.memory_space<vmem>> -> memref<80xi32, #tpu.memory_space<vmem>>
      %dma_start3A_421 = arith.constant 0 : i32
      %dma_start3A_422 = arith.constant 0 : i32
      %dma_start3A_423 = tpu.memref_slice %arg38[%dma_start3A_421, %dma_start3A_422] : memref<10240x64xf32, #tpu.memory_space<vmem_shared>> -> memref<10240x64xf32, #tpu.memory_space<vmem_shared>>
      tpu.enqueue_indirect_dma source(%arg16 : memref<80x64xf32, #tpu.memory_space<vmem>>) target(%dma_start3A_423 : memref<10240x64xf32, #tpu.memory_space<vmem_shared>>) offsets(%dma_start3A_420 : memref<80xi32, #tpu.memory_space<vmem>>) semaphore(%arg36 : memref<!tpu.dma_semaphore, #tpu.memory_space<semaphore_mem>>) {add = true}
      %add3A_424 = arith.constant 5 : i32
      %add3A_425 = arith.addi %mul3A_227, %add3A_424 : i32
      %add3A_426 = arith.constant 4 : i32
      %add3A_427 = arith.addi %add3A_425, %add3A_426 : i32
      %dma_wait3A_428 = arith.constant 0 : i32
      %dma_wait3A_429 = tpu.memref_slice %arg6[%add3A_427, %dma_wait3A_428] : memref<125x80xi32, #tpu.memory_space<vmem>> -> memref<1x80xi32, #tpu.memory_space<vmem>>
      %dma_wait3A_430 = tpu.memref_squeeze %dma_wait3A_429 : memref<1x80xi32, #tpu.memory_space<vmem>> -> memref<80xi32, #tpu.memory_space<vmem>>
      %dma_wait3A_431 = arith.constant 0 : i32
      %dma_wait3A_432 = arith.constant 0 : i32
      %dma_wait3A_433 = tpu.memref_slice %arg2[%dma_wait3A_431, %dma_wait3A_432] : memref<10000x64xf32, #tpu.memory_space<hbm>> -> memref<10000x64xf32, #tpu.memory_space<hbm>>
      tpu.wait_indirect_dma semaphore(%arg27 : memref<!tpu.dma_semaphore, #tpu.memory_space<semaphore_mem>>) src(%dma_wait3A_433 : memref<10000x64xf32, #tpu.memory_space<hbm>>) dst(%arg17 : memref<80x64xf32, #tpu.memory_space<vmem>>)
      %dma_start3A_434 = arith.constant 0 : i32
      %dma_start3A_435 = tpu.memref_slice %arg7[%add3A_427, %dma_start3A_434] : memref<125x80xi32, #tpu.memory_space<vmem>> -> memref<1x80xi32, #tpu.memory_space<vmem>>
      %dma_start3A_436 = tpu.memref_squeeze %dma_start3A_435 : memref<1x80xi32, #tpu.memory_space<vmem>> -> memref<80xi32, #tpu.memory_space<vmem>>
      %dma_start3A_437 = arith.constant 0 : i32
      %dma_start3A_438 = arith.constant 0 : i32
      %dma_start3A_439 = tpu.memref_slice %arg38[%dma_start3A_437, %dma_start3A_438] : memref<10240x64xf32, #tpu.memory_space<vmem_shared>> -> memref<10240x64xf32, #tpu.memory_space<vmem_shared>>
      tpu.enqueue_indirect_dma source(%arg17 : memref<80x64xf32, #tpu.memory_space<vmem>>) target(%dma_start3A_439 : memref<10240x64xf32, #tpu.memory_space<vmem_shared>>) offsets(%dma_start3A_436 : memref<80xi32, #tpu.memory_space<vmem>>) semaphore(%arg37 : memref<!tpu.dma_semaphore, #tpu.memory_space<semaphore_mem>>) {add = true}
      %add3A_440 = arith.constant 5 : i32
      %add3A_441 = arith.addi %mul3A_227, %add3A_440 : i32
      %add3A_442 = arith.constant 0 : i32
      %add3A_443 = arith.addi %add3A_441, %add3A_442 : i32
      %add3A_444 = arith.constant 10 : i32
      %add3A_445 = arith.addi %add3A_443, %add3A_444 : i32
      %lt3A_446 = arith.constant 125 : i32
      %lt3A_447 = arith.cmpi slt, %add3A_445, %lt3A_446 : i32
      %convert_element_type3A_448 = arith.extui %lt3A_447 : i1 to i32
      %cond3A_449 = arith.constant 0 : i32
      %cond3A_450 = arith.cmpi ne, %convert_element_type3A_448, %cond3A_449 : i32
      scf.if %cond3A_450 {
        %dma_wait3A_495 = arith.constant 0 : i32
        %dma_wait3A_496 = tpu.memref_slice %arg7[%add3A_443, %dma_wait3A_495] : memref<125x80xi32, #tpu.memory_space<vmem>> -> memref<1x80xi32, #tpu.memory_space<vmem>>
        %dma_wait3A_497 = tpu.memref_squeeze %dma_wait3A_496 : memref<1x80xi32, #tpu.memory_space<vmem>> -> memref<80xi32, #tpu.memory_space<vmem>>
        %dma_wait3A_498 = arith.constant 0 : i32
        %dma_wait3A_499 = arith.constant 0 : i32
        %dma_wait3A_500 = tpu.memref_slice %arg38[%dma_wait3A_498, %dma_wait3A_499] : memref<10240x64xf32, #tpu.memory_space<vmem_shared>> -> memref<10240x64xf32, #tpu.memory_space<vmem_shared>>
        tpu.wait_indirect_dma semaphore(%arg33 : memref<!tpu.dma_semaphore, #tpu.memory_space<semaphore_mem>>) src(%arg13 : memref<80x64xf32, #tpu.memory_space<vmem>>) dst(%dma_wait3A_500 : memref<10240x64xf32, #tpu.memory_space<vmem_shared>>)
        %dma_start3A_501 = arith.constant 0 : i32
        %dma_start3A_502 = tpu.memref_slice %arg6[%add3A_445, %dma_start3A_501] : memref<125x80xi32, #tpu.memory_space<vmem>> -> memref<1x80xi32, #tpu.memory_space<vmem>>
        %dma_start3A_503 = tpu.memref_squeeze %dma_start3A_502 : memref<1x80xi32, #tpu.memory_space<vmem>> -> memref<80xi32, #tpu.memory_space<vmem>>
        %dma_start3A_504 = arith.constant 0 : i32
        %dma_start3A_505 = arith.constant 0 : i32
        %dma_start3A_506 = tpu.memref_slice %arg2[%dma_start3A_504, %dma_start3A_505] : memref<10000x64xf32, #tpu.memory_space<hbm>> -> memref<10000x64xf32, #tpu.memory_space<hbm>>
        tpu.enqueue_indirect_dma source(%dma_start3A_506 : memref<10000x64xf32, #tpu.memory_space<hbm>>) target(%arg13 : memref<80x64xf32, #tpu.memory_space<vmem>>) offsets(%dma_start3A_503 : memref<80xi32, #tpu.memory_space<vmem>>) semaphore(%arg23 : memref<!tpu.dma_semaphore, #tpu.memory_space<semaphore_mem>>)
      } else {
      }
      %add3A_451 = arith.constant 5 : i32
      %add3A_452 = arith.addi %mul3A_227, %add3A_451 : i32
      %add3A_453 = arith.constant 1 : i32
      %add3A_454 = arith.addi %add3A_452, %add3A_453 : i32
      %add3A_455 = arith.constant 10 : i32
      %add3A_456 = arith.addi %add3A_454, %add3A_455 : i32
      %lt3A_457 = arith.constant 125 : i32
      %lt3A_458 = arith.cmpi slt, %add3A_456, %lt3A_457 : i32
      %convert_element_type3A_459 = arith.extui %lt3A_458 : i1 to i32
      %cond3A_460 = arith.constant 0 : i32
      %cond3A_461 = arith.cmpi ne, %convert_element_type3A_459, %cond3A_460 : i32
      scf.if %cond3A_461 {
        %dma_wait3A_495 = arith.constant 0 : i32
        %dma_wait3A_496 = tpu.memref_slice %arg7[%add3A_454, %dma_wait3A_495] : memref<125x80xi32, #tpu.memory_space<vmem>> -> memref<1x80xi32, #tpu.memory_space<vmem>>
        %dma_wait3A_497 = tpu.memref_squeeze %dma_wait3A_496 : memref<1x80xi32, #tpu.memory_space<vmem>> -> memref<80xi32, #tpu.memory_space<vmem>>
        %dma_wait3A_498 = arith.constant 0 : i32
        %dma_wait3A_499 = arith.constant 0 : i32
        %dma_wait3A_500 = tpu.memref_slice %arg38[%dma_wait3A_498, %dma_wait3A_499] : memref<10240x64xf32, #tpu.memory_space<vmem_shared>> -> memref<10240x64xf32, #tpu.memory_space<vmem_shared>>
        tpu.wait_indirect_dma semaphore(%arg34 : memref<!tpu.dma_semaphore, #tpu.memory_space<semaphore_mem>>) src(%arg14 : memref<80x64xf32, #tpu.memory_space<vmem>>) dst(%dma_wait3A_500 : memref<10240x64xf32, #tpu.memory_space<vmem_shared>>)
        %dma_start3A_501 = arith.constant 0 : i32
        %dma_start3A_502 = tpu.memref_slice %arg6[%add3A_456, %dma_start3A_501] : memref<125x80xi32, #tpu.memory_space<vmem>> -> memref<1x80xi32, #tpu.memory_space<vmem>>
        %dma_start3A_503 = tpu.memref_squeeze %dma_start3A_502 : memref<1x80xi32, #tpu.memory_space<vmem>> -> memref<80xi32, #tpu.memory_space<vmem>>
        %dma_start3A_504 = arith.constant 0 : i32
        %dma_start3A_505 = arith.constant 0 : i32
        %dma_start3A_506 = tpu.memref_slice %arg2[%dma_start3A_504, %dma_start3A_505] : memref<10000x64xf32, #tpu.memory_space<hbm>> -> memref<10000x64xf32, #tpu.memory_space<hbm>>
        tpu.enqueue_indirect_dma source(%dma_start3A_506 : memref<10000x64xf32, #tpu.memory_space<hbm>>) target(%arg14 : memref<80x64xf32, #tpu.memory_space<vmem>>) offsets(%dma_start3A_503 : memref<80xi32, #tpu.memory_space<vmem>>) semaphore(%arg24 : memref<!tpu.dma_semaphore, #tpu.memory_space<semaphore_mem>>)
      } else {
      }
      %add3A_462 = arith.constant 5 : i32
      %add3A_463 = arith.addi %mul3A_227, %add3A_462 : i32
      %add3A_464 = arith.constant 2 : i32
      %add3A_465 = arith.addi %add3A_463, %add3A_464 : i32
      %add3A_466 = arith.constant 10 : i32
      %add3A_467 = arith.addi %add3A_465, %add3A_466 : i32
      %lt3A_468 = arith.constant 125 : i32
      %lt3A_469 = arith.cmpi slt, %add3A_467, %lt3A_468 : i32
      %convert_element_type3A_470 = arith.extui %lt3A_469 : i1 to i32
      %cond3A_471 = arith.constant 0 : i32
      %cond3A_472 = arith.cmpi ne, %convert_element_type3A_470, %cond3A_471 : i32
      scf.if %cond3A_472 {
        %dma_wait3A_495 = arith.constant 0 : i32
        %dma_wait3A_496 = tpu.memref_slice %arg7[%add3A_465, %dma_wait3A_495] : memref<125x80xi32, #tpu.memory_space<vmem>> -> memref<1x80xi32, #tpu.memory_space<vmem>>
        %dma_wait3A_497 = tpu.memref_squeeze %dma_wait3A_496 : memref<1x80xi32, #tpu.memory_space<vmem>> -> memref<80xi32, #tpu.memory_space<vmem>>
        %dma_wait3A_498 = arith.constant 0 : i32
        %dma_wait3A_499 = arith.constant 0 : i32
        %dma_wait3A_500 = tpu.memref_slice %arg38[%dma_wait3A_498, %dma_wait3A_499] : memref<10240x64xf32, #tpu.memory_space<vmem_shared>> -> memref<10240x64xf32, #tpu.memory_space<vmem_shared>>
        tpu.wait_indirect_dma semaphore(%arg35 : memref<!tpu.dma_semaphore, #tpu.memory_space<semaphore_mem>>) src(%arg15 : memref<80x64xf32, #tpu.memory_space<vmem>>) dst(%dma_wait3A_500 : memref<10240x64xf32, #tpu.memory_space<vmem_shared>>)
        %dma_start3A_501 = arith.constant 0 : i32
        %dma_start3A_502 = tpu.memref_slice %arg6[%add3A_467, %dma_start3A_501] : memref<125x80xi32, #tpu.memory_space<vmem>> -> memref<1x80xi32, #tpu.memory_space<vmem>>
        %dma_start3A_503 = tpu.memref_squeeze %dma_start3A_502 : memref<1x80xi32, #tpu.memory_space<vmem>> -> memref<80xi32, #tpu.memory_space<vmem>>
        %dma_start3A_504 = arith.constant 0 : i32
        %dma_start3A_505 = arith.constant 0 : i32
        %dma_start3A_506 = tpu.memref_slice %arg2[%dma_start3A_504, %dma_start3A_505] : memref<10000x64xf32, #tpu.memory_space<hbm>> -> memref<10000x64xf32, #tpu.memory_space<hbm>>
        tpu.enqueue_indirect_dma source(%dma_start3A_506 : memref<10000x64xf32, #tpu.memory_space<hbm>>) target(%arg15 : memref<80x64xf32, #tpu.memory_space<vmem>>) offsets(%dma_start3A_503 : memref<80xi32, #tpu.memory_space<vmem>>) semaphore(%arg25 : memref<!tpu.dma_semaphore, #tpu.memory_space<semaphore_mem>>)
      } else {
      }
      %add3A_473 = arith.constant 5 : i32
      %add3A_474 = arith.addi %mul3A_227, %add3A_473 : i32
      %add3A_475 = arith.constant 3 : i32
      %add3A_476 = arith.addi %add3A_474, %add3A_475 : i32
      %add3A_477 = arith.constant 10 : i32
      %add3A_478 = arith.addi %add3A_476, %add3A_477 : i32
      %lt3A_479 = arith.constant 125 : i32
      %lt3A_480 = arith.cmpi slt, %add3A_478, %lt3A_479 : i32
      %convert_element_type3A_481 = arith.extui %lt3A_480 : i1 to i32
      %cond3A_482 = arith.constant 0 : i32
      %cond3A_483 = arith.cmpi ne, %convert_element_type3A_481, %cond3A_482 : i32
      scf.if %cond3A_483 {
        %dma_wait3A_495 = arith.constant 0 : i32
        %dma_wait3A_496 = tpu.memref_slice %arg7[%add3A_476, %dma_wait3A_495] : memref<125x80xi32, #tpu.memory_space<vmem>> -> memref<1x80xi32, #tpu.memory_space<vmem>>
        %dma_wait3A_497 = tpu.memref_squeeze %dma_wait3A_496 : memref<1x80xi32, #tpu.memory_space<vmem>> -> memref<80xi32, #tpu.memory_space<vmem>>
        %dma_wait3A_498 = arith.constant 0 : i32
        %dma_wait3A_499 = arith.constant 0 : i32
        %dma_wait3A_500 = tpu.memref_slice %arg38[%dma_wait3A_498, %dma_wait3A_499] : memref<10240x64xf32, #tpu.memory_space<vmem_shared>> -> memref<10240x64xf32, #tpu.memory_space<vmem_shared>>
        tpu.wait_indirect_dma semaphore(%arg36 : memref<!tpu.dma_semaphore, #tpu.memory_space<semaphore_mem>>) src(%arg16 : memref<80x64xf32, #tpu.memory_space<vmem>>) dst(%dma_wait3A_500 : memref<10240x64xf32, #tpu.memory_space<vmem_shared>>)
        %dma_start3A_501 = arith.constant 0 : i32
        %dma_start3A_502 = tpu.memref_slice %arg6[%add3A_478, %dma_start3A_501] : memref<125x80xi32, #tpu.memory_space<vmem>> -> memref<1x80xi32, #tpu.memory_space<vmem>>
        %dma_start3A_503 = tpu.memref_squeeze %dma_start3A_502 : memref<1x80xi32, #tpu.memory_space<vmem>> -> memref<80xi32, #tpu.memory_space<vmem>>
        %dma_start3A_504 = arith.constant 0 : i32
        %dma_start3A_505 = arith.constant 0 : i32
        %dma_start3A_506 = tpu.memref_slice %arg2[%dma_start3A_504, %dma_start3A_505] : memref<10000x64xf32, #tpu.memory_space<hbm>> -> memref<10000x64xf32, #tpu.memory_space<hbm>>
        tpu.enqueue_indirect_dma source(%dma_start3A_506 : memref<10000x64xf32, #tpu.memory_space<hbm>>) target(%arg16 : memref<80x64xf32, #tpu.memory_space<vmem>>) offsets(%dma_start3A_503 : memref<80xi32, #tpu.memory_space<vmem>>) semaphore(%arg26 : memref<!tpu.dma_semaphore, #tpu.memory_space<semaphore_mem>>)
      } else {
      }
      %add3A_484 = arith.constant 5 : i32
      %add3A_485 = arith.addi %mul3A_227, %add3A_484 : i32
      %add3A_486 = arith.constant 4 : i32
      %add3A_487 = arith.addi %add3A_485, %add3A_486 : i32
      %add3A_488 = arith.constant 10 : i32
      %add3A_489 = arith.addi %add3A_487, %add3A_488 : i32
      %lt3A_490 = arith.constant 125 : i32
      %lt3A_491 = arith.cmpi slt, %add3A_489, %lt3A_490 : i32
      %convert_element_type3A_492 = arith.extui %lt3A_491 : i1 to i32
      %cond3A_493 = arith.constant 0 : i32
      %cond3A_494 = arith.cmpi ne, %convert_element_type3A_492, %cond3A_493 : i32
      scf.if %cond3A_494 {
        %dma_wait3A_495 = arith.constant 0 : i32
        %dma_wait3A_496 = tpu.memref_slice %arg7[%add3A_487, %dma_wait3A_495] : memref<125x80xi32, #tpu.memory_space<vmem>> -> memref<1x80xi32, #tpu.memory_space<vmem>>
        %dma_wait3A_497 = tpu.memref_squeeze %dma_wait3A_496 : memref<1x80xi32, #tpu.memory_space<vmem>> -> memref<80xi32, #tpu.memory_space<vmem>>
        %dma_wait3A_498 = arith.constant 0 : i32
        %dma_wait3A_499 = arith.constant 0 : i32
        %dma_wait3A_500 = tpu.memref_slice %arg38[%dma_wait3A_498, %dma_wait3A_499] : memref<10240x64xf32, #tpu.memory_space<vmem_shared>> -> memref<10240x64xf32, #tpu.memory_space<vmem_shared>>
        tpu.wait_indirect_dma semaphore(%arg37 : memref<!tpu.dma_semaphore, #tpu.memory_space<semaphore_mem>>) src(%arg17 : memref<80x64xf32, #tpu.memory_space<vmem>>) dst(%dma_wait3A_500 : memref<10240x64xf32, #tpu.memory_space<vmem_shared>>)
        %dma_start3A_501 = arith.constant 0 : i32
        %dma_start3A_502 = tpu.memref_slice %arg6[%add3A_489, %dma_start3A_501] : memref<125x80xi32, #tpu.memory_space<vmem>> -> memref<1x80xi32, #tpu.memory_space<vmem>>
        %dma_start3A_503 = tpu.memref_squeeze %dma_start3A_502 : memref<1x80xi32, #tpu.memory_space<vmem>> -> memref<80xi32, #tpu.memory_space<vmem>>
        %dma_start3A_504 = arith.constant 0 : i32
        %dma_start3A_505 = arith.constant 0 : i32
        %dma_start3A_506 = tpu.memref_slice %arg2[%dma_start3A_504, %dma_start3A_505] : memref<10000x64xf32, #tpu.memory_space<hbm>> -> memref<10000x64xf32, #tpu.memory_space<hbm>>
        tpu.enqueue_indirect_dma source(%dma_start3A_506 : memref<10000x64xf32, #tpu.memory_space<hbm>>) target(%arg17 : memref<80x64xf32, #tpu.memory_space<vmem>>) offsets(%dma_start3A_503 : memref<80xi32, #tpu.memory_space<vmem>>) semaphore(%arg27 : memref<!tpu.dma_semaphore, #tpu.memory_space<semaphore_mem>>)
      } else {
      }
    }
    %scan3A_80 = arith.constant 12 : i32
    %dma_wait3A = arith.constant 120 : i32
    %dma_wait3A_81 = arith.constant 0 : i32
    %dma_wait3A_82 = tpu.memref_slice %arg6[%dma_wait3A, %dma_wait3A_81] : memref<125x80xi32, #tpu.memory_space<vmem>> -> memref<1x80xi32, #tpu.memory_space<vmem>>
    %dma_wait3A_83 = tpu.memref_squeeze %dma_wait3A_82 : memref<1x80xi32, #tpu.memory_space<vmem>> -> memref<80xi32, #tpu.memory_space<vmem>>
    %dma_wait3A_84 = arith.constant 0 : i32
    %dma_wait3A_85 = arith.constant 0 : i32
    %dma_wait3A_86 = tpu.memref_slice %arg2[%dma_wait3A_84, %dma_wait3A_85] : memref<10000x64xf32, #tpu.memory_space<hbm>> -> memref<10000x64xf32, #tpu.memory_space<hbm>>
    tpu.wait_indirect_dma semaphore(%arg18 : memref<!tpu.dma_semaphore, #tpu.memory_space<semaphore_mem>>) src(%dma_wait3A_86 : memref<10000x64xf32, #tpu.memory_space<hbm>>) dst(%arg8 : memref<80x64xf32, #tpu.memory_space<vmem>>)
    %dma_start3A_87 = arith.constant 120 : i32
    %dma_start3A_88 = arith.constant 0 : i32
    %dma_start3A_89 = tpu.memref_slice %arg7[%dma_start3A_87, %dma_start3A_88] : memref<125x80xi32, #tpu.memory_space<vmem>> -> memref<1x80xi32, #tpu.memory_space<vmem>>
    %dma_start3A_90 = tpu.memref_squeeze %dma_start3A_89 : memref<1x80xi32, #tpu.memory_space<vmem>> -> memref<80xi32, #tpu.memory_space<vmem>>
    %dma_start3A_91 = arith.constant 0 : i32
    %dma_start3A_92 = arith.constant 0 : i32
    %dma_start3A_93 = tpu.memref_slice %arg38[%dma_start3A_91, %dma_start3A_92] : memref<10240x64xf32, #tpu.memory_space<vmem_shared>> -> memref<10240x64xf32, #tpu.memory_space<vmem_shared>>
    tpu.enqueue_indirect_dma source(%arg8 : memref<80x64xf32, #tpu.memory_space<vmem>>) target(%dma_start3A_93 : memref<10240x64xf32, #tpu.memory_space<vmem_shared>>) offsets(%dma_start3A_90 : memref<80xi32, #tpu.memory_space<vmem>>) semaphore(%arg28 : memref<!tpu.dma_semaphore, #tpu.memory_space<semaphore_mem>>) {add = true}
    %dma_wait3A_94 = arith.constant 121 : i32
    %dma_wait3A_95 = arith.constant 0 : i32
    %dma_wait3A_96 = tpu.memref_slice %arg6[%dma_wait3A_94, %dma_wait3A_95] : memref<125x80xi32, #tpu.memory_space<vmem>> -> memref<1x80xi32, #tpu.memory_space<vmem>>
    %dma_wait3A_97 = tpu.memref_squeeze %dma_wait3A_96 : memref<1x80xi32, #tpu.memory_space<vmem>> -> memref<80xi32, #tpu.memory_space<vmem>>
    %dma_wait3A_98 = arith.constant 0 : i32
    %dma_wait3A_99 = arith.constant 0 : i32
    %dma_wait3A_100 = tpu.memref_slice %arg2[%dma_wait3A_98, %dma_wait3A_99] : memref<10000x64xf32, #tpu.memory_space<hbm>> -> memref<10000x64xf32, #tpu.memory_space<hbm>>
    tpu.wait_indirect_dma semaphore(%arg19 : memref<!tpu.dma_semaphore, #tpu.memory_space<semaphore_mem>>) src(%dma_wait3A_100 : memref<10000x64xf32, #tpu.memory_space<hbm>>) dst(%arg9 : memref<80x64xf32, #tpu.memory_space<vmem>>)
    %dma_start3A_101 = arith.constant 121 : i32
    %dma_start3A_102 = arith.constant 0 : i32
    %dma_start3A_103 = tpu.memref_slice %arg7[%dma_start3A_101, %dma_start3A_102] : memref<125x80xi32, #tpu.memory_space<vmem>> -> memref<1x80xi32, #tpu.memory_space<vmem>>
    %dma_start3A_104 = tpu.memref_squeeze %dma_start3A_103 : memref<1x80xi32, #tpu.memory_space<vmem>> -> memref<80xi32, #tpu.memory_space<vmem>>
    %dma_start3A_105 = arith.constant 0 : i32
    %dma_start3A_106 = arith.constant 0 : i32
    %dma_start3A_107 = tpu.memref_slice %arg38[%dma_start3A_105, %dma_start3A_106] : memref<10240x64xf32, #tpu.memory_space<vmem_shared>> -> memref<10240x64xf32, #tpu.memory_space<vmem_shared>>
    tpu.enqueue_indirect_dma source(%arg9 : memref<80x64xf32, #tpu.memory_space<vmem>>) target(%dma_start3A_107 : memref<10240x64xf32, #tpu.memory_space<vmem_shared>>) offsets(%dma_start3A_104 : memref<80xi32, #tpu.memory_space<vmem>>) semaphore(%arg29 : memref<!tpu.dma_semaphore, #tpu.memory_space<semaphore_mem>>) {add = true}
    %dma_wait3A_108 = arith.constant 122 : i32
    %dma_wait3A_109 = arith.constant 0 : i32
    %dma_wait3A_110 = tpu.memref_slice %arg6[%dma_wait3A_108, %dma_wait3A_109] : memref<125x80xi32, #tpu.memory_space<vmem>> -> memref<1x80xi32, #tpu.memory_space<vmem>>
    %dma_wait3A_111 = tpu.memref_squeeze %dma_wait3A_110 : memref<1x80xi32, #tpu.memory_space<vmem>> -> memref<80xi32, #tpu.memory_space<vmem>>
    %dma_wait3A_112 = arith.constant 0 : i32
    %dma_wait3A_113 = arith.constant 0 : i32
    %dma_wait3A_114 = tpu.memref_slice %arg2[%dma_wait3A_112, %dma_wait3A_113] : memref<10000x64xf32, #tpu.memory_space<hbm>> -> memref<10000x64xf32, #tpu.memory_space<hbm>>
    tpu.wait_indirect_dma semaphore(%arg20 : memref<!tpu.dma_semaphore, #tpu.memory_space<semaphore_mem>>) src(%dma_wait3A_114 : memref<10000x64xf32, #tpu.memory_space<hbm>>) dst(%arg10 : memref<80x64xf32, #tpu.memory_space<vmem>>)
    %dma_start3A_115 = arith.constant 122 : i32
    %dma_start3A_116 = arith.constant 0 : i32
    %dma_start3A_117 = tpu.memref_slice %arg7[%dma_start3A_115, %dma_start3A_116] : memref<125x80xi32, #tpu.memory_space<vmem>> -> memref<1x80xi32, #tpu.memory_space<vmem>>
    %dma_start3A_118 = tpu.memref_squeeze %dma_start3A_117 : memref<1x80xi32, #tpu.memory_space<vmem>> -> memref<80xi32, #tpu.memory_space<vmem>>
    %dma_start3A_119 = arith.constant 0 : i32
    %dma_start3A_120 = arith.constant 0 : i32
    %dma_start3A_121 = tpu.memref_slice %arg38[%dma_start3A_119, %dma_start3A_120] : memref<10240x64xf32, #tpu.memory_space<vmem_shared>> -> memref<10240x64xf32, #tpu.memory_space<vmem_shared>>
    tpu.enqueue_indirect_dma source(%arg10 : memref<80x64xf32, #tpu.memory_space<vmem>>) target(%dma_start3A_121 : memref<10240x64xf32, #tpu.memory_space<vmem_shared>>) offsets(%dma_start3A_118 : memref<80xi32, #tpu.memory_space<vmem>>) semaphore(%arg30 : memref<!tpu.dma_semaphore, #tpu.memory_space<semaphore_mem>>) {add = true}
    %dma_wait3A_122 = arith.constant 123 : i32
    %dma_wait3A_123 = arith.constant 0 : i32
    %dma_wait3A_124 = tpu.memref_slice %arg6[%dma_wait3A_122, %dma_wait3A_123] : memref<125x80xi32, #tpu.memory_space<vmem>> -> memref<1x80xi32, #tpu.memory_space<vmem>>
    %dma_wait3A_125 = tpu.memref_squeeze %dma_wait3A_124 : memref<1x80xi32, #tpu.memory_space<vmem>> -> memref<80xi32, #tpu.memory_space<vmem>>
    %dma_wait3A_126 = arith.constant 0 : i32
    %dma_wait3A_127 = arith.constant 0 : i32
    %dma_wait3A_128 = tpu.memref_slice %arg2[%dma_wait3A_126, %dma_wait3A_127] : memref<10000x64xf32, #tpu.memory_space<hbm>> -> memref<10000x64xf32, #tpu.memory_space<hbm>>
    tpu.wait_indirect_dma semaphore(%arg21 : memref<!tpu.dma_semaphore, #tpu.memory_space<semaphore_mem>>) src(%dma_wait3A_128 : memref<10000x64xf32, #tpu.memory_space<hbm>>) dst(%arg11 : memref<80x64xf32, #tpu.memory_space<vmem>>)
    %dma_start3A_129 = arith.constant 123 : i32
    %dma_start3A_130 = arith.constant 0 : i32
    %dma_start3A_131 = tpu.memref_slice %arg7[%dma_start3A_129, %dma_start3A_130] : memref<125x80xi32, #tpu.memory_space<vmem>> -> memref<1x80xi32, #tpu.memory_space<vmem>>
    %dma_start3A_132 = tpu.memref_squeeze %dma_start3A_131 : memref<1x80xi32, #tpu.memory_space<vmem>> -> memref<80xi32, #tpu.memory_space<vmem>>
    %dma_start3A_133 = arith.constant 0 : i32
    %dma_start3A_134 = arith.constant 0 : i32
    %dma_start3A_135 = tpu.memref_slice %arg38[%dma_start3A_133, %dma_start3A_134] : memref<10240x64xf32, #tpu.memory_space<vmem_shared>> -> memref<10240x64xf32, #tpu.memory_space<vmem_shared>>
    tpu.enqueue_indirect_dma source(%arg11 : memref<80x64xf32, #tpu.memory_space<vmem>>) target(%dma_start3A_135 : memref<10240x64xf32, #tpu.memory_space<vmem_shared>>) offsets(%dma_start3A_132 : memref<80xi32, #tpu.memory_space<vmem>>) semaphore(%arg31 : memref<!tpu.dma_semaphore, #tpu.memory_space<semaphore_mem>>) {add = true}
    %dma_wait3A_136 = arith.constant 124 : i32
    %dma_wait3A_137 = arith.constant 0 : i32
    %dma_wait3A_138 = tpu.memref_slice %arg6[%dma_wait3A_136, %dma_wait3A_137] : memref<125x80xi32, #tpu.memory_space<vmem>> -> memref<1x80xi32, #tpu.memory_space<vmem>>
    %dma_wait3A_139 = tpu.memref_squeeze %dma_wait3A_138 : memref<1x80xi32, #tpu.memory_space<vmem>> -> memref<80xi32, #tpu.memory_space<vmem>>
    %dma_wait3A_140 = arith.constant 0 : i32
    %dma_wait3A_141 = arith.constant 0 : i32
    %dma_wait3A_142 = tpu.memref_slice %arg2[%dma_wait3A_140, %dma_wait3A_141] : memref<10000x64xf32, #tpu.memory_space<hbm>> -> memref<10000x64xf32, #tpu.memory_space<hbm>>
    tpu.wait_indirect_dma semaphore(%arg22 : memref<!tpu.dma_semaphore, #tpu.memory_space<semaphore_mem>>) src(%dma_wait3A_142 : memref<10000x64xf32, #tpu.memory_space<hbm>>) dst(%arg12 : memref<80x64xf32, #tpu.memory_space<vmem>>)
    %dma_start3A_143 = arith.constant 124 : i32
    %dma_start3A_144 = arith.constant 0 : i32
    %dma_start3A_145 = tpu.memref_slice %arg7[%dma_start3A_143, %dma_start3A_144] : memref<125x80xi32, #tpu.memory_space<vmem>> -> memref<1x80xi32, #tpu.memory_space<vmem>>
    %dma_start3A_146 = tpu.memref_squeeze %dma_start3A_145 : memref<1x80xi32, #tpu.memory_space<vmem>> -> memref<80xi32, #tpu.memory_space<vmem>>
    %dma_start3A_147 = arith.constant 0 : i32
    %dma_start3A_148 = arith.constant 0 : i32
    %dma_start3A_149 = tpu.memref_slice %arg38[%dma_start3A_147, %dma_start3A_148] : memref<10240x64xf32, #tpu.memory_space<vmem_shared>> -> memref<10240x64xf32, #tpu.memory_space<vmem_shared>>
    tpu.enqueue_indirect_dma source(%arg12 : memref<80x64xf32, #tpu.memory_space<vmem>>) target(%dma_start3A_149 : memref<10240x64xf32, #tpu.memory_space<vmem_shared>>) offsets(%dma_start3A_146 : memref<80xi32, #tpu.memory_space<vmem>>) semaphore(%arg32 : memref<!tpu.dma_semaphore, #tpu.memory_space<semaphore_mem>>) {add = true}
    %dma_wait3A_150 = arith.constant 115 : i32
    %dma_wait3A_151 = arith.constant 0 : i32
    %dma_wait3A_152 = tpu.memref_slice %arg7[%dma_wait3A_150, %dma_wait3A_151] : memref<125x80xi32, #tpu.memory_space<vmem>> -> memref<1x80xi32, #tpu.memory_space<vmem>>
    %dma_wait3A_153 = tpu.memref_squeeze %dma_wait3A_152 : memref<1x80xi32, #tpu.memory_space<vmem>> -> memref<80xi32, #tpu.memory_space<vmem>>
    %dma_wait3A_154 = arith.constant 0 : i32
    %dma_wait3A_155 = arith.constant 0 : i32
    %dma_wait3A_156 = tpu.memref_slice %arg38[%dma_wait3A_154, %dma_wait3A_155] : memref<10240x64xf32, #tpu.memory_space<vmem_shared>> -> memref<10240x64xf32, #tpu.memory_space<vmem_shared>>
    tpu.wait_indirect_dma semaphore(%arg33 : memref<!tpu.dma_semaphore, #tpu.memory_space<semaphore_mem>>) src(%arg13 : memref<80x64xf32, #tpu.memory_space<vmem>>) dst(%dma_wait3A_156 : memref<10240x64xf32, #tpu.memory_space<vmem_shared>>)
    %dma_wait3A_157 = arith.constant 116 : i32
    %dma_wait3A_158 = arith.constant 0 : i32
    %dma_wait3A_159 = tpu.memref_slice %arg7[%dma_wait3A_157, %dma_wait3A_158] : memref<125x80xi32, #tpu.memory_space<vmem>> -> memref<1x80xi32, #tpu.memory_space<vmem>>
    %dma_wait3A_160 = tpu.memref_squeeze %dma_wait3A_159 : memref<1x80xi32, #tpu.memory_space<vmem>> -> memref<80xi32, #tpu.memory_space<vmem>>
    %dma_wait3A_161 = arith.constant 0 : i32
    %dma_wait3A_162 = arith.constant 0 : i32
    %dma_wait3A_163 = tpu.memref_slice %arg38[%dma_wait3A_161, %dma_wait3A_162] : memref<10240x64xf32, #tpu.memory_space<vmem_shared>> -> memref<10240x64xf32, #tpu.memory_space<vmem_shared>>
    tpu.wait_indirect_dma semaphore(%arg34 : memref<!tpu.dma_semaphore, #tpu.memory_space<semaphore_mem>>) src(%arg14 : memref<80x64xf32, #tpu.memory_space<vmem>>) dst(%dma_wait3A_163 : memref<10240x64xf32, #tpu.memory_space<vmem_shared>>)
    %dma_wait3A_164 = arith.constant 117 : i32
    %dma_wait3A_165 = arith.constant 0 : i32
    %dma_wait3A_166 = tpu.memref_slice %arg7[%dma_wait3A_164, %dma_wait3A_165] : memref<125x80xi32, #tpu.memory_space<vmem>> -> memref<1x80xi32, #tpu.memory_space<vmem>>
    %dma_wait3A_167 = tpu.memref_squeeze %dma_wait3A_166 : memref<1x80xi32, #tpu.memory_space<vmem>> -> memref<80xi32, #tpu.memory_space<vmem>>
    %dma_wait3A_168 = arith.constant 0 : i32
    %dma_wait3A_169 = arith.constant 0 : i32
    %dma_wait3A_170 = tpu.memref_slice %arg38[%dma_wait3A_168, %dma_wait3A_169] : memref<10240x64xf32, #tpu.memory_space<vmem_shared>> -> memref<10240x64xf32, #tpu.memory_space<vmem_shared>>
    tpu.wait_indirect_dma semaphore(%arg35 : memref<!tpu.dma_semaphore, #tpu.memory_space<semaphore_mem>>) src(%arg15 : memref<80x64xf32, #tpu.memory_space<vmem>>) dst(%dma_wait3A_170 : memref<10240x64xf32, #tpu.memory_space<vmem_shared>>)
    %dma_wait3A_171 = arith.constant 118 : i32
    %dma_wait3A_172 = arith.constant 0 : i32
    %dma_wait3A_173 = tpu.memref_slice %arg7[%dma_wait3A_171, %dma_wait3A_172] : memref<125x80xi32, #tpu.memory_space<vmem>> -> memref<1x80xi32, #tpu.memory_space<vmem>>
    %dma_wait3A_174 = tpu.memref_squeeze %dma_wait3A_173 : memref<1x80xi32, #tpu.memory_space<vmem>> -> memref<80xi32, #tpu.memory_space<vmem>>
    %dma_wait3A_175 = arith.constant 0 : i32
    %dma_wait3A_176 = arith.constant 0 : i32
    %dma_wait3A_177 = tpu.memref_slice %arg38[%dma_wait3A_175, %dma_wait3A_176] : memref<10240x64xf32, #tpu.memory_space<vmem_shared>> -> memref<10240x64xf32, #tpu.memory_space<vmem_shared>>
    tpu.wait_indirect_dma semaphore(%arg36 : memref<!tpu.dma_semaphore, #tpu.memory_space<semaphore_mem>>) src(%arg16 : memref<80x64xf32, #tpu.memory_space<vmem>>) dst(%dma_wait3A_177 : memref<10240x64xf32, #tpu.memory_space<vmem_shared>>)
    %dma_wait3A_178 = arith.constant 119 : i32
    %dma_wait3A_179 = arith.constant 0 : i32
    %dma_wait3A_180 = tpu.memref_slice %arg7[%dma_wait3A_178, %dma_wait3A_179] : memref<125x80xi32, #tpu.memory_space<vmem>> -> memref<1x80xi32, #tpu.memory_space<vmem>>
    %dma_wait3A_181 = tpu.memref_squeeze %dma_wait3A_180 : memref<1x80xi32, #tpu.memory_space<vmem>> -> memref<80xi32, #tpu.memory_space<vmem>>
    %dma_wait3A_182 = arith.constant 0 : i32
    %dma_wait3A_183 = arith.constant 0 : i32
    %dma_wait3A_184 = tpu.memref_slice %arg38[%dma_wait3A_182, %dma_wait3A_183] : memref<10240x64xf32, #tpu.memory_space<vmem_shared>> -> memref<10240x64xf32, #tpu.memory_space<vmem_shared>>
    tpu.wait_indirect_dma semaphore(%arg37 : memref<!tpu.dma_semaphore, #tpu.memory_space<semaphore_mem>>) src(%arg17 : memref<80x64xf32, #tpu.memory_space<vmem>>) dst(%dma_wait3A_184 : memref<10240x64xf32, #tpu.memory_space<vmem_shared>>)
    %dma_wait3A_185 = arith.constant 120 : i32
    %dma_wait3A_186 = arith.constant 0 : i32
    %dma_wait3A_187 = tpu.memref_slice %arg7[%dma_wait3A_185, %dma_wait3A_186] : memref<125x80xi32, #tpu.memory_space<vmem>> -> memref<1x80xi32, #tpu.memory_space<vmem>>
    %dma_wait3A_188 = tpu.memref_squeeze %dma_wait3A_187 : memref<1x80xi32, #tpu.memory_space<vmem>> -> memref<80xi32, #tpu.memory_space<vmem>>
    %dma_wait3A_189 = arith.constant 0 : i32
    %dma_wait3A_190 = arith.constant 0 : i32
    %dma_wait3A_191 = tpu.memref_slice %arg38[%dma_wait3A_189, %dma_wait3A_190] : memref<10240x64xf32, #tpu.memory_space<vmem_shared>> -> memref<10240x64xf32, #tpu.memory_space<vmem_shared>>
    tpu.wait_indirect_dma semaphore(%arg28 : memref<!tpu.dma_semaphore, #tpu.memory_space<semaphore_mem>>) src(%arg8 : memref<80x64xf32, #tpu.memory_space<vmem>>) dst(%dma_wait3A_191 : memref<10240x64xf32, #tpu.memory_space<vmem_shared>>)
    %dma_wait3A_192 = arith.constant 121 : i32
    %dma_wait3A_193 = arith.constant 0 : i32
    %dma_wait3A_194 = tpu.memref_slice %arg7[%dma_wait3A_192, %dma_wait3A_193] : memref<125x80xi32, #tpu.memory_space<vmem>> -> memref<1x80xi32, #tpu.memory_space<vmem>>
    %dma_wait3A_195 = tpu.memref_squeeze %dma_wait3A_194 : memref<1x80xi32, #tpu.memory_space<vmem>> -> memref<80xi32, #tpu.memory_space<vmem>>
    %dma_wait3A_196 = arith.constant 0 : i32
    %dma_wait3A_197 = arith.constant 0 : i32
    %dma_wait3A_198 = tpu.memref_slice %arg38[%dma_wait3A_196, %dma_wait3A_197] : memref<10240x64xf32, #tpu.memory_space<vmem_shared>> -> memref<10240x64xf32, #tpu.memory_space<vmem_shared>>
    tpu.wait_indirect_dma semaphore(%arg29 : memref<!tpu.dma_semaphore, #tpu.memory_space<semaphore_mem>>) src(%arg9 : memref<80x64xf32, #tpu.memory_space<vmem>>) dst(%dma_wait3A_198 : memref<10240x64xf32, #tpu.memory_space<vmem_shared>>)
    %dma_wait3A_199 = arith.constant 122 : i32
    %dma_wait3A_200 = arith.constant 0 : i32
    %dma_wait3A_201 = tpu.memref_slice %arg7[%dma_wait3A_199, %dma_wait3A_200] : memref<125x80xi32, #tpu.memory_space<vmem>> -> memref<1x80xi32, #tpu.memory_space<vmem>>
    %dma_wait3A_202 = tpu.memref_squeeze %dma_wait3A_201 : memref<1x80xi32, #tpu.memory_space<vmem>> -> memref<80xi32, #tpu.memory_space<vmem>>
    %dma_wait3A_203 = arith.constant 0 : i32
    %dma_wait3A_204 = arith.constant 0 : i32
    %dma_wait3A_205 = tpu.memref_slice %arg38[%dma_wait3A_203, %dma_wait3A_204] : memref<10240x64xf32, #tpu.memory_space<vmem_shared>> -> memref<10240x64xf32, #tpu.memory_space<vmem_shared>>
    tpu.wait_indirect_dma semaphore(%arg30 : memref<!tpu.dma_semaphore, #tpu.memory_space<semaphore_mem>>) src(%arg10 : memref<80x64xf32, #tpu.memory_space<vmem>>) dst(%dma_wait3A_205 : memref<10240x64xf32, #tpu.memory_space<vmem_shared>>)
    %dma_wait3A_206 = arith.constant 123 : i32
    %dma_wait3A_207 = arith.constant 0 : i32
    %dma_wait3A_208 = tpu.memref_slice %arg7[%dma_wait3A_206, %dma_wait3A_207] : memref<125x80xi32, #tpu.memory_space<vmem>> -> memref<1x80xi32, #tpu.memory_space<vmem>>
    %dma_wait3A_209 = tpu.memref_squeeze %dma_wait3A_208 : memref<1x80xi32, #tpu.memory_space<vmem>> -> memref<80xi32, #tpu.memory_space<vmem>>
    %dma_wait3A_210 = arith.constant 0 : i32
    %dma_wait3A_211 = arith.constant 0 : i32
    %dma_wait3A_212 = tpu.memref_slice %arg38[%dma_wait3A_210, %dma_wait3A_211] : memref<10240x64xf32, #tpu.memory_space<vmem_shared>> -> memref<10240x64xf32, #tpu.memory_space<vmem_shared>>
    tpu.wait_indirect_dma semaphore(%arg31 : memref<!tpu.dma_semaphore, #tpu.memory_space<semaphore_mem>>) src(%arg11 : memref<80x64xf32, #tpu.memory_space<vmem>>) dst(%dma_wait3A_212 : memref<10240x64xf32, #tpu.memory_space<vmem_shared>>)
    %dma_wait3A_213 = arith.constant 124 : i32
    %dma_wait3A_214 = arith.constant 0 : i32
    %dma_wait3A_215 = tpu.memref_slice %arg7[%dma_wait3A_213, %dma_wait3A_214] : memref<125x80xi32, #tpu.memory_space<vmem>> -> memref<1x80xi32, #tpu.memory_space<vmem>>
    %dma_wait3A_216 = tpu.memref_squeeze %dma_wait3A_215 : memref<1x80xi32, #tpu.memory_space<vmem>> -> memref<80xi32, #tpu.memory_space<vmem>>
    %dma_wait3A_217 = arith.constant 0 : i32
    %dma_wait3A_218 = arith.constant 0 : i32
    %dma_wait3A_219 = tpu.memref_slice %arg38[%dma_wait3A_217, %dma_wait3A_218] : memref<10240x64xf32, #tpu.memory_space<vmem_shared>> -> memref<10240x64xf32, #tpu.memory_space<vmem_shared>>
    tpu.wait_indirect_dma semaphore(%arg32 : memref<!tpu.dma_semaphore, #tpu.memory_space<semaphore_mem>>) src(%arg12 : memref<80x64xf32, #tpu.memory_space<vmem>>) dst(%dma_wait3A_219 : memref<10240x64xf32, #tpu.memory_space<vmem_shared>>)
    %barrier3A_220 = arith.constant 0 : index
    tpu.barrier barrier_id(%barrier3A_220)
    "tpu.region"() ({
      %run_scoped3A_221 = tpu.sem_alloc : memref<!tpu.dma_semaphore, #tpu.memory_space<semaphore_mem>>
      %dma_start3A_222 = arith.constant 0 : i32
      %dma_start3A_223 = tpu.memref_slice %arg5[%arg0, %mul3A_0, %dma_start3A_222] : memref<2x10240x64xf32, #tpu.memory_space<hbm>> -> memref<1x640x64xf32, #tpu.memory_space<hbm>>
      %dma_start3A_224 = tpu.memref_squeeze %dma_start3A_223 : memref<1x640x64xf32, #tpu.memory_space<hbm>> -> memref<640x64xf32, #tpu.memory_space<hbm>>
      %dma_start3A_225 = arith.constant 0 : i32
      %dma_start3A_226 = tpu.memref_slice %arg38[%mul3A_0, %dma_start3A_225] : memref<10240x64xf32, #tpu.memory_space<vmem_shared>> -> memref<640x64xf32, #tpu.memory_space<vmem_shared>>
      tpu.enqueue_dma source(%dma_start3A_226 : memref<640x64xf32, #tpu.memory_space<vmem_shared>>) target(%dma_start3A_224 : memref<640x64xf32, #tpu.memory_space<hbm>>) target_semaphore(%run_scoped3A_221 : memref<!tpu.dma_semaphore, #tpu.memory_space<semaphore_mem>>)
      %dma_wait3A_227 = arith.constant 0 : i32
      %dma_wait3A_228 = tpu.memref_slice %arg5[%arg0, %mul3A_0, %dma_wait3A_227] : memref<2x10240x64xf32, #tpu.memory_space<hbm>> -> memref<1x640x64xf32, #tpu.memory_space<hbm>>
      %dma_wait3A_229 = tpu.memref_squeeze %dma_wait3A_228 : memref<1x640x64xf32, #tpu.memory_space<hbm>> -> memref<640x64xf32, #tpu.memory_space<hbm>>
      %dma_wait3A_230 = arith.constant 0 : i32
      %dma_wait3A_231 = tpu.memref_slice %arg38[%mul3A_0, %dma_wait3A_230] : memref<10240x64xf32, #tpu.memory_space<vmem_shared>> -> memref<640x64xf32, #tpu.memory_space<vmem_shared>>
      tpu.wait_dma2 semaphore(%run_scoped3A_221 : memref<!tpu.dma_semaphore, #tpu.memory_space<semaphore_mem>>) src(%dma_wait3A_231 : memref<640x64xf32, #tpu.memory_space<vmem_shared>>) dst(%dma_wait3A_229 : memref<640x64xf32, #tpu.memory_space<hbm>>)
      tpu.yield
    }) : () -> ()
    return
  }
}

#map = affine_map<(d0, d1) -> (0, 0, 0)>
#map1 = affine_map<(d0, d1) -> (0, 0)>
module attributes {stable_mosaic.version = 14 : i64} {
  func.func @deg(%arg0: i32, %arg1: i32, %arg2: memref<2x4000x80xi32, #tpu.memory_space<hbm>>, %arg3: memref<10240x16xf32, #tpu.memory_space<hbm>>, %arg4: memref<2x10240x16xf32, #tpu.memory_space<hbm>>, %arg5: memref<125x80xi32, #tpu.memory_space<vmem>>, %arg6: memref<80x16xf32, #tpu.memory_space<vmem>>, %arg7: memref<10240x16xf32, #tpu.memory_space<vmem_shared>>, %arg8: memref<!tpu.dma_semaphore, #tpu.memory_space<semaphore_mem>>) attributes {dimension_semantics = [#tpu.dimension_semantics<core_parallel>, #tpu.dimension_semantics<subcore_parallel>], iteration_bounds = array<i64: 2, 16>, scalar_prefetch = 0 : i64, scratch_operands = 4 : i64, tpu.core_type = #tpu.core_type<sc_vector_subcore>, window_params = [{transform_indices = #map}, {transform_indices = #map1}, {transform_indices = #map}]} {
    %mul3A = arith.constant 640 : i32
    %mul3A_0 = arith.muli %arg1, %mul3A : i32
    "tpu.region"() ({
      %run_scoped3A_20 = tpu.sem_alloc : memref<!tpu.dma_semaphore, #tpu.memory_space<semaphore_mem>>
      %dma_start3A = arith.constant 0 : i32
      %dma_start3A_21 = tpu.memref_slice %arg7[%mul3A_0, %dma_start3A] : memref<10240x16xf32, #tpu.memory_space<vmem_shared>> -> memref<640x16xf32, #tpu.memory_space<vmem_shared>>
      %dma_start3A_22 = arith.constant 0 : i32
      %dma_start3A_23 = tpu.memref_slice %arg3[%mul3A_0, %dma_start3A_22] : memref<10240x16xf32, #tpu.memory_space<hbm>> -> memref<640x16xf32, #tpu.memory_space<hbm>>
      tpu.enqueue_dma source(%dma_start3A_23 : memref<640x16xf32, #tpu.memory_space<hbm>>) target(%dma_start3A_21 : memref<640x16xf32, #tpu.memory_space<vmem_shared>>) target_semaphore(%run_scoped3A_20 : memref<!tpu.dma_semaphore, #tpu.memory_space<semaphore_mem>>)
      %dma_wait3A = arith.constant 0 : i32
      %dma_wait3A_24 = tpu.memref_slice %arg7[%mul3A_0, %dma_wait3A] : memref<10240x16xf32, #tpu.memory_space<vmem_shared>> -> memref<640x16xf32, #tpu.memory_space<vmem_shared>>
      %dma_wait3A_25 = arith.constant 0 : i32
      %dma_wait3A_26 = tpu.memref_slice %arg3[%mul3A_0, %dma_wait3A_25] : memref<10240x16xf32, #tpu.memory_space<hbm>> -> memref<640x16xf32, #tpu.memory_space<hbm>>
      tpu.wait_dma2 semaphore(%run_scoped3A_20 : memref<!tpu.dma_semaphore, #tpu.memory_space<semaphore_mem>>) src(%dma_wait3A_26 : memref<640x16xf32, #tpu.memory_space<hbm>>) dst(%dma_wait3A_24 : memref<640x16xf32, #tpu.memory_space<vmem_shared>>)
      tpu.yield
    }) : () -> ()
    %mul3A_1 = arith.constant 16 : i32
    %mul3A_2 = arith.muli %arg0, %mul3A_1 : i32
    %add3A = arith.addi %mul3A_2, %arg1 : i32
    %mul3A_3 = arith.constant 125 : i32
    %mul3A_4 = arith.muli %add3A, %mul3A_3 : i32
    %run_scoped3A = arith.constant 1 : i32
    "tpu.region"() ({
      %run_scoped3A_20 = tpu.sem_alloc : memref<!tpu.dma_semaphore, #tpu.memory_space<semaphore_mem>>
      %dma_start3A = arith.constant 0 : i32
      %dma_start3A_21 = tpu.memref_slice %arg2[%run_scoped3A, %mul3A_4, %dma_start3A] : memref<2x4000x80xi32, #tpu.memory_space<hbm>> -> memref<1x125x80xi32, #tpu.memory_space<hbm>>
      %dma_start3A_22 = tpu.memref_squeeze %dma_start3A_21 : memref<1x125x80xi32, #tpu.memory_space<hbm>> -> memref<125x80xi32, #tpu.memory_space<hbm>>
      %dma_start3A_23 = arith.constant 0 : i32
      %dma_start3A_24 = tpu.memref_slice %arg2[%run_scoped3A, %mul3A_4, %dma_start3A_23] : memref<2x4000x80xi32, #tpu.memory_space<hbm>> -> memref<1x125x80xi32, #tpu.memory_space<hbm>>
      %dma_start3A_25 = tpu.memref_squeeze %dma_start3A_24 : memref<1x125x80xi32, #tpu.memory_space<hbm>> -> memref<125x80xi32, #tpu.memory_space<hbm>>
      tpu.enqueue_dma source(%dma_start3A_25 : memref<125x80xi32, #tpu.memory_space<hbm>>) target(%arg5 : memref<125x80xi32, #tpu.memory_space<vmem>>) target_semaphore(%run_scoped3A_20 : memref<!tpu.dma_semaphore, #tpu.memory_space<semaphore_mem>>)
      %dma_wait3A = arith.constant 0 : i32
      %dma_wait3A_26 = tpu.memref_slice %arg2[%run_scoped3A, %mul3A_4, %dma_wait3A] : memref<2x4000x80xi32, #tpu.memory_space<hbm>> -> memref<1x125x80xi32, #tpu.memory_space<hbm>>
      %dma_wait3A_27 = tpu.memref_squeeze %dma_wait3A_26 : memref<1x125x80xi32, #tpu.memory_space<hbm>> -> memref<125x80xi32, #tpu.memory_space<hbm>>
      %dma_wait3A_28 = arith.constant 0 : i32
      %dma_wait3A_29 = tpu.memref_slice %arg2[%run_scoped3A, %mul3A_4, %dma_wait3A_28] : memref<2x4000x80xi32, #tpu.memory_space<hbm>> -> memref<1x125x80xi32, #tpu.memory_space<hbm>>
      %dma_wait3A_30 = tpu.memref_squeeze %dma_wait3A_29 : memref<1x125x80xi32, #tpu.memory_space<hbm>> -> memref<125x80xi32, #tpu.memory_space<hbm>>
      tpu.wait_dma2 semaphore(%run_scoped3A_20 : memref<!tpu.dma_semaphore, #tpu.memory_space<semaphore_mem>>) src(%dma_wait3A_30 : memref<125x80xi32, #tpu.memory_space<hbm>>) dst(%arg5 : memref<125x80xi32, #tpu.memory_space<vmem>>)
      tpu.yield
    }) : () -> ()
    %scan3A = arith.constant 0 : i32
    %scan3A_5 = arith.constant 80 : i32
    %scan3A_6 = arith.addi %scan3A, %scan3A_5 : i32
    %scan3A_7 = arith.constant 1 : i32
    scf.for %scan3A_20 = %scan3A to %scan3A_6 step %scan3A_7  : i32 {
      %mul3A_21 = arith.constant 1 : i32
      %mul3A_22 = arith.muli %scan3A_20, %mul3A_21 : i32
      %add3A_23 = arith.constant 0 : i32
      %add3A_24 = arith.addi %add3A_23, %mul3A_22 : i32
      %broadcast_in_dim3A = arith.constant 1.000000e+00 : f32
      %broadcast_in_dim3A_25 = vector.broadcast %broadcast_in_dim3A : f32 to vector<16xf32>
      %swap3A = arith.index_cast %add3A_24 : i32 to index
      %swap3A_26 = arith.constant 0 : index
      %swap3A_27 = tpu.vector_load %arg6[%swap3A, %swap3A_26] {strides = array<i32>} : memref<80x16xf32, #tpu.memory_space<vmem>>, vector<1x16xf32>,
      %swap3A_28 = vector.shape_cast %swap3A_27 : vector<1x16xf32> to vector<16xf32>
      %swap3A_29 = vector.shape_cast %broadcast_in_dim3A_25 : vector<16xf32> to vector<1x16xf32>
      tpu.vector_store %arg6[%swap3A, %swap3A_26], %swap3A_29 {strides = array<i32>} : memref<80x16xf32, #tpu.memory_space<vmem>>, vector<1x16xf32>,
    }
    %scan3A_8 = arith.constant 80 : i32
    %barrier3A = arith.constant 0 : index
    tpu.barrier barrier_id(%barrier3A)
    %scan3A_9 = arith.constant 0 : i32
    %scan3A_10 = arith.constant 125 : i32
    %scan3A_11 = arith.addi %scan3A_9, %scan3A_10 : i32
    %scan3A_12 = arith.constant 1 : i32
    scf.for %scan3A_20 = %scan3A_9 to %scan3A_11 step %scan3A_12  : i32 {
      %mul3A_21 = arith.constant 1 : i32
      %mul3A_22 = arith.muli %scan3A_20, %mul3A_21 : i32
      %add3A_23 = arith.constant 0 : i32
      %add3A_24 = arith.addi %add3A_23, %mul3A_22 : i32
      %dma_start3A = arith.constant 0 : i32
      %dma_start3A_25 = tpu.memref_slice %arg5[%add3A_24, %dma_start3A] : memref<125x80xi32, #tpu.memory_space<vmem>> -> memref<1x80xi32, #tpu.memory_space<vmem>>
      %dma_start3A_26 = tpu.memref_squeeze %dma_start3A_25 : memref<1x80xi32, #tpu.memory_space<vmem>> -> memref<80xi32, #tpu.memory_space<vmem>>
      %dma_start3A_27 = arith.constant 0 : i32
      %dma_start3A_28 = arith.constant 0 : i32
      %dma_start3A_29 = tpu.memref_slice %arg7[%dma_start3A_27, %dma_start3A_28] : memref<10240x16xf32, #tpu.memory_space<vmem_shared>> -> memref<10240x16xf32, #tpu.memory_space<vmem_shared>>
      tpu.enqueue_indirect_dma source(%arg6 : memref<80x16xf32, #tpu.memory_space<vmem>>) target(%dma_start3A_29 : memref<10240x16xf32, #tpu.memory_space<vmem_shared>>) offsets(%dma_start3A_26 : memref<80xi32, #tpu.memory_space<vmem>>) semaphore(%arg8 : memref<!tpu.dma_semaphore, #tpu.memory_space<semaphore_mem>>) {add = true}
    }
    %scan3A_13 = arith.constant 125 : i32
    %scan3A_14 = arith.constant 0 : i32
    %scan3A_15 = arith.constant 125 : i32
    %scan3A_16 = arith.addi %scan3A_14, %scan3A_15 : i32
    %scan3A_17 = arith.constant 1 : i32
    scf.for %scan3A_20 = %scan3A_14 to %scan3A_16 step %scan3A_17  : i32 {
      %mul3A_21 = arith.constant 1 : i32
      %mul3A_22 = arith.muli %scan3A_20, %mul3A_21 : i32
      %add3A_23 = arith.constant 0 : i32
      %add3A_24 = arith.addi %add3A_23, %mul3A_22 : i32
      %dma_wait3A = arith.constant 0 : i32
      %dma_wait3A_25 = tpu.memref_slice %arg5[%add3A_24, %dma_wait3A] : memref<125x80xi32, #tpu.memory_space<vmem>> -> memref<1x80xi32, #tpu.memory_space<vmem>>
      %dma_wait3A_26 = tpu.memref_squeeze %dma_wait3A_25 : memref<1x80xi32, #tpu.memory_space<vmem>> -> memref<80xi32, #tpu.memory_space<vmem>>
      %dma_wait3A_27 = arith.constant 0 : i32
      %dma_wait3A_28 = arith.constant 0 : i32
      %dma_wait3A_29 = tpu.memref_slice %arg7[%dma_wait3A_27, %dma_wait3A_28] : memref<10240x16xf32, #tpu.memory_space<vmem_shared>> -> memref<10240x16xf32, #tpu.memory_space<vmem_shared>>
      tpu.wait_indirect_dma semaphore(%arg8 : memref<!tpu.dma_semaphore, #tpu.memory_space<semaphore_mem>>) src(%arg6 : memref<80x16xf32, #tpu.memory_space<vmem>>) dst(%dma_wait3A_29 : memref<10240x16xf32, #tpu.memory_space<vmem_shared>>)
    }
    %scan3A_18 = arith.constant 125 : i32
    %barrier3A_19 = arith.constant 0 : index
    tpu.barrier barrier_id(%barrier3A_19)
    "tpu.region"() ({
      %run_scoped3A_20 = tpu.sem_alloc : memref<!tpu.dma_semaphore, #tpu.memory_space<semaphore_mem>>
      %dma_start3A = arith.constant 0 : i32
      %dma_start3A_21 = tpu.memref_slice %arg4[%arg0, %mul3A_0, %dma_start3A] : memref<2x10240x16xf32, #tpu.memory_space<hbm>> -> memref<1x640x16xf32, #tpu.memory_space<hbm>>
      %dma_start3A_22 = tpu.memref_squeeze %dma_start3A_21 : memref<1x640x16xf32, #tpu.memory_space<hbm>> -> memref<640x16xf32, #tpu.memory_space<hbm>>
      %dma_start3A_23 = arith.constant 0 : i32
      %dma_start3A_24 = tpu.memref_slice %arg7[%mul3A_0, %dma_start3A_23] : memref<10240x16xf32, #tpu.memory_space<vmem_shared>> -> memref<640x16xf32, #tpu.memory_space<vmem_shared>>
      tpu.enqueue_dma source(%dma_start3A_24 : memref<640x16xf32, #tpu.memory_space<vmem_shared>>) target(%dma_start3A_22 : memref<640x16xf32, #tpu.memory_space<hbm>>) target_semaphore(%run_scoped3A_20 : memref<!tpu.dma_semaphore, #tpu.memory_space<semaphore_mem>>)
      %dma_wait3A = arith.constant 0 : i32
      %dma_wait3A_25 = tpu.memref_slice %arg4[%arg0, %mul3A_0, %dma_wait3A] : memref<2x10240x16xf32, #tpu.memory_space<hbm>> -> memref<1x640x16xf32, #tpu.memory_space<hbm>>
      %dma_wait3A_26 = tpu.memref_squeeze %dma_wait3A_25 : memref<1x640x16xf32, #tpu.memory_space<hbm>> -> memref<640x16xf32, #tpu.memory_space<hbm>>
      %dma_wait3A_27 = arith.constant 0 : i32
      %dma_wait3A_28 = tpu.memref_slice %arg7[%mul3A_0, %dma_wait3A_27] : memref<10240x16xf32, #tpu.memory_space<vmem_shared>> -> memref<640x16xf32, #tpu.memory_space<vmem_shared>>
      tpu.wait_dma2 semaphore(%run_scoped3A_20 : memref<!tpu.dma_semaphore, #tpu.memory_space<semaphore_mem>>) src(%dma_wait3A_28 : memref<640x16xf32, #tpu.memory_space<vmem_shared>>) dst(%dma_wait3A_26 : memref<640x16xf32, #tpu.memory_space<hbm>>)
      tpu.yield
    }) : () -> ()
    return
  }
}

#map = affine_map<(d0, d1) -> (0, 0)>
#map1 = affine_map<(d0, d1) -> (0, 0, 0)>
module attributes {stable_mosaic.version = 14 : i64} {
  func.func @agg(%arg0: i32, %arg1: i32, %arg2: memref<10000x16xf32, #tpu.memory_space<hbm>>, %arg3: memref<2x4000x80xi32, #tpu.memory_space<hbm>>, %arg4: memref<10240x16xf32, #tpu.memory_space<hbm>>, %arg5: memref<2x10240x16xf32, #tpu.memory_space<hbm>>, %arg6: memref<125x80xi32, #tpu.memory_space<vmem>>, %arg7: memref<125x80xi32, #tpu.memory_space<vmem>>, %arg8: memref<80x16xf32, #tpu.memory_space<vmem>>, %arg9: memref<80x16xf32, #tpu.memory_space<vmem>>, %arg10: memref<80x16xf32, #tpu.memory_space<vmem>>, %arg11: memref<80x16xf32, #tpu.memory_space<vmem>>, %arg12: memref<80x16xf32, #tpu.memory_space<vmem>>, %arg13: memref<80x16xf32, #tpu.memory_space<vmem>>, %arg14: memref<80x16xf32, #tpu.memory_space<vmem>>, %arg15: memref<80x16xf32, #tpu.memory_space<vmem>>, %arg16: memref<80x16xf32, #tpu.memory_space<vmem>>, %arg17: memref<80x16xf32, #tpu.memory_space<vmem>>, %arg18: memref<!tpu.dma_semaphore, #tpu.memory_space<semaphore_mem>>, %arg19: memref<!tpu.dma_semaphore, #tpu.memory_space<semaphore_mem>>, %arg20: memref<!tpu.dma_semaphore, #tpu.memory_space<semaphore_mem>>, %arg21: memref<!tpu.dma_semaphore, #tpu.memory_space<semaphore_mem>>, %arg22: memref<!tpu.dma_semaphore, #tpu.memory_space<semaphore_mem>>, %arg23: memref<!tpu.dma_semaphore, #tpu.memory_space<semaphore_mem>>, %arg24: memref<!tpu.dma_semaphore, #tpu.memory_space<semaphore_mem>>, %arg25: memref<!tpu.dma_semaphore, #tpu.memory_space<semaphore_mem>>, %arg26: memref<!tpu.dma_semaphore, #tpu.memory_space<semaphore_mem>>, %arg27: memref<!tpu.dma_semaphore, #tpu.memory_space<semaphore_mem>>, %arg28: memref<!tpu.dma_semaphore, #tpu.memory_space<semaphore_mem>>, %arg29: memref<!tpu.dma_semaphore, #tpu.memory_space<semaphore_mem>>, %arg30: memref<!tpu.dma_semaphore, #tpu.memory_space<semaphore_mem>>, %arg31: memref<!tpu.dma_semaphore, #tpu.memory_space<semaphore_mem>>, %arg32: memref<!tpu.dma_semaphore, #tpu.memory_space<semaphore_mem>>, %arg33: memref<!tpu.dma_semaphore, #tpu.memory_space<semaphore_mem>>, %arg34: memref<!tpu.dma_semaphore, #tpu.memory_space<semaphore_mem>>, %arg35: memref<!tpu.dma_semaphore, #tpu.memory_space<semaphore_mem>>, %arg36: memref<!tpu.dma_semaphore, #tpu.memory_space<semaphore_mem>>, %arg37: memref<!tpu.dma_semaphore, #tpu.memory_space<semaphore_mem>>, %arg38: memref<10240x16xf32, #tpu.memory_space<vmem_shared>>) attributes {dimension_semantics = [#tpu.dimension_semantics<core_parallel>, #tpu.dimension_semantics<subcore_parallel>], iteration_bounds = array<i64: 2, 16>, scalar_prefetch = 0 : i64, scratch_operands = 33 : i64, tpu.core_type = #tpu.core_type<sc_vector_subcore>, window_params = [{transform_indices = #map}, {transform_indices = #map1}, {transform_indices = #map}, {transform_indices = #map1}]} {
    %mul3A = arith.constant 640 : i32
    %mul3A_0 = arith.muli %arg1, %mul3A : i32
    "tpu.region"() ({
      %run_scoped3A_221 = tpu.sem_alloc : memref<!tpu.dma_semaphore, #tpu.memory_space<semaphore_mem>>
      %dma_start3A_222 = arith.constant 0 : i32
      %dma_start3A_223 = tpu.memref_slice %arg38[%mul3A_0, %dma_start3A_222] : memref<10240x16xf32, #tpu.memory_space<vmem_shared>> -> memref<640x16xf32, #tpu.memory_space<vmem_shared>>
      %dma_start3A_224 = arith.constant 0 : i32
      %dma_start3A_225 = tpu.memref_slice %arg4[%mul3A_0, %dma_start3A_224] : memref<10240x16xf32, #tpu.memory_space<hbm>> -> memref<640x16xf32, #tpu.memory_space<hbm>>
      tpu.enqueue_dma source(%dma_start3A_225 : memref<640x16xf32, #tpu.memory_space<hbm>>) target(%dma_start3A_223 : memref<640x16xf32, #tpu.memory_space<vmem_shared>>) target_semaphore(%run_scoped3A_221 : memref<!tpu.dma_semaphore, #tpu.memory_space<semaphore_mem>>)
      %dma_wait3A_226 = arith.constant 0 : i32
      %dma_wait3A_227 = tpu.memref_slice %arg38[%mul3A_0, %dma_wait3A_226] : memref<10240x16xf32, #tpu.memory_space<vmem_shared>> -> memref<640x16xf32, #tpu.memory_space<vmem_shared>>
      %dma_wait3A_228 = arith.constant 0 : i32
      %dma_wait3A_229 = tpu.memref_slice %arg4[%mul3A_0, %dma_wait3A_228] : memref<10240x16xf32, #tpu.memory_space<hbm>> -> memref<640x16xf32, #tpu.memory_space<hbm>>
      tpu.wait_dma2 semaphore(%run_scoped3A_221 : memref<!tpu.dma_semaphore, #tpu.memory_space<semaphore_mem>>) src(%dma_wait3A_229 : memref<640x16xf32, #tpu.memory_space<hbm>>) dst(%dma_wait3A_227 : memref<640x16xf32, #tpu.memory_space<vmem_shared>>)
      tpu.yield
    }) : () -> ()
    %mul3A_1 = arith.constant 16 : i32
    %mul3A_2 = arith.muli %arg0, %mul3A_1 : i32
    %add3A = arith.addi %mul3A_2, %arg1 : i32
    %mul3A_3 = arith.constant 125 : i32
    %mul3A_4 = arith.muli %add3A, %mul3A_3 : i32
    %run_scoped3A = arith.constant 0 : i32
    "tpu.region"() ({
      %run_scoped3A_221 = tpu.sem_alloc : memref<!tpu.dma_semaphore, #tpu.memory_space<semaphore_mem>>
      %dma_start3A_222 = arith.constant 0 : i32
      %dma_start3A_223 = tpu.memref_slice %arg3[%run_scoped3A, %mul3A_4, %dma_start3A_222] : memref<2x4000x80xi32, #tpu.memory_space<hbm>> -> memref<1x125x80xi32, #tpu.memory_space<hbm>>
      %dma_start3A_224 = tpu.memref_squeeze %dma_start3A_223 : memref<1x125x80xi32, #tpu.memory_space<hbm>> -> memref<125x80xi32, #tpu.memory_space<hbm>>
      %dma_start3A_225 = arith.constant 0 : i32
      %dma_start3A_226 = tpu.memref_slice %arg3[%run_scoped3A, %mul3A_4, %dma_start3A_225] : memref<2x4000x80xi32, #tpu.memory_space<hbm>> -> memref<1x125x80xi32, #tpu.memory_space<hbm>>
      %dma_start3A_227 = tpu.memref_squeeze %dma_start3A_226 : memref<1x125x80xi32, #tpu.memory_space<hbm>> -> memref<125x80xi32, #tpu.memory_space<hbm>>
      tpu.enqueue_dma source(%dma_start3A_227 : memref<125x80xi32, #tpu.memory_space<hbm>>) target(%arg6 : memref<125x80xi32, #tpu.memory_space<vmem>>) target_semaphore(%run_scoped3A_221 : memref<!tpu.dma_semaphore, #tpu.memory_space<semaphore_mem>>)
      %dma_wait3A_228 = arith.constant 0 : i32
      %dma_wait3A_229 = tpu.memref_slice %arg3[%run_scoped3A, %mul3A_4, %dma_wait3A_228] : memref<2x4000x80xi32, #tpu.memory_space<hbm>> -> memref<1x125x80xi32, #tpu.memory_space<hbm>>
      %dma_wait3A_230 = tpu.memref_squeeze %dma_wait3A_229 : memref<1x125x80xi32, #tpu.memory_space<hbm>> -> memref<125x80xi32, #tpu.memory_space<hbm>>
      %dma_wait3A_231 = arith.constant 0 : i32
      %dma_wait3A_232 = tpu.memref_slice %arg3[%run_scoped3A, %mul3A_4, %dma_wait3A_231] : memref<2x4000x80xi32, #tpu.memory_space<hbm>> -> memref<1x125x80xi32, #tpu.memory_space<hbm>>
      %dma_wait3A_233 = tpu.memref_squeeze %dma_wait3A_232 : memref<1x125x80xi32, #tpu.memory_space<hbm>> -> memref<125x80xi32, #tpu.memory_space<hbm>>
      tpu.wait_dma2 semaphore(%run_scoped3A_221 : memref<!tpu.dma_semaphore, #tpu.memory_space<semaphore_mem>>) src(%dma_wait3A_233 : memref<125x80xi32, #tpu.memory_space<hbm>>) dst(%arg6 : memref<125x80xi32, #tpu.memory_space<vmem>>)
      tpu.yield
    }) : () -> ()
    %mul3A_5 = arith.constant 125 : i32
    %mul3A_6 = arith.muli %add3A, %mul3A_5 : i32
    %run_scoped3A_7 = arith.constant 1 : i32
    "tpu.region"() ({
      %run_scoped3A_221 = tpu.sem_alloc : memref<!tpu.dma_semaphore, #tpu.memory_space<semaphore_mem>>
      %dma_start3A_222 = arith.constant 0 : i32
      %dma_start3A_223 = tpu.memref_slice %arg3[%run_scoped3A_7, %mul3A_6, %dma_start3A_222] : memref<2x4000x80xi32, #tpu.memory_space<hbm>> -> memref<1x125x80xi32, #tpu.memory_space<hbm>>
      %dma_start3A_224 = tpu.memref_squeeze %dma_start3A_223 : memref<1x125x80xi32, #tpu.memory_space<hbm>> -> memref<125x80xi32, #tpu.memory_space<hbm>>
      %dma_start3A_225 = arith.constant 0 : i32
      %dma_start3A_226 = tpu.memref_slice %arg3[%run_scoped3A_7, %mul3A_6, %dma_start3A_225] : memref<2x4000x80xi32, #tpu.memory_space<hbm>> -> memref<1x125x80xi32, #tpu.memory_space<hbm>>
      %dma_start3A_227 = tpu.memref_squeeze %dma_start3A_226 : memref<1x125x80xi32, #tpu.memory_space<hbm>> -> memref<125x80xi32, #tpu.memory_space<hbm>>
      tpu.enqueue_dma source(%dma_start3A_227 : memref<125x80xi32, #tpu.memory_space<hbm>>) target(%arg7 : memref<125x80xi32, #tpu.memory_space<vmem>>) target_semaphore(%run_scoped3A_221 : memref<!tpu.dma_semaphore, #tpu.memory_space<semaphore_mem>>)
      %dma_wait3A_228 = arith.constant 0 : i32
      %dma_wait3A_229 = tpu.memref_slice %arg3[%run_scoped3A_7, %mul3A_6, %dma_wait3A_228] : memref<2x4000x80xi32, #tpu.memory_space<hbm>> -> memref<1x125x80xi32, #tpu.memory_space<hbm>>
      %dma_wait3A_230 = tpu.memref_squeeze %dma_wait3A_229 : memref<1x125x80xi32, #tpu.memory_space<hbm>> -> memref<125x80xi32, #tpu.memory_space<hbm>>
      %dma_wait3A_231 = arith.constant 0 : i32
      %dma_wait3A_232 = tpu.memref_slice %arg3[%run_scoped3A_7, %mul3A_6, %dma_wait3A_231] : memref<2x4000x80xi32, #tpu.memory_space<hbm>> -> memref<1x125x80xi32, #tpu.memory_space<hbm>>
      %dma_wait3A_233 = tpu.memref_squeeze %dma_wait3A_232 : memref<1x125x80xi32, #tpu.memory_space<hbm>> -> memref<125x80xi32, #tpu.memory_space<hbm>>
      tpu.wait_dma2 semaphore(%run_scoped3A_221 : memref<!tpu.dma_semaphore, #tpu.memory_space<semaphore_mem>>) src(%dma_wait3A_233 : memref<125x80xi32, #tpu.memory_space<hbm>>) dst(%arg7 : memref<125x80xi32, #tpu.memory_space<vmem>>)
      tpu.yield
    }) : () -> ()
    %barrier3A = arith.constant 0 : index
    tpu.barrier barrier_id(%barrier3A)
    %dma_start3A = arith.constant 0 : i32
    %dma_start3A_8 = arith.constant 0 : i32
    %dma_start3A_9 = tpu.memref_slice %arg6[%dma_start3A, %dma_start3A_8] : memref<125x80xi32, #tpu.memory_space<vmem>> -> memref<1x80xi32, #tpu.memory_space<vmem>>
    %dma_start3A_10 = tpu.memref_squeeze %dma_start3A_9 : memref<1x80xi32, #tpu.memory_space<vmem>> -> memref<80xi32, #tpu.memory_space<vmem>>
    %dma_start3A_11 = arith.constant 0 : i32
    %dma_start3A_12 = arith.constant 0 : i32
    %dma_start3A_13 = tpu.memref_slice %arg2[%dma_start3A_11, %dma_start3A_12] : memref<10000x16xf32, #tpu.memory_space<hbm>> -> memref<10000x16xf32, #tpu.memory_space<hbm>>
    tpu.enqueue_indirect_dma source(%dma_start3A_13 : memref<10000x16xf32, #tpu.memory_space<hbm>>) target(%arg8 : memref<80x16xf32, #tpu.memory_space<vmem>>) offsets(%dma_start3A_10 : memref<80xi32, #tpu.memory_space<vmem>>) semaphore(%arg18 : memref<!tpu.dma_semaphore, #tpu.memory_space<semaphore_mem>>)
    %dma_start3A_14 = arith.constant 1 : i32
    %dma_start3A_15 = arith.constant 0 : i32
    %dma_start3A_16 = tpu.memref_slice %arg6[%dma_start3A_14, %dma_start3A_15] : memref<125x80xi32, #tpu.memory_space<vmem>> -> memref<1x80xi32, #tpu.memory_space<vmem>>
    %dma_start3A_17 = tpu.memref_squeeze %dma_start3A_16 : memref<1x80xi32, #tpu.memory_space<vmem>> -> memref<80xi32, #tpu.memory_space<vmem>>
    %dma_start3A_18 = arith.constant 0 : i32
    %dma_start3A_19 = arith.constant 0 : i32
    %dma_start3A_20 = tpu.memref_slice %arg2[%dma_start3A_18, %dma_start3A_19] : memref<10000x16xf32, #tpu.memory_space<hbm>> -> memref<10000x16xf32, #tpu.memory_space<hbm>>
    tpu.enqueue_indirect_dma source(%dma_start3A_20 : memref<10000x16xf32, #tpu.memory_space<hbm>>) target(%arg9 : memref<80x16xf32, #tpu.memory_space<vmem>>) offsets(%dma_start3A_17 : memref<80xi32, #tpu.memory_space<vmem>>) semaphore(%arg19 : memref<!tpu.dma_semaphore, #tpu.memory_space<semaphore_mem>>)
    %dma_start3A_21 = arith.constant 2 : i32
    %dma_start3A_22 = arith.constant 0 : i32
    %dma_start3A_23 = tpu.memref_slice %arg6[%dma_start3A_21, %dma_start3A_22] : memref<125x80xi32, #tpu.memory_space<vmem>> -> memref<1x80xi32, #tpu.memory_space<vmem>>
    %dma_start3A_24 = tpu.memref_squeeze %dma_start3A_23 : memref<1x80xi32, #tpu.memory_space<vmem>> -> memref<80xi32, #tpu.memory_space<vmem>>
    %dma_start3A_25 = arith.constant 0 : i32
    %dma_start3A_26 = arith.constant 0 : i32
    %dma_start3A_27 = tpu.memref_slice %arg2[%dma_start3A_25, %dma_start3A_26] : memref<10000x16xf32, #tpu.memory_space<hbm>> -> memref<10000x16xf32, #tpu.memory_space<hbm>>
    tpu.enqueue_indirect_dma source(%dma_start3A_27 : memref<10000x16xf32, #tpu.memory_space<hbm>>) target(%arg10 : memref<80x16xf32, #tpu.memory_space<vmem>>) offsets(%dma_start3A_24 : memref<80xi32, #tpu.memory_space<vmem>>) semaphore(%arg20 : memref<!tpu.dma_semaphore, #tpu.memory_space<semaphore_mem>>)
    %dma_start3A_28 = arith.constant 3 : i32
    %dma_start3A_29 = arith.constant 0 : i32
    %dma_start3A_30 = tpu.memref_slice %arg6[%dma_start3A_28, %dma_start3A_29] : memref<125x80xi32, #tpu.memory_space<vmem>> -> memref<1x80xi32, #tpu.memory_space<vmem>>
    %dma_start3A_31 = tpu.memref_squeeze %dma_start3A_30 : memref<1x80xi32, #tpu.memory_space<vmem>> -> memref<80xi32, #tpu.memory_space<vmem>>
    %dma_start3A_32 = arith.constant 0 : i32
    %dma_start3A_33 = arith.constant 0 : i32
    %dma_start3A_34 = tpu.memref_slice %arg2[%dma_start3A_32, %dma_start3A_33] : memref<10000x16xf32, #tpu.memory_space<hbm>> -> memref<10000x16xf32, #tpu.memory_space<hbm>>
    tpu.enqueue_indirect_dma source(%dma_start3A_34 : memref<10000x16xf32, #tpu.memory_space<hbm>>) target(%arg11 : memref<80x16xf32, #tpu.memory_space<vmem>>) offsets(%dma_start3A_31 : memref<80xi32, #tpu.memory_space<vmem>>) semaphore(%arg21 : memref<!tpu.dma_semaphore, #tpu.memory_space<semaphore_mem>>)
    %dma_start3A_35 = arith.constant 4 : i32
    %dma_start3A_36 = arith.constant 0 : i32
    %dma_start3A_37 = tpu.memref_slice %arg6[%dma_start3A_35, %dma_start3A_36] : memref<125x80xi32, #tpu.memory_space<vmem>> -> memref<1x80xi32, #tpu.memory_space<vmem>>
    %dma_start3A_38 = tpu.memref_squeeze %dma_start3A_37 : memref<1x80xi32, #tpu.memory_space<vmem>> -> memref<80xi32, #tpu.memory_space<vmem>>
    %dma_start3A_39 = arith.constant 0 : i32
    %dma_start3A_40 = arith.constant 0 : i32
    %dma_start3A_41 = tpu.memref_slice %arg2[%dma_start3A_39, %dma_start3A_40] : memref<10000x16xf32, #tpu.memory_space<hbm>> -> memref<10000x16xf32, #tpu.memory_space<hbm>>
    tpu.enqueue_indirect_dma source(%dma_start3A_41 : memref<10000x16xf32, #tpu.memory_space<hbm>>) target(%arg12 : memref<80x16xf32, #tpu.memory_space<vmem>>) offsets(%dma_start3A_38 : memref<80xi32, #tpu.memory_space<vmem>>) semaphore(%arg22 : memref<!tpu.dma_semaphore, #tpu.memory_space<semaphore_mem>>)
    %dma_start3A_42 = arith.constant 5 : i32
    %dma_start3A_43 = arith.constant 0 : i32
    %dma_start3A_44 = tpu.memref_slice %arg6[%dma_start3A_42, %dma_start3A_43] : memref<125x80xi32, #tpu.memory_space<vmem>> -> memref<1x80xi32, #tpu.memory_space<vmem>>
    %dma_start3A_45 = tpu.memref_squeeze %dma_start3A_44 : memref<1x80xi32, #tpu.memory_space<vmem>> -> memref<80xi32, #tpu.memory_space<vmem>>
    %dma_start3A_46 = arith.constant 0 : i32
    %dma_start3A_47 = arith.constant 0 : i32
    %dma_start3A_48 = tpu.memref_slice %arg2[%dma_start3A_46, %dma_start3A_47] : memref<10000x16xf32, #tpu.memory_space<hbm>> -> memref<10000x16xf32, #tpu.memory_space<hbm>>
    tpu.enqueue_indirect_dma source(%dma_start3A_48 : memref<10000x16xf32, #tpu.memory_space<hbm>>) target(%arg13 : memref<80x16xf32, #tpu.memory_space<vmem>>) offsets(%dma_start3A_45 : memref<80xi32, #tpu.memory_space<vmem>>) semaphore(%arg23 : memref<!tpu.dma_semaphore, #tpu.memory_space<semaphore_mem>>)
    %dma_start3A_49 = arith.constant 6 : i32
    %dma_start3A_50 = arith.constant 0 : i32
    %dma_start3A_51 = tpu.memref_slice %arg6[%dma_start3A_49, %dma_start3A_50] : memref<125x80xi32, #tpu.memory_space<vmem>> -> memref<1x80xi32, #tpu.memory_space<vmem>>
    %dma_start3A_52 = tpu.memref_squeeze %dma_start3A_51 : memref<1x80xi32, #tpu.memory_space<vmem>> -> memref<80xi32, #tpu.memory_space<vmem>>
    %dma_start3A_53 = arith.constant 0 : i32
    %dma_start3A_54 = arith.constant 0 : i32
    %dma_start3A_55 = tpu.memref_slice %arg2[%dma_start3A_53, %dma_start3A_54] : memref<10000x16xf32, #tpu.memory_space<hbm>> -> memref<10000x16xf32, #tpu.memory_space<hbm>>
    tpu.enqueue_indirect_dma source(%dma_start3A_55 : memref<10000x16xf32, #tpu.memory_space<hbm>>) target(%arg14 : memref<80x16xf32, #tpu.memory_space<vmem>>) offsets(%dma_start3A_52 : memref<80xi32, #tpu.memory_space<vmem>>) semaphore(%arg24 : memref<!tpu.dma_semaphore, #tpu.memory_space<semaphore_mem>>)
    %dma_start3A_56 = arith.constant 7 : i32
    %dma_start3A_57 = arith.constant 0 : i32
    %dma_start3A_58 = tpu.memref_slice %arg6[%dma_start3A_56, %dma_start3A_57] : memref<125x80xi32, #tpu.memory_space<vmem>> -> memref<1x80xi32, #tpu.memory_space<vmem>>
    %dma_start3A_59 = tpu.memref_squeeze %dma_start3A_58 : memref<1x80xi32, #tpu.memory_space<vmem>> -> memref<80xi32, #tpu.memory_space<vmem>>
    %dma_start3A_60 = arith.constant 0 : i32
    %dma_start3A_61 = arith.constant 0 : i32
    %dma_start3A_62 = tpu.memref_slice %arg2[%dma_start3A_60, %dma_start3A_61] : memref<10000x16xf32, #tpu.memory_space<hbm>> -> memref<10000x16xf32, #tpu.memory_space<hbm>>
    tpu.enqueue_indirect_dma source(%dma_start3A_62 : memref<10000x16xf32, #tpu.memory_space<hbm>>) target(%arg15 : memref<80x16xf32, #tpu.memory_space<vmem>>) offsets(%dma_start3A_59 : memref<80xi32, #tpu.memory_space<vmem>>) semaphore(%arg25 : memref<!tpu.dma_semaphore, #tpu.memory_space<semaphore_mem>>)
    %dma_start3A_63 = arith.constant 8 : i32
    %dma_start3A_64 = arith.constant 0 : i32
    %dma_start3A_65 = tpu.memref_slice %arg6[%dma_start3A_63, %dma_start3A_64] : memref<125x80xi32, #tpu.memory_space<vmem>> -> memref<1x80xi32, #tpu.memory_space<vmem>>
    %dma_start3A_66 = tpu.memref_squeeze %dma_start3A_65 : memref<1x80xi32, #tpu.memory_space<vmem>> -> memref<80xi32, #tpu.memory_space<vmem>>
    %dma_start3A_67 = arith.constant 0 : i32
    %dma_start3A_68 = arith.constant 0 : i32
    %dma_start3A_69 = tpu.memref_slice %arg2[%dma_start3A_67, %dma_start3A_68] : memref<10000x16xf32, #tpu.memory_space<hbm>> -> memref<10000x16xf32, #tpu.memory_space<hbm>>
    tpu.enqueue_indirect_dma source(%dma_start3A_69 : memref<10000x16xf32, #tpu.memory_space<hbm>>) target(%arg16 : memref<80x16xf32, #tpu.memory_space<vmem>>) offsets(%dma_start3A_66 : memref<80xi32, #tpu.memory_space<vmem>>) semaphore(%arg26 : memref<!tpu.dma_semaphore, #tpu.memory_space<semaphore_mem>>)
    %dma_start3A_70 = arith.constant 9 : i32
    %dma_start3A_71 = arith.constant 0 : i32
    %dma_start3A_72 = tpu.memref_slice %arg6[%dma_start3A_70, %dma_start3A_71] : memref<125x80xi32, #tpu.memory_space<vmem>> -> memref<1x80xi32, #tpu.memory_space<vmem>>
    %dma_start3A_73 = tpu.memref_squeeze %dma_start3A_72 : memref<1x80xi32, #tpu.memory_space<vmem>> -> memref<80xi32, #tpu.memory_space<vmem>>
    %dma_start3A_74 = arith.constant 0 : i32
    %dma_start3A_75 = arith.constant 0 : i32
    %dma_start3A_76 = tpu.memref_slice %arg2[%dma_start3A_74, %dma_start3A_75] : memref<10000x16xf32, #tpu.memory_space<hbm>> -> memref<10000x16xf32, #tpu.memory_space<hbm>>
    tpu.enqueue_indirect_dma source(%dma_start3A_76 : memref<10000x16xf32, #tpu.memory_space<hbm>>) target(%arg17 : memref<80x16xf32, #tpu.memory_space<vmem>>) offsets(%dma_start3A_73 : memref<80xi32, #tpu.memory_space<vmem>>) semaphore(%arg27 : memref<!tpu.dma_semaphore, #tpu.memory_space<semaphore_mem>>)
    %scan3A = arith.constant 0 : i32
    %scan3A_77 = arith.constant 12 : i32
    %scan3A_78 = arith.addi %scan3A, %scan3A_77 : i32
    %scan3A_79 = arith.constant 1 : i32
    scf.for %scan3A_221 = %scan3A to %scan3A_78 step %scan3A_79  : i32 {
      %mul3A_222 = arith.constant 1 : i32
      %mul3A_223 = arith.muli %scan3A_221, %mul3A_222 : i32
      %add3A_224 = arith.constant 0 : i32
      %add3A_225 = arith.addi %add3A_224, %mul3A_223 : i32
      %mul3A_226 = arith.constant 10 : i32
      %mul3A_227 = arith.muli %mul3A_226, %add3A_225 : i32
      %add3A_228 = arith.constant 0 : i32
      %add3A_229 = arith.addi %mul3A_227, %add3A_228 : i32
      %add3A_230 = arith.constant 0 : i32
      %add3A_231 = arith.addi %add3A_229, %add3A_230 : i32
      %dma_wait3A_232 = arith.constant 0 : i32
      %dma_wait3A_233 = tpu.memref_slice %arg6[%add3A_231, %dma_wait3A_232] : memref<125x80xi32, #tpu.memory_space<vmem>> -> memref<1x80xi32, #tpu.memory_space<vmem>>
      %dma_wait3A_234 = tpu.memref_squeeze %dma_wait3A_233 : memref<1x80xi32, #tpu.memory_space<vmem>> -> memref<80xi32, #tpu.memory_space<vmem>>
      %dma_wait3A_235 = arith.constant 0 : i32
      %dma_wait3A_236 = arith.constant 0 : i32
      %dma_wait3A_237 = tpu.memref_slice %arg2[%dma_wait3A_235, %dma_wait3A_236] : memref<10000x16xf32, #tpu.memory_space<hbm>> -> memref<10000x16xf32, #tpu.memory_space<hbm>>
      tpu.wait_indirect_dma semaphore(%arg18 : memref<!tpu.dma_semaphore, #tpu.memory_space<semaphore_mem>>) src(%dma_wait3A_237 : memref<10000x16xf32, #tpu.memory_space<hbm>>) dst(%arg8 : memref<80x16xf32, #tpu.memory_space<vmem>>)
      %dma_start3A_238 = arith.constant 0 : i32
      %dma_start3A_239 = tpu.memref_slice %arg7[%add3A_231, %dma_start3A_238] : memref<125x80xi32, #tpu.memory_space<vmem>> -> memref<1x80xi32, #tpu.memory_space<vmem>>
      %dma_start3A_240 = tpu.memref_squeeze %dma_start3A_239 : memref<1x80xi32, #tpu.memory_space<vmem>> -> memref<80xi32, #tpu.memory_space<vmem>>
      %dma_start3A_241 = arith.constant 0 : i32
      %dma_start3A_242 = arith.constant 0 : i32
      %dma_start3A_243 = tpu.memref_slice %arg38[%dma_start3A_241, %dma_start3A_242] : memref<10240x16xf32, #tpu.memory_space<vmem_shared>> -> memref<10240x16xf32, #tpu.memory_space<vmem_shared>>
      tpu.enqueue_indirect_dma source(%arg8 : memref<80x16xf32, #tpu.memory_space<vmem>>) target(%dma_start3A_243 : memref<10240x16xf32, #tpu.memory_space<vmem_shared>>) offsets(%dma_start3A_240 : memref<80xi32, #tpu.memory_space<vmem>>) semaphore(%arg28 : memref<!tpu.dma_semaphore, #tpu.memory_space<semaphore_mem>>) {add = true}
      %add3A_244 = arith.constant 0 : i32
      %add3A_245 = arith.addi %mul3A_227, %add3A_244 : i32
      %add3A_246 = arith.constant 1 : i32
      %add3A_247 = arith.addi %add3A_245, %add3A_246 : i32
      %dma_wait3A_248 = arith.constant 0 : i32
      %dma_wait3A_249 = tpu.memref_slice %arg6[%add3A_247, %dma_wait3A_248] : memref<125x80xi32, #tpu.memory_space<vmem>> -> memref<1x80xi32, #tpu.memory_space<vmem>>
      %dma_wait3A_250 = tpu.memref_squeeze %dma_wait3A_249 : memref<1x80xi32, #tpu.memory_space<vmem>> -> memref<80xi32, #tpu.memory_space<vmem>>
      %dma_wait3A_251 = arith.constant 0 : i32
      %dma_wait3A_252 = arith.constant 0 : i32
      %dma_wait3A_253 = tpu.memref_slice %arg2[%dma_wait3A_251, %dma_wait3A_252] : memref<10000x16xf32, #tpu.memory_space<hbm>> -> memref<10000x16xf32, #tpu.memory_space<hbm>>
      tpu.wait_indirect_dma semaphore(%arg19 : memref<!tpu.dma_semaphore, #tpu.memory_space<semaphore_mem>>) src(%dma_wait3A_253 : memref<10000x16xf32, #tpu.memory_space<hbm>>) dst(%arg9 : memref<80x16xf32, #tpu.memory_space<vmem>>)
      %dma_start3A_254 = arith.constant 0 : i32
      %dma_start3A_255 = tpu.memref_slice %arg7[%add3A_247, %dma_start3A_254] : memref<125x80xi32, #tpu.memory_space<vmem>> -> memref<1x80xi32, #tpu.memory_space<vmem>>
      %dma_start3A_256 = tpu.memref_squeeze %dma_start3A_255 : memref<1x80xi32, #tpu.memory_space<vmem>> -> memref<80xi32, #tpu.memory_space<vmem>>
      %dma_start3A_257 = arith.constant 0 : i32
      %dma_start3A_258 = arith.constant 0 : i32
      %dma_start3A_259 = tpu.memref_slice %arg38[%dma_start3A_257, %dma_start3A_258] : memref<10240x16xf32, #tpu.memory_space<vmem_shared>> -> memref<10240x16xf32, #tpu.memory_space<vmem_shared>>
      tpu.enqueue_indirect_dma source(%arg9 : memref<80x16xf32, #tpu.memory_space<vmem>>) target(%dma_start3A_259 : memref<10240x16xf32, #tpu.memory_space<vmem_shared>>) offsets(%dma_start3A_256 : memref<80xi32, #tpu.memory_space<vmem>>) semaphore(%arg29 : memref<!tpu.dma_semaphore, #tpu.memory_space<semaphore_mem>>) {add = true}
      %add3A_260 = arith.constant 0 : i32
      %add3A_261 = arith.addi %mul3A_227, %add3A_260 : i32
      %add3A_262 = arith.constant 2 : i32
      %add3A_263 = arith.addi %add3A_261, %add3A_262 : i32
      %dma_wait3A_264 = arith.constant 0 : i32
      %dma_wait3A_265 = tpu.memref_slice %arg6[%add3A_263, %dma_wait3A_264] : memref<125x80xi32, #tpu.memory_space<vmem>> -> memref<1x80xi32, #tpu.memory_space<vmem>>
      %dma_wait3A_266 = tpu.memref_squeeze %dma_wait3A_265 : memref<1x80xi32, #tpu.memory_space<vmem>> -> memref<80xi32, #tpu.memory_space<vmem>>
      %dma_wait3A_267 = arith.constant 0 : i32
      %dma_wait3A_268 = arith.constant 0 : i32
      %dma_wait3A_269 = tpu.memref_slice %arg2[%dma_wait3A_267, %dma_wait3A_268] : memref<10000x16xf32, #tpu.memory_space<hbm>> -> memref<10000x16xf32, #tpu.memory_space<hbm>>
      tpu.wait_indirect_dma semaphore(%arg20 : memref<!tpu.dma_semaphore, #tpu.memory_space<semaphore_mem>>) src(%dma_wait3A_269 : memref<10000x16xf32, #tpu.memory_space<hbm>>) dst(%arg10 : memref<80x16xf32, #tpu.memory_space<vmem>>)
      %dma_start3A_270 = arith.constant 0 : i32
      %dma_start3A_271 = tpu.memref_slice %arg7[%add3A_263, %dma_start3A_270] : memref<125x80xi32, #tpu.memory_space<vmem>> -> memref<1x80xi32, #tpu.memory_space<vmem>>
      %dma_start3A_272 = tpu.memref_squeeze %dma_start3A_271 : memref<1x80xi32, #tpu.memory_space<vmem>> -> memref<80xi32, #tpu.memory_space<vmem>>
      %dma_start3A_273 = arith.constant 0 : i32
      %dma_start3A_274 = arith.constant 0 : i32
      %dma_start3A_275 = tpu.memref_slice %arg38[%dma_start3A_273, %dma_start3A_274] : memref<10240x16xf32, #tpu.memory_space<vmem_shared>> -> memref<10240x16xf32, #tpu.memory_space<vmem_shared>>
      tpu.enqueue_indirect_dma source(%arg10 : memref<80x16xf32, #tpu.memory_space<vmem>>) target(%dma_start3A_275 : memref<10240x16xf32, #tpu.memory_space<vmem_shared>>) offsets(%dma_start3A_272 : memref<80xi32, #tpu.memory_space<vmem>>) semaphore(%arg30 : memref<!tpu.dma_semaphore, #tpu.memory_space<semaphore_mem>>) {add = true}
      %add3A_276 = arith.constant 0 : i32
      %add3A_277 = arith.addi %mul3A_227, %add3A_276 : i32
      %add3A_278 = arith.constant 3 : i32
      %add3A_279 = arith.addi %add3A_277, %add3A_278 : i32
      %dma_wait3A_280 = arith.constant 0 : i32
      %dma_wait3A_281 = tpu.memref_slice %arg6[%add3A_279, %dma_wait3A_280] : memref<125x80xi32, #tpu.memory_space<vmem>> -> memref<1x80xi32, #tpu.memory_space<vmem>>
      %dma_wait3A_282 = tpu.memref_squeeze %dma_wait3A_281 : memref<1x80xi32, #tpu.memory_space<vmem>> -> memref<80xi32, #tpu.memory_space<vmem>>
      %dma_wait3A_283 = arith.constant 0 : i32
      %dma_wait3A_284 = arith.constant 0 : i32
      %dma_wait3A_285 = tpu.memref_slice %arg2[%dma_wait3A_283, %dma_wait3A_284] : memref<10000x16xf32, #tpu.memory_space<hbm>> -> memref<10000x16xf32, #tpu.memory_space<hbm>>
      tpu.wait_indirect_dma semaphore(%arg21 : memref<!tpu.dma_semaphore, #tpu.memory_space<semaphore_mem>>) src(%dma_wait3A_285 : memref<10000x16xf32, #tpu.memory_space<hbm>>) dst(%arg11 : memref<80x16xf32, #tpu.memory_space<vmem>>)
      %dma_start3A_286 = arith.constant 0 : i32
      %dma_start3A_287 = tpu.memref_slice %arg7[%add3A_279, %dma_start3A_286] : memref<125x80xi32, #tpu.memory_space<vmem>> -> memref<1x80xi32, #tpu.memory_space<vmem>>
      %dma_start3A_288 = tpu.memref_squeeze %dma_start3A_287 : memref<1x80xi32, #tpu.memory_space<vmem>> -> memref<80xi32, #tpu.memory_space<vmem>>
      %dma_start3A_289 = arith.constant 0 : i32
      %dma_start3A_290 = arith.constant 0 : i32
      %dma_start3A_291 = tpu.memref_slice %arg38[%dma_start3A_289, %dma_start3A_290] : memref<10240x16xf32, #tpu.memory_space<vmem_shared>> -> memref<10240x16xf32, #tpu.memory_space<vmem_shared>>
      tpu.enqueue_indirect_dma source(%arg11 : memref<80x16xf32, #tpu.memory_space<vmem>>) target(%dma_start3A_291 : memref<10240x16xf32, #tpu.memory_space<vmem_shared>>) offsets(%dma_start3A_288 : memref<80xi32, #tpu.memory_space<vmem>>) semaphore(%arg31 : memref<!tpu.dma_semaphore, #tpu.memory_space<semaphore_mem>>) {add = true}
      %add3A_292 = arith.constant 0 : i32
      %add3A_293 = arith.addi %mul3A_227, %add3A_292 : i32
      %add3A_294 = arith.constant 4 : i32
      %add3A_295 = arith.addi %add3A_293, %add3A_294 : i32
      %dma_wait3A_296 = arith.constant 0 : i32
      %dma_wait3A_297 = tpu.memref_slice %arg6[%add3A_295, %dma_wait3A_296] : memref<125x80xi32, #tpu.memory_space<vmem>> -> memref<1x80xi32, #tpu.memory_space<vmem>>
      %dma_wait3A_298 = tpu.memref_squeeze %dma_wait3A_297 : memref<1x80xi32, #tpu.memory_space<vmem>> -> memref<80xi32, #tpu.memory_space<vmem>>
      %dma_wait3A_299 = arith.constant 0 : i32
      %dma_wait3A_300 = arith.constant 0 : i32
      %dma_wait3A_301 = tpu.memref_slice %arg2[%dma_wait3A_299, %dma_wait3A_300] : memref<10000x16xf32, #tpu.memory_space<hbm>> -> memref<10000x16xf32, #tpu.memory_space<hbm>>
      tpu.wait_indirect_dma semaphore(%arg22 : memref<!tpu.dma_semaphore, #tpu.memory_space<semaphore_mem>>) src(%dma_wait3A_301 : memref<10000x16xf32, #tpu.memory_space<hbm>>) dst(%arg12 : memref<80x16xf32, #tpu.memory_space<vmem>>)
      %dma_start3A_302 = arith.constant 0 : i32
      %dma_start3A_303 = tpu.memref_slice %arg7[%add3A_295, %dma_start3A_302] : memref<125x80xi32, #tpu.memory_space<vmem>> -> memref<1x80xi32, #tpu.memory_space<vmem>>
      %dma_start3A_304 = tpu.memref_squeeze %dma_start3A_303 : memref<1x80xi32, #tpu.memory_space<vmem>> -> memref<80xi32, #tpu.memory_space<vmem>>
      %dma_start3A_305 = arith.constant 0 : i32
      %dma_start3A_306 = arith.constant 0 : i32
      %dma_start3A_307 = tpu.memref_slice %arg38[%dma_start3A_305, %dma_start3A_306] : memref<10240x16xf32, #tpu.memory_space<vmem_shared>> -> memref<10240x16xf32, #tpu.memory_space<vmem_shared>>
      tpu.enqueue_indirect_dma source(%arg12 : memref<80x16xf32, #tpu.memory_space<vmem>>) target(%dma_start3A_307 : memref<10240x16xf32, #tpu.memory_space<vmem_shared>>) offsets(%dma_start3A_304 : memref<80xi32, #tpu.memory_space<vmem>>) semaphore(%arg32 : memref<!tpu.dma_semaphore, #tpu.memory_space<semaphore_mem>>) {add = true}
      %add3A_308 = arith.constant 0 : i32
      %add3A_309 = arith.addi %mul3A_227, %add3A_308 : i32
      %add3A_310 = arith.constant 0 : i32
      %add3A_311 = arith.addi %add3A_309, %add3A_310 : i32
      %add3A_312 = arith.constant 10 : i32
      %add3A_313 = arith.addi %add3A_311, %add3A_312 : i32
      %lt3A = arith.constant 125 : i32
      %lt3A_314 = arith.cmpi slt, %add3A_313, %lt3A : i32
      %convert_element_type3A = arith.extui %lt3A_314 : i1 to i32
      %cond3A = arith.constant 0 : i32
      %cond3A_315 = arith.cmpi ne, %convert_element_type3A, %cond3A : i32
      scf.if %cond3A_315 {
        %dma_wait3A_495 = arith.constant 0 : i32
        %dma_wait3A_496 = tpu.memref_slice %arg7[%add3A_311, %dma_wait3A_495] : memref<125x80xi32, #tpu.memory_space<vmem>> -> memref<1x80xi32, #tpu.memory_space<vmem>>
        %dma_wait3A_497 = tpu.memref_squeeze %dma_wait3A_496 : memref<1x80xi32, #tpu.memory_space<vmem>> -> memref<80xi32, #tpu.memory_space<vmem>>
        %dma_wait3A_498 = arith.constant 0 : i32
        %dma_wait3A_499 = arith.constant 0 : i32
        %dma_wait3A_500 = tpu.memref_slice %arg38[%dma_wait3A_498, %dma_wait3A_499] : memref<10240x16xf32, #tpu.memory_space<vmem_shared>> -> memref<10240x16xf32, #tpu.memory_space<vmem_shared>>
        tpu.wait_indirect_dma semaphore(%arg28 : memref<!tpu.dma_semaphore, #tpu.memory_space<semaphore_mem>>) src(%arg8 : memref<80x16xf32, #tpu.memory_space<vmem>>) dst(%dma_wait3A_500 : memref<10240x16xf32, #tpu.memory_space<vmem_shared>>)
        %dma_start3A_501 = arith.constant 0 : i32
        %dma_start3A_502 = tpu.memref_slice %arg6[%add3A_313, %dma_start3A_501] : memref<125x80xi32, #tpu.memory_space<vmem>> -> memref<1x80xi32, #tpu.memory_space<vmem>>
        %dma_start3A_503 = tpu.memref_squeeze %dma_start3A_502 : memref<1x80xi32, #tpu.memory_space<vmem>> -> memref<80xi32, #tpu.memory_space<vmem>>
        %dma_start3A_504 = arith.constant 0 : i32
        %dma_start3A_505 = arith.constant 0 : i32
        %dma_start3A_506 = tpu.memref_slice %arg2[%dma_start3A_504, %dma_start3A_505] : memref<10000x16xf32, #tpu.memory_space<hbm>> -> memref<10000x16xf32, #tpu.memory_space<hbm>>
        tpu.enqueue_indirect_dma source(%dma_start3A_506 : memref<10000x16xf32, #tpu.memory_space<hbm>>) target(%arg8 : memref<80x16xf32, #tpu.memory_space<vmem>>) offsets(%dma_start3A_503 : memref<80xi32, #tpu.memory_space<vmem>>) semaphore(%arg18 : memref<!tpu.dma_semaphore, #tpu.memory_space<semaphore_mem>>)
      } else {
      }
      %add3A_316 = arith.constant 0 : i32
      %add3A_317 = arith.addi %mul3A_227, %add3A_316 : i32
      %add3A_318 = arith.constant 1 : i32
      %add3A_319 = arith.addi %add3A_317, %add3A_318 : i32
      %add3A_320 = arith.constant 10 : i32
      %add3A_321 = arith.addi %add3A_319, %add3A_320 : i32
      %lt3A_322 = arith.constant 125 : i32
      %lt3A_323 = arith.cmpi slt, %add3A_321, %lt3A_322 : i32
      %convert_element_type3A_324 = arith.extui %lt3A_323 : i1 to i32
      %cond3A_325 = arith.constant 0 : i32
      %cond3A_326 = arith.cmpi ne, %convert_element_type3A_324, %cond3A_325 : i32
      scf.if %cond3A_326 {
        %dma_wait3A_495 = arith.constant 0 : i32
        %dma_wait3A_496 = tpu.memref_slice %arg7[%add3A_319, %dma_wait3A_495] : memref<125x80xi32, #tpu.memory_space<vmem>> -> memref<1x80xi32, #tpu.memory_space<vmem>>
        %dma_wait3A_497 = tpu.memref_squeeze %dma_wait3A_496 : memref<1x80xi32, #tpu.memory_space<vmem>> -> memref<80xi32, #tpu.memory_space<vmem>>
        %dma_wait3A_498 = arith.constant 0 : i32
        %dma_wait3A_499 = arith.constant 0 : i32
        %dma_wait3A_500 = tpu.memref_slice %arg38[%dma_wait3A_498, %dma_wait3A_499] : memref<10240x16xf32, #tpu.memory_space<vmem_shared>> -> memref<10240x16xf32, #tpu.memory_space<vmem_shared>>
        tpu.wait_indirect_dma semaphore(%arg29 : memref<!tpu.dma_semaphore, #tpu.memory_space<semaphore_mem>>) src(%arg9 : memref<80x16xf32, #tpu.memory_space<vmem>>) dst(%dma_wait3A_500 : memref<10240x16xf32, #tpu.memory_space<vmem_shared>>)
        %dma_start3A_501 = arith.constant 0 : i32
        %dma_start3A_502 = tpu.memref_slice %arg6[%add3A_321, %dma_start3A_501] : memref<125x80xi32, #tpu.memory_space<vmem>> -> memref<1x80xi32, #tpu.memory_space<vmem>>
        %dma_start3A_503 = tpu.memref_squeeze %dma_start3A_502 : memref<1x80xi32, #tpu.memory_space<vmem>> -> memref<80xi32, #tpu.memory_space<vmem>>
        %dma_start3A_504 = arith.constant 0 : i32
        %dma_start3A_505 = arith.constant 0 : i32
        %dma_start3A_506 = tpu.memref_slice %arg2[%dma_start3A_504, %dma_start3A_505] : memref<10000x16xf32, #tpu.memory_space<hbm>> -> memref<10000x16xf32, #tpu.memory_space<hbm>>
        tpu.enqueue_indirect_dma source(%dma_start3A_506 : memref<10000x16xf32, #tpu.memory_space<hbm>>) target(%arg9 : memref<80x16xf32, #tpu.memory_space<vmem>>) offsets(%dma_start3A_503 : memref<80xi32, #tpu.memory_space<vmem>>) semaphore(%arg19 : memref<!tpu.dma_semaphore, #tpu.memory_space<semaphore_mem>>)
      } else {
      }
      %add3A_327 = arith.constant 0 : i32
      %add3A_328 = arith.addi %mul3A_227, %add3A_327 : i32
      %add3A_329 = arith.constant 2 : i32
      %add3A_330 = arith.addi %add3A_328, %add3A_329 : i32
      %add3A_331 = arith.constant 10 : i32
      %add3A_332 = arith.addi %add3A_330, %add3A_331 : i32
      %lt3A_333 = arith.constant 125 : i32
      %lt3A_334 = arith.cmpi slt, %add3A_332, %lt3A_333 : i32
      %convert_element_type3A_335 = arith.extui %lt3A_334 : i1 to i32
      %cond3A_336 = arith.constant 0 : i32
      %cond3A_337 = arith.cmpi ne, %convert_element_type3A_335, %cond3A_336 : i32
      scf.if %cond3A_337 {
        %dma_wait3A_495 = arith.constant 0 : i32
        %dma_wait3A_496 = tpu.memref_slice %arg7[%add3A_330, %dma_wait3A_495] : memref<125x80xi32, #tpu.memory_space<vmem>> -> memref<1x80xi32, #tpu.memory_space<vmem>>
        %dma_wait3A_497 = tpu.memref_squeeze %dma_wait3A_496 : memref<1x80xi32, #tpu.memory_space<vmem>> -> memref<80xi32, #tpu.memory_space<vmem>>
        %dma_wait3A_498 = arith.constant 0 : i32
        %dma_wait3A_499 = arith.constant 0 : i32
        %dma_wait3A_500 = tpu.memref_slice %arg38[%dma_wait3A_498, %dma_wait3A_499] : memref<10240x16xf32, #tpu.memory_space<vmem_shared>> -> memref<10240x16xf32, #tpu.memory_space<vmem_shared>>
        tpu.wait_indirect_dma semaphore(%arg30 : memref<!tpu.dma_semaphore, #tpu.memory_space<semaphore_mem>>) src(%arg10 : memref<80x16xf32, #tpu.memory_space<vmem>>) dst(%dma_wait3A_500 : memref<10240x16xf32, #tpu.memory_space<vmem_shared>>)
        %dma_start3A_501 = arith.constant 0 : i32
        %dma_start3A_502 = tpu.memref_slice %arg6[%add3A_332, %dma_start3A_501] : memref<125x80xi32, #tpu.memory_space<vmem>> -> memref<1x80xi32, #tpu.memory_space<vmem>>
        %dma_start3A_503 = tpu.memref_squeeze %dma_start3A_502 : memref<1x80xi32, #tpu.memory_space<vmem>> -> memref<80xi32, #tpu.memory_space<vmem>>
        %dma_start3A_504 = arith.constant 0 : i32
        %dma_start3A_505 = arith.constant 0 : i32
        %dma_start3A_506 = tpu.memref_slice %arg2[%dma_start3A_504, %dma_start3A_505] : memref<10000x16xf32, #tpu.memory_space<hbm>> -> memref<10000x16xf32, #tpu.memory_space<hbm>>
        tpu.enqueue_indirect_dma source(%dma_start3A_506 : memref<10000x16xf32, #tpu.memory_space<hbm>>) target(%arg10 : memref<80x16xf32, #tpu.memory_space<vmem>>) offsets(%dma_start3A_503 : memref<80xi32, #tpu.memory_space<vmem>>) semaphore(%arg20 : memref<!tpu.dma_semaphore, #tpu.memory_space<semaphore_mem>>)
      } else {
      }
      %add3A_338 = arith.constant 0 : i32
      %add3A_339 = arith.addi %mul3A_227, %add3A_338 : i32
      %add3A_340 = arith.constant 3 : i32
      %add3A_341 = arith.addi %add3A_339, %add3A_340 : i32
      %add3A_342 = arith.constant 10 : i32
      %add3A_343 = arith.addi %add3A_341, %add3A_342 : i32
      %lt3A_344 = arith.constant 125 : i32
      %lt3A_345 = arith.cmpi slt, %add3A_343, %lt3A_344 : i32
      %convert_element_type3A_346 = arith.extui %lt3A_345 : i1 to i32
      %cond3A_347 = arith.constant 0 : i32
      %cond3A_348 = arith.cmpi ne, %convert_element_type3A_346, %cond3A_347 : i32
      scf.if %cond3A_348 {
        %dma_wait3A_495 = arith.constant 0 : i32
        %dma_wait3A_496 = tpu.memref_slice %arg7[%add3A_341, %dma_wait3A_495] : memref<125x80xi32, #tpu.memory_space<vmem>> -> memref<1x80xi32, #tpu.memory_space<vmem>>
        %dma_wait3A_497 = tpu.memref_squeeze %dma_wait3A_496 : memref<1x80xi32, #tpu.memory_space<vmem>> -> memref<80xi32, #tpu.memory_space<vmem>>
        %dma_wait3A_498 = arith.constant 0 : i32
        %dma_wait3A_499 = arith.constant 0 : i32
        %dma_wait3A_500 = tpu.memref_slice %arg38[%dma_wait3A_498, %dma_wait3A_499] : memref<10240x16xf32, #tpu.memory_space<vmem_shared>> -> memref<10240x16xf32, #tpu.memory_space<vmem_shared>>
        tpu.wait_indirect_dma semaphore(%arg31 : memref<!tpu.dma_semaphore, #tpu.memory_space<semaphore_mem>>) src(%arg11 : memref<80x16xf32, #tpu.memory_space<vmem>>) dst(%dma_wait3A_500 : memref<10240x16xf32, #tpu.memory_space<vmem_shared>>)
        %dma_start3A_501 = arith.constant 0 : i32
        %dma_start3A_502 = tpu.memref_slice %arg6[%add3A_343, %dma_start3A_501] : memref<125x80xi32, #tpu.memory_space<vmem>> -> memref<1x80xi32, #tpu.memory_space<vmem>>
        %dma_start3A_503 = tpu.memref_squeeze %dma_start3A_502 : memref<1x80xi32, #tpu.memory_space<vmem>> -> memref<80xi32, #tpu.memory_space<vmem>>
        %dma_start3A_504 = arith.constant 0 : i32
        %dma_start3A_505 = arith.constant 0 : i32
        %dma_start3A_506 = tpu.memref_slice %arg2[%dma_start3A_504, %dma_start3A_505] : memref<10000x16xf32, #tpu.memory_space<hbm>> -> memref<10000x16xf32, #tpu.memory_space<hbm>>
        tpu.enqueue_indirect_dma source(%dma_start3A_506 : memref<10000x16xf32, #tpu.memory_space<hbm>>) target(%arg11 : memref<80x16xf32, #tpu.memory_space<vmem>>) offsets(%dma_start3A_503 : memref<80xi32, #tpu.memory_space<vmem>>) semaphore(%arg21 : memref<!tpu.dma_semaphore, #tpu.memory_space<semaphore_mem>>)
      } else {
      }
      %add3A_349 = arith.constant 0 : i32
      %add3A_350 = arith.addi %mul3A_227, %add3A_349 : i32
      %add3A_351 = arith.constant 4 : i32
      %add3A_352 = arith.addi %add3A_350, %add3A_351 : i32
      %add3A_353 = arith.constant 10 : i32
      %add3A_354 = arith.addi %add3A_352, %add3A_353 : i32
      %lt3A_355 = arith.constant 125 : i32
      %lt3A_356 = arith.cmpi slt, %add3A_354, %lt3A_355 : i32
      %convert_element_type3A_357 = arith.extui %lt3A_356 : i1 to i32
      %cond3A_358 = arith.constant 0 : i32
      %cond3A_359 = arith.cmpi ne, %convert_element_type3A_357, %cond3A_358 : i32
      scf.if %cond3A_359 {
        %dma_wait3A_495 = arith.constant 0 : i32
        %dma_wait3A_496 = tpu.memref_slice %arg7[%add3A_352, %dma_wait3A_495] : memref<125x80xi32, #tpu.memory_space<vmem>> -> memref<1x80xi32, #tpu.memory_space<vmem>>
        %dma_wait3A_497 = tpu.memref_squeeze %dma_wait3A_496 : memref<1x80xi32, #tpu.memory_space<vmem>> -> memref<80xi32, #tpu.memory_space<vmem>>
        %dma_wait3A_498 = arith.constant 0 : i32
        %dma_wait3A_499 = arith.constant 0 : i32
        %dma_wait3A_500 = tpu.memref_slice %arg38[%dma_wait3A_498, %dma_wait3A_499] : memref<10240x16xf32, #tpu.memory_space<vmem_shared>> -> memref<10240x16xf32, #tpu.memory_space<vmem_shared>>
        tpu.wait_indirect_dma semaphore(%arg32 : memref<!tpu.dma_semaphore, #tpu.memory_space<semaphore_mem>>) src(%arg12 : memref<80x16xf32, #tpu.memory_space<vmem>>) dst(%dma_wait3A_500 : memref<10240x16xf32, #tpu.memory_space<vmem_shared>>)
        %dma_start3A_501 = arith.constant 0 : i32
        %dma_start3A_502 = tpu.memref_slice %arg6[%add3A_354, %dma_start3A_501] : memref<125x80xi32, #tpu.memory_space<vmem>> -> memref<1x80xi32, #tpu.memory_space<vmem>>
        %dma_start3A_503 = tpu.memref_squeeze %dma_start3A_502 : memref<1x80xi32, #tpu.memory_space<vmem>> -> memref<80xi32, #tpu.memory_space<vmem>>
        %dma_start3A_504 = arith.constant 0 : i32
        %dma_start3A_505 = arith.constant 0 : i32
        %dma_start3A_506 = tpu.memref_slice %arg2[%dma_start3A_504, %dma_start3A_505] : memref<10000x16xf32, #tpu.memory_space<hbm>> -> memref<10000x16xf32, #tpu.memory_space<hbm>>
        tpu.enqueue_indirect_dma source(%dma_start3A_506 : memref<10000x16xf32, #tpu.memory_space<hbm>>) target(%arg12 : memref<80x16xf32, #tpu.memory_space<vmem>>) offsets(%dma_start3A_503 : memref<80xi32, #tpu.memory_space<vmem>>) semaphore(%arg22 : memref<!tpu.dma_semaphore, #tpu.memory_space<semaphore_mem>>)
      } else {
      }
      %add3A_360 = arith.constant 5 : i32
      %add3A_361 = arith.addi %mul3A_227, %add3A_360 : i32
      %add3A_362 = arith.constant 0 : i32
      %add3A_363 = arith.addi %add3A_361, %add3A_362 : i32
      %dma_wait3A_364 = arith.constant 0 : i32
      %dma_wait3A_365 = tpu.memref_slice %arg6[%add3A_363, %dma_wait3A_364] : memref<125x80xi32, #tpu.memory_space<vmem>> -> memref<1x80xi32, #tpu.memory_space<vmem>>
      %dma_wait3A_366 = tpu.memref_squeeze %dma_wait3A_365 : memref<1x80xi32, #tpu.memory_space<vmem>> -> memref<80xi32, #tpu.memory_space<vmem>>
      %dma_wait3A_367 = arith.constant 0 : i32
      %dma_wait3A_368 = arith.constant 0 : i32
      %dma_wait3A_369 = tpu.memref_slice %arg2[%dma_wait3A_367, %dma_wait3A_368] : memref<10000x16xf32, #tpu.memory_space<hbm>> -> memref<10000x16xf32, #tpu.memory_space<hbm>>
      tpu.wait_indirect_dma semaphore(%arg23 : memref<!tpu.dma_semaphore, #tpu.memory_space<semaphore_mem>>) src(%dma_wait3A_369 : memref<10000x16xf32, #tpu.memory_space<hbm>>) dst(%arg13 : memref<80x16xf32, #tpu.memory_space<vmem>>)
      %dma_start3A_370 = arith.constant 0 : i32
      %dma_start3A_371 = tpu.memref_slice %arg7[%add3A_363, %dma_start3A_370] : memref<125x80xi32, #tpu.memory_space<vmem>> -> memref<1x80xi32, #tpu.memory_space<vmem>>
      %dma_start3A_372 = tpu.memref_squeeze %dma_start3A_371 : memref<1x80xi32, #tpu.memory_space<vmem>> -> memref<80xi32, #tpu.memory_space<vmem>>
      %dma_start3A_373 = arith.constant 0 : i32
      %dma_start3A_374 = arith.constant 0 : i32
      %dma_start3A_375 = tpu.memref_slice %arg38[%dma_start3A_373, %dma_start3A_374] : memref<10240x16xf32, #tpu.memory_space<vmem_shared>> -> memref<10240x16xf32, #tpu.memory_space<vmem_shared>>
      tpu.enqueue_indirect_dma source(%arg13 : memref<80x16xf32, #tpu.memory_space<vmem>>) target(%dma_start3A_375 : memref<10240x16xf32, #tpu.memory_space<vmem_shared>>) offsets(%dma_start3A_372 : memref<80xi32, #tpu.memory_space<vmem>>) semaphore(%arg33 : memref<!tpu.dma_semaphore, #tpu.memory_space<semaphore_mem>>) {add = true}
      %add3A_376 = arith.constant 5 : i32
      %add3A_377 = arith.addi %mul3A_227, %add3A_376 : i32
      %add3A_378 = arith.constant 1 : i32
      %add3A_379 = arith.addi %add3A_377, %add3A_378 : i32
      %dma_wait3A_380 = arith.constant 0 : i32
      %dma_wait3A_381 = tpu.memref_slice %arg6[%add3A_379, %dma_wait3A_380] : memref<125x80xi32, #tpu.memory_space<vmem>> -> memref<1x80xi32, #tpu.memory_space<vmem>>
      %dma_wait3A_382 = tpu.memref_squeeze %dma_wait3A_381 : memref<1x80xi32, #tpu.memory_space<vmem>> -> memref<80xi32, #tpu.memory_space<vmem>>
      %dma_wait3A_383 = arith.constant 0 : i32
      %dma_wait3A_384 = arith.constant 0 : i32
      %dma_wait3A_385 = tpu.memref_slice %arg2[%dma_wait3A_383, %dma_wait3A_384] : memref<10000x16xf32, #tpu.memory_space<hbm>> -> memref<10000x16xf32, #tpu.memory_space<hbm>>
      tpu.wait_indirect_dma semaphore(%arg24 : memref<!tpu.dma_semaphore, #tpu.memory_space<semaphore_mem>>) src(%dma_wait3A_385 : memref<10000x16xf32, #tpu.memory_space<hbm>>) dst(%arg14 : memref<80x16xf32, #tpu.memory_space<vmem>>)
      %dma_start3A_386 = arith.constant 0 : i32
      %dma_start3A_387 = tpu.memref_slice %arg7[%add3A_379, %dma_start3A_386] : memref<125x80xi32, #tpu.memory_space<vmem>> -> memref<1x80xi32, #tpu.memory_space<vmem>>
      %dma_start3A_388 = tpu.memref_squeeze %dma_start3A_387 : memref<1x80xi32, #tpu.memory_space<vmem>> -> memref<80xi32, #tpu.memory_space<vmem>>
      %dma_start3A_389 = arith.constant 0 : i32
      %dma_start3A_390 = arith.constant 0 : i32
      %dma_start3A_391 = tpu.memref_slice %arg38[%dma_start3A_389, %dma_start3A_390] : memref<10240x16xf32, #tpu.memory_space<vmem_shared>> -> memref<10240x16xf32, #tpu.memory_space<vmem_shared>>
      tpu.enqueue_indirect_dma source(%arg14 : memref<80x16xf32, #tpu.memory_space<vmem>>) target(%dma_start3A_391 : memref<10240x16xf32, #tpu.memory_space<vmem_shared>>) offsets(%dma_start3A_388 : memref<80xi32, #tpu.memory_space<vmem>>) semaphore(%arg34 : memref<!tpu.dma_semaphore, #tpu.memory_space<semaphore_mem>>) {add = true}
      %add3A_392 = arith.constant 5 : i32
      %add3A_393 = arith.addi %mul3A_227, %add3A_392 : i32
      %add3A_394 = arith.constant 2 : i32
      %add3A_395 = arith.addi %add3A_393, %add3A_394 : i32
      %dma_wait3A_396 = arith.constant 0 : i32
      %dma_wait3A_397 = tpu.memref_slice %arg6[%add3A_395, %dma_wait3A_396] : memref<125x80xi32, #tpu.memory_space<vmem>> -> memref<1x80xi32, #tpu.memory_space<vmem>>
      %dma_wait3A_398 = tpu.memref_squeeze %dma_wait3A_397 : memref<1x80xi32, #tpu.memory_space<vmem>> -> memref<80xi32, #tpu.memory_space<vmem>>
      %dma_wait3A_399 = arith.constant 0 : i32
      %dma_wait3A_400 = arith.constant 0 : i32
      %dma_wait3A_401 = tpu.memref_slice %arg2[%dma_wait3A_399, %dma_wait3A_400] : memref<10000x16xf32, #tpu.memory_space<hbm>> -> memref<10000x16xf32, #tpu.memory_space<hbm>>
      tpu.wait_indirect_dma semaphore(%arg25 : memref<!tpu.dma_semaphore, #tpu.memory_space<semaphore_mem>>) src(%dma_wait3A_401 : memref<10000x16xf32, #tpu.memory_space<hbm>>) dst(%arg15 : memref<80x16xf32, #tpu.memory_space<vmem>>)
      %dma_start3A_402 = arith.constant 0 : i32
      %dma_start3A_403 = tpu.memref_slice %arg7[%add3A_395, %dma_start3A_402] : memref<125x80xi32, #tpu.memory_space<vmem>> -> memref<1x80xi32, #tpu.memory_space<vmem>>
      %dma_start3A_404 = tpu.memref_squeeze %dma_start3A_403 : memref<1x80xi32, #tpu.memory_space<vmem>> -> memref<80xi32, #tpu.memory_space<vmem>>
      %dma_start3A_405 = arith.constant 0 : i32
      %dma_start3A_406 = arith.constant 0 : i32
      %dma_start3A_407 = tpu.memref_slice %arg38[%dma_start3A_405, %dma_start3A_406] : memref<10240x16xf32, #tpu.memory_space<vmem_shared>> -> memref<10240x16xf32, #tpu.memory_space<vmem_shared>>
      tpu.enqueue_indirect_dma source(%arg15 : memref<80x16xf32, #tpu.memory_space<vmem>>) target(%dma_start3A_407 : memref<10240x16xf32, #tpu.memory_space<vmem_shared>>) offsets(%dma_start3A_404 : memref<80xi32, #tpu.memory_space<vmem>>) semaphore(%arg35 : memref<!tpu.dma_semaphore, #tpu.memory_space<semaphore_mem>>) {add = true}
      %add3A_408 = arith.constant 5 : i32
      %add3A_409 = arith.addi %mul3A_227, %add3A_408 : i32
      %add3A_410 = arith.constant 3 : i32
      %add3A_411 = arith.addi %add3A_409, %add3A_410 : i32
      %dma_wait3A_412 = arith.constant 0 : i32
      %dma_wait3A_413 = tpu.memref_slice %arg6[%add3A_411, %dma_wait3A_412] : memref<125x80xi32, #tpu.memory_space<vmem>> -> memref<1x80xi32, #tpu.memory_space<vmem>>
      %dma_wait3A_414 = tpu.memref_squeeze %dma_wait3A_413 : memref<1x80xi32, #tpu.memory_space<vmem>> -> memref<80xi32, #tpu.memory_space<vmem>>
      %dma_wait3A_415 = arith.constant 0 : i32
      %dma_wait3A_416 = arith.constant 0 : i32
      %dma_wait3A_417 = tpu.memref_slice %arg2[%dma_wait3A_415, %dma_wait3A_416] : memref<10000x16xf32, #tpu.memory_space<hbm>> -> memref<10000x16xf32, #tpu.memory_space<hbm>>
      tpu.wait_indirect_dma semaphore(%arg26 : memref<!tpu.dma_semaphore, #tpu.memory_space<semaphore_mem>>) src(%dma_wait3A_417 : memref<10000x16xf32, #tpu.memory_space<hbm>>) dst(%arg16 : memref<80x16xf32, #tpu.memory_space<vmem>>)
      %dma_start3A_418 = arith.constant 0 : i32
      %dma_start3A_419 = tpu.memref_slice %arg7[%add3A_411, %dma_start3A_418] : memref<125x80xi32, #tpu.memory_space<vmem>> -> memref<1x80xi32, #tpu.memory_space<vmem>>
      %dma_start3A_420 = tpu.memref_squeeze %dma_start3A_419 : memref<1x80xi32, #tpu.memory_space<vmem>> -> memref<80xi32, #tpu.memory_space<vmem>>
      %dma_start3A_421 = arith.constant 0 : i32
      %dma_start3A_422 = arith.constant 0 : i32
      %dma_start3A_423 = tpu.memref_slice %arg38[%dma_start3A_421, %dma_start3A_422] : memref<10240x16xf32, #tpu.memory_space<vmem_shared>> -> memref<10240x16xf32, #tpu.memory_space<vmem_shared>>
      tpu.enqueue_indirect_dma source(%arg16 : memref<80x16xf32, #tpu.memory_space<vmem>>) target(%dma_start3A_423 : memref<10240x16xf32, #tpu.memory_space<vmem_shared>>) offsets(%dma_start3A_420 : memref<80xi32, #tpu.memory_space<vmem>>) semaphore(%arg36 : memref<!tpu.dma_semaphore, #tpu.memory_space<semaphore_mem>>) {add = true}
      %add3A_424 = arith.constant 5 : i32
      %add3A_425 = arith.addi %mul3A_227, %add3A_424 : i32
      %add3A_426 = arith.constant 4 : i32
      %add3A_427 = arith.addi %add3A_425, %add3A_426 : i32
      %dma_wait3A_428 = arith.constant 0 : i32
      %dma_wait3A_429 = tpu.memref_slice %arg6[%add3A_427, %dma_wait3A_428] : memref<125x80xi32, #tpu.memory_space<vmem>> -> memref<1x80xi32, #tpu.memory_space<vmem>>
      %dma_wait3A_430 = tpu.memref_squeeze %dma_wait3A_429 : memref<1x80xi32, #tpu.memory_space<vmem>> -> memref<80xi32, #tpu.memory_space<vmem>>
      %dma_wait3A_431 = arith.constant 0 : i32
      %dma_wait3A_432 = arith.constant 0 : i32
      %dma_wait3A_433 = tpu.memref_slice %arg2[%dma_wait3A_431, %dma_wait3A_432] : memref<10000x16xf32, #tpu.memory_space<hbm>> -> memref<10000x16xf32, #tpu.memory_space<hbm>>
      tpu.wait_indirect_dma semaphore(%arg27 : memref<!tpu.dma_semaphore, #tpu.memory_space<semaphore_mem>>) src(%dma_wait3A_433 : memref<10000x16xf32, #tpu.memory_space<hbm>>) dst(%arg17 : memref<80x16xf32, #tpu.memory_space<vmem>>)
      %dma_start3A_434 = arith.constant 0 : i32
      %dma_start3A_435 = tpu.memref_slice %arg7[%add3A_427, %dma_start3A_434] : memref<125x80xi32, #tpu.memory_space<vmem>> -> memref<1x80xi32, #tpu.memory_space<vmem>>
      %dma_start3A_436 = tpu.memref_squeeze %dma_start3A_435 : memref<1x80xi32, #tpu.memory_space<vmem>> -> memref<80xi32, #tpu.memory_space<vmem>>
      %dma_start3A_437 = arith.constant 0 : i32
      %dma_start3A_438 = arith.constant 0 : i32
      %dma_start3A_439 = tpu.memref_slice %arg38[%dma_start3A_437, %dma_start3A_438] : memref<10240x16xf32, #tpu.memory_space<vmem_shared>> -> memref<10240x16xf32, #tpu.memory_space<vmem_shared>>
      tpu.enqueue_indirect_dma source(%arg17 : memref<80x16xf32, #tpu.memory_space<vmem>>) target(%dma_start3A_439 : memref<10240x16xf32, #tpu.memory_space<vmem_shared>>) offsets(%dma_start3A_436 : memref<80xi32, #tpu.memory_space<vmem>>) semaphore(%arg37 : memref<!tpu.dma_semaphore, #tpu.memory_space<semaphore_mem>>) {add = true}
      %add3A_440 = arith.constant 5 : i32
      %add3A_441 = arith.addi %mul3A_227, %add3A_440 : i32
      %add3A_442 = arith.constant 0 : i32
      %add3A_443 = arith.addi %add3A_441, %add3A_442 : i32
      %add3A_444 = arith.constant 10 : i32
      %add3A_445 = arith.addi %add3A_443, %add3A_444 : i32
      %lt3A_446 = arith.constant 125 : i32
      %lt3A_447 = arith.cmpi slt, %add3A_445, %lt3A_446 : i32
      %convert_element_type3A_448 = arith.extui %lt3A_447 : i1 to i32
      %cond3A_449 = arith.constant 0 : i32
      %cond3A_450 = arith.cmpi ne, %convert_element_type3A_448, %cond3A_449 : i32
      scf.if %cond3A_450 {
        %dma_wait3A_495 = arith.constant 0 : i32
        %dma_wait3A_496 = tpu.memref_slice %arg7[%add3A_443, %dma_wait3A_495] : memref<125x80xi32, #tpu.memory_space<vmem>> -> memref<1x80xi32, #tpu.memory_space<vmem>>
        %dma_wait3A_497 = tpu.memref_squeeze %dma_wait3A_496 : memref<1x80xi32, #tpu.memory_space<vmem>> -> memref<80xi32, #tpu.memory_space<vmem>>
        %dma_wait3A_498 = arith.constant 0 : i32
        %dma_wait3A_499 = arith.constant 0 : i32
        %dma_wait3A_500 = tpu.memref_slice %arg38[%dma_wait3A_498, %dma_wait3A_499] : memref<10240x16xf32, #tpu.memory_space<vmem_shared>> -> memref<10240x16xf32, #tpu.memory_space<vmem_shared>>
        tpu.wait_indirect_dma semaphore(%arg33 : memref<!tpu.dma_semaphore, #tpu.memory_space<semaphore_mem>>) src(%arg13 : memref<80x16xf32, #tpu.memory_space<vmem>>) dst(%dma_wait3A_500 : memref<10240x16xf32, #tpu.memory_space<vmem_shared>>)
        %dma_start3A_501 = arith.constant 0 : i32
        %dma_start3A_502 = tpu.memref_slice %arg6[%add3A_445, %dma_start3A_501] : memref<125x80xi32, #tpu.memory_space<vmem>> -> memref<1x80xi32, #tpu.memory_space<vmem>>
        %dma_start3A_503 = tpu.memref_squeeze %dma_start3A_502 : memref<1x80xi32, #tpu.memory_space<vmem>> -> memref<80xi32, #tpu.memory_space<vmem>>
        %dma_start3A_504 = arith.constant 0 : i32
        %dma_start3A_505 = arith.constant 0 : i32
        %dma_start3A_506 = tpu.memref_slice %arg2[%dma_start3A_504, %dma_start3A_505] : memref<10000x16xf32, #tpu.memory_space<hbm>> -> memref<10000x16xf32, #tpu.memory_space<hbm>>
        tpu.enqueue_indirect_dma source(%dma_start3A_506 : memref<10000x16xf32, #tpu.memory_space<hbm>>) target(%arg13 : memref<80x16xf32, #tpu.memory_space<vmem>>) offsets(%dma_start3A_503 : memref<80xi32, #tpu.memory_space<vmem>>) semaphore(%arg23 : memref<!tpu.dma_semaphore, #tpu.memory_space<semaphore_mem>>)
      } else {
      }
      %add3A_451 = arith.constant 5 : i32
      %add3A_452 = arith.addi %mul3A_227, %add3A_451 : i32
      %add3A_453 = arith.constant 1 : i32
      %add3A_454 = arith.addi %add3A_452, %add3A_453 : i32
      %add3A_455 = arith.constant 10 : i32
      %add3A_456 = arith.addi %add3A_454, %add3A_455 : i32
      %lt3A_457 = arith.constant 125 : i32
      %lt3A_458 = arith.cmpi slt, %add3A_456, %lt3A_457 : i32
      %convert_element_type3A_459 = arith.extui %lt3A_458 : i1 to i32
      %cond3A_460 = arith.constant 0 : i32
      %cond3A_461 = arith.cmpi ne, %convert_element_type3A_459, %cond3A_460 : i32
      scf.if %cond3A_461 {
        %dma_wait3A_495 = arith.constant 0 : i32
        %dma_wait3A_496 = tpu.memref_slice %arg7[%add3A_454, %dma_wait3A_495] : memref<125x80xi32, #tpu.memory_space<vmem>> -> memref<1x80xi32, #tpu.memory_space<vmem>>
        %dma_wait3A_497 = tpu.memref_squeeze %dma_wait3A_496 : memref<1x80xi32, #tpu.memory_space<vmem>> -> memref<80xi32, #tpu.memory_space<vmem>>
        %dma_wait3A_498 = arith.constant 0 : i32
        %dma_wait3A_499 = arith.constant 0 : i32
        %dma_wait3A_500 = tpu.memref_slice %arg38[%dma_wait3A_498, %dma_wait3A_499] : memref<10240x16xf32, #tpu.memory_space<vmem_shared>> -> memref<10240x16xf32, #tpu.memory_space<vmem_shared>>
        tpu.wait_indirect_dma semaphore(%arg34 : memref<!tpu.dma_semaphore, #tpu.memory_space<semaphore_mem>>) src(%arg14 : memref<80x16xf32, #tpu.memory_space<vmem>>) dst(%dma_wait3A_500 : memref<10240x16xf32, #tpu.memory_space<vmem_shared>>)
        %dma_start3A_501 = arith.constant 0 : i32
        %dma_start3A_502 = tpu.memref_slice %arg6[%add3A_456, %dma_start3A_501] : memref<125x80xi32, #tpu.memory_space<vmem>> -> memref<1x80xi32, #tpu.memory_space<vmem>>
        %dma_start3A_503 = tpu.memref_squeeze %dma_start3A_502 : memref<1x80xi32, #tpu.memory_space<vmem>> -> memref<80xi32, #tpu.memory_space<vmem>>
        %dma_start3A_504 = arith.constant 0 : i32
        %dma_start3A_505 = arith.constant 0 : i32
        %dma_start3A_506 = tpu.memref_slice %arg2[%dma_start3A_504, %dma_start3A_505] : memref<10000x16xf32, #tpu.memory_space<hbm>> -> memref<10000x16xf32, #tpu.memory_space<hbm>>
        tpu.enqueue_indirect_dma source(%dma_start3A_506 : memref<10000x16xf32, #tpu.memory_space<hbm>>) target(%arg14 : memref<80x16xf32, #tpu.memory_space<vmem>>) offsets(%dma_start3A_503 : memref<80xi32, #tpu.memory_space<vmem>>) semaphore(%arg24 : memref<!tpu.dma_semaphore, #tpu.memory_space<semaphore_mem>>)
      } else {
      }
      %add3A_462 = arith.constant 5 : i32
      %add3A_463 = arith.addi %mul3A_227, %add3A_462 : i32
      %add3A_464 = arith.constant 2 : i32
      %add3A_465 = arith.addi %add3A_463, %add3A_464 : i32
      %add3A_466 = arith.constant 10 : i32
      %add3A_467 = arith.addi %add3A_465, %add3A_466 : i32
      %lt3A_468 = arith.constant 125 : i32
      %lt3A_469 = arith.cmpi slt, %add3A_467, %lt3A_468 : i32
      %convert_element_type3A_470 = arith.extui %lt3A_469 : i1 to i32
      %cond3A_471 = arith.constant 0 : i32
      %cond3A_472 = arith.cmpi ne, %convert_element_type3A_470, %cond3A_471 : i32
      scf.if %cond3A_472 {
        %dma_wait3A_495 = arith.constant 0 : i32
        %dma_wait3A_496 = tpu.memref_slice %arg7[%add3A_465, %dma_wait3A_495] : memref<125x80xi32, #tpu.memory_space<vmem>> -> memref<1x80xi32, #tpu.memory_space<vmem>>
        %dma_wait3A_497 = tpu.memref_squeeze %dma_wait3A_496 : memref<1x80xi32, #tpu.memory_space<vmem>> -> memref<80xi32, #tpu.memory_space<vmem>>
        %dma_wait3A_498 = arith.constant 0 : i32
        %dma_wait3A_499 = arith.constant 0 : i32
        %dma_wait3A_500 = tpu.memref_slice %arg38[%dma_wait3A_498, %dma_wait3A_499] : memref<10240x16xf32, #tpu.memory_space<vmem_shared>> -> memref<10240x16xf32, #tpu.memory_space<vmem_shared>>
        tpu.wait_indirect_dma semaphore(%arg35 : memref<!tpu.dma_semaphore, #tpu.memory_space<semaphore_mem>>) src(%arg15 : memref<80x16xf32, #tpu.memory_space<vmem>>) dst(%dma_wait3A_500 : memref<10240x16xf32, #tpu.memory_space<vmem_shared>>)
        %dma_start3A_501 = arith.constant 0 : i32
        %dma_start3A_502 = tpu.memref_slice %arg6[%add3A_467, %dma_start3A_501] : memref<125x80xi32, #tpu.memory_space<vmem>> -> memref<1x80xi32, #tpu.memory_space<vmem>>
        %dma_start3A_503 = tpu.memref_squeeze %dma_start3A_502 : memref<1x80xi32, #tpu.memory_space<vmem>> -> memref<80xi32, #tpu.memory_space<vmem>>
        %dma_start3A_504 = arith.constant 0 : i32
        %dma_start3A_505 = arith.constant 0 : i32
        %dma_start3A_506 = tpu.memref_slice %arg2[%dma_start3A_504, %dma_start3A_505] : memref<10000x16xf32, #tpu.memory_space<hbm>> -> memref<10000x16xf32, #tpu.memory_space<hbm>>
        tpu.enqueue_indirect_dma source(%dma_start3A_506 : memref<10000x16xf32, #tpu.memory_space<hbm>>) target(%arg15 : memref<80x16xf32, #tpu.memory_space<vmem>>) offsets(%dma_start3A_503 : memref<80xi32, #tpu.memory_space<vmem>>) semaphore(%arg25 : memref<!tpu.dma_semaphore, #tpu.memory_space<semaphore_mem>>)
      } else {
      }
      %add3A_473 = arith.constant 5 : i32
      %add3A_474 = arith.addi %mul3A_227, %add3A_473 : i32
      %add3A_475 = arith.constant 3 : i32
      %add3A_476 = arith.addi %add3A_474, %add3A_475 : i32
      %add3A_477 = arith.constant 10 : i32
      %add3A_478 = arith.addi %add3A_476, %add3A_477 : i32
      %lt3A_479 = arith.constant 125 : i32
      %lt3A_480 = arith.cmpi slt, %add3A_478, %lt3A_479 : i32
      %convert_element_type3A_481 = arith.extui %lt3A_480 : i1 to i32
      %cond3A_482 = arith.constant 0 : i32
      %cond3A_483 = arith.cmpi ne, %convert_element_type3A_481, %cond3A_482 : i32
      scf.if %cond3A_483 {
        %dma_wait3A_495 = arith.constant 0 : i32
        %dma_wait3A_496 = tpu.memref_slice %arg7[%add3A_476, %dma_wait3A_495] : memref<125x80xi32, #tpu.memory_space<vmem>> -> memref<1x80xi32, #tpu.memory_space<vmem>>
        %dma_wait3A_497 = tpu.memref_squeeze %dma_wait3A_496 : memref<1x80xi32, #tpu.memory_space<vmem>> -> memref<80xi32, #tpu.memory_space<vmem>>
        %dma_wait3A_498 = arith.constant 0 : i32
        %dma_wait3A_499 = arith.constant 0 : i32
        %dma_wait3A_500 = tpu.memref_slice %arg38[%dma_wait3A_498, %dma_wait3A_499] : memref<10240x16xf32, #tpu.memory_space<vmem_shared>> -> memref<10240x16xf32, #tpu.memory_space<vmem_shared>>
        tpu.wait_indirect_dma semaphore(%arg36 : memref<!tpu.dma_semaphore, #tpu.memory_space<semaphore_mem>>) src(%arg16 : memref<80x16xf32, #tpu.memory_space<vmem>>) dst(%dma_wait3A_500 : memref<10240x16xf32, #tpu.memory_space<vmem_shared>>)
        %dma_start3A_501 = arith.constant 0 : i32
        %dma_start3A_502 = tpu.memref_slice %arg6[%add3A_478, %dma_start3A_501] : memref<125x80xi32, #tpu.memory_space<vmem>> -> memref<1x80xi32, #tpu.memory_space<vmem>>
        %dma_start3A_503 = tpu.memref_squeeze %dma_start3A_502 : memref<1x80xi32, #tpu.memory_space<vmem>> -> memref<80xi32, #tpu.memory_space<vmem>>
        %dma_start3A_504 = arith.constant 0 : i32
        %dma_start3A_505 = arith.constant 0 : i32
        %dma_start3A_506 = tpu.memref_slice %arg2[%dma_start3A_504, %dma_start3A_505] : memref<10000x16xf32, #tpu.memory_space<hbm>> -> memref<10000x16xf32, #tpu.memory_space<hbm>>
        tpu.enqueue_indirect_dma source(%dma_start3A_506 : memref<10000x16xf32, #tpu.memory_space<hbm>>) target(%arg16 : memref<80x16xf32, #tpu.memory_space<vmem>>) offsets(%dma_start3A_503 : memref<80xi32, #tpu.memory_space<vmem>>) semaphore(%arg26 : memref<!tpu.dma_semaphore, #tpu.memory_space<semaphore_mem>>)
      } else {
      }
      %add3A_484 = arith.constant 5 : i32
      %add3A_485 = arith.addi %mul3A_227, %add3A_484 : i32
      %add3A_486 = arith.constant 4 : i32
      %add3A_487 = arith.addi %add3A_485, %add3A_486 : i32
      %add3A_488 = arith.constant 10 : i32
      %add3A_489 = arith.addi %add3A_487, %add3A_488 : i32
      %lt3A_490 = arith.constant 125 : i32
      %lt3A_491 = arith.cmpi slt, %add3A_489, %lt3A_490 : i32
      %convert_element_type3A_492 = arith.extui %lt3A_491 : i1 to i32
      %cond3A_493 = arith.constant 0 : i32
      %cond3A_494 = arith.cmpi ne, %convert_element_type3A_492, %cond3A_493 : i32
      scf.if %cond3A_494 {
        %dma_wait3A_495 = arith.constant 0 : i32
        %dma_wait3A_496 = tpu.memref_slice %arg7[%add3A_487, %dma_wait3A_495] : memref<125x80xi32, #tpu.memory_space<vmem>> -> memref<1x80xi32, #tpu.memory_space<vmem>>
        %dma_wait3A_497 = tpu.memref_squeeze %dma_wait3A_496 : memref<1x80xi32, #tpu.memory_space<vmem>> -> memref<80xi32, #tpu.memory_space<vmem>>
        %dma_wait3A_498 = arith.constant 0 : i32
        %dma_wait3A_499 = arith.constant 0 : i32
        %dma_wait3A_500 = tpu.memref_slice %arg38[%dma_wait3A_498, %dma_wait3A_499] : memref<10240x16xf32, #tpu.memory_space<vmem_shared>> -> memref<10240x16xf32, #tpu.memory_space<vmem_shared>>
        tpu.wait_indirect_dma semaphore(%arg37 : memref<!tpu.dma_semaphore, #tpu.memory_space<semaphore_mem>>) src(%arg17 : memref<80x16xf32, #tpu.memory_space<vmem>>) dst(%dma_wait3A_500 : memref<10240x16xf32, #tpu.memory_space<vmem_shared>>)
        %dma_start3A_501 = arith.constant 0 : i32
        %dma_start3A_502 = tpu.memref_slice %arg6[%add3A_489, %dma_start3A_501] : memref<125x80xi32, #tpu.memory_space<vmem>> -> memref<1x80xi32, #tpu.memory_space<vmem>>
        %dma_start3A_503 = tpu.memref_squeeze %dma_start3A_502 : memref<1x80xi32, #tpu.memory_space<vmem>> -> memref<80xi32, #tpu.memory_space<vmem>>
        %dma_start3A_504 = arith.constant 0 : i32
        %dma_start3A_505 = arith.constant 0 : i32
        %dma_start3A_506 = tpu.memref_slice %arg2[%dma_start3A_504, %dma_start3A_505] : memref<10000x16xf32, #tpu.memory_space<hbm>> -> memref<10000x16xf32, #tpu.memory_space<hbm>>
        tpu.enqueue_indirect_dma source(%dma_start3A_506 : memref<10000x16xf32, #tpu.memory_space<hbm>>) target(%arg17 : memref<80x16xf32, #tpu.memory_space<vmem>>) offsets(%dma_start3A_503 : memref<80xi32, #tpu.memory_space<vmem>>) semaphore(%arg27 : memref<!tpu.dma_semaphore, #tpu.memory_space<semaphore_mem>>)
      } else {
      }
    }
    %scan3A_80 = arith.constant 12 : i32
    %dma_wait3A = arith.constant 120 : i32
    %dma_wait3A_81 = arith.constant 0 : i32
    %dma_wait3A_82 = tpu.memref_slice %arg6[%dma_wait3A, %dma_wait3A_81] : memref<125x80xi32, #tpu.memory_space<vmem>> -> memref<1x80xi32, #tpu.memory_space<vmem>>
    %dma_wait3A_83 = tpu.memref_squeeze %dma_wait3A_82 : memref<1x80xi32, #tpu.memory_space<vmem>> -> memref<80xi32, #tpu.memory_space<vmem>>
    %dma_wait3A_84 = arith.constant 0 : i32
    %dma_wait3A_85 = arith.constant 0 : i32
    %dma_wait3A_86 = tpu.memref_slice %arg2[%dma_wait3A_84, %dma_wait3A_85] : memref<10000x16xf32, #tpu.memory_space<hbm>> -> memref<10000x16xf32, #tpu.memory_space<hbm>>
    tpu.wait_indirect_dma semaphore(%arg18 : memref<!tpu.dma_semaphore, #tpu.memory_space<semaphore_mem>>) src(%dma_wait3A_86 : memref<10000x16xf32, #tpu.memory_space<hbm>>) dst(%arg8 : memref<80x16xf32, #tpu.memory_space<vmem>>)
    %dma_start3A_87 = arith.constant 120 : i32
    %dma_start3A_88 = arith.constant 0 : i32
    %dma_start3A_89 = tpu.memref_slice %arg7[%dma_start3A_87, %dma_start3A_88] : memref<125x80xi32, #tpu.memory_space<vmem>> -> memref<1x80xi32, #tpu.memory_space<vmem>>
    %dma_start3A_90 = tpu.memref_squeeze %dma_start3A_89 : memref<1x80xi32, #tpu.memory_space<vmem>> -> memref<80xi32, #tpu.memory_space<vmem>>
    %dma_start3A_91 = arith.constant 0 : i32
    %dma_start3A_92 = arith.constant 0 : i32
    %dma_start3A_93 = tpu.memref_slice %arg38[%dma_start3A_91, %dma_start3A_92] : memref<10240x16xf32, #tpu.memory_space<vmem_shared>> -> memref<10240x16xf32, #tpu.memory_space<vmem_shared>>
    tpu.enqueue_indirect_dma source(%arg8 : memref<80x16xf32, #tpu.memory_space<vmem>>) target(%dma_start3A_93 : memref<10240x16xf32, #tpu.memory_space<vmem_shared>>) offsets(%dma_start3A_90 : memref<80xi32, #tpu.memory_space<vmem>>) semaphore(%arg28 : memref<!tpu.dma_semaphore, #tpu.memory_space<semaphore_mem>>) {add = true}
    %dma_wait3A_94 = arith.constant 121 : i32
    %dma_wait3A_95 = arith.constant 0 : i32
    %dma_wait3A_96 = tpu.memref_slice %arg6[%dma_wait3A_94, %dma_wait3A_95] : memref<125x80xi32, #tpu.memory_space<vmem>> -> memref<1x80xi32, #tpu.memory_space<vmem>>
    %dma_wait3A_97 = tpu.memref_squeeze %dma_wait3A_96 : memref<1x80xi32, #tpu.memory_space<vmem>> -> memref<80xi32, #tpu.memory_space<vmem>>
    %dma_wait3A_98 = arith.constant 0 : i32
    %dma_wait3A_99 = arith.constant 0 : i32
    %dma_wait3A_100 = tpu.memref_slice %arg2[%dma_wait3A_98, %dma_wait3A_99] : memref<10000x16xf32, #tpu.memory_space<hbm>> -> memref<10000x16xf32, #tpu.memory_space<hbm>>
    tpu.wait_indirect_dma semaphore(%arg19 : memref<!tpu.dma_semaphore, #tpu.memory_space<semaphore_mem>>) src(%dma_wait3A_100 : memref<10000x16xf32, #tpu.memory_space<hbm>>) dst(%arg9 : memref<80x16xf32, #tpu.memory_space<vmem>>)
    %dma_start3A_101 = arith.constant 121 : i32
    %dma_start3A_102 = arith.constant 0 : i32
    %dma_start3A_103 = tpu.memref_slice %arg7[%dma_start3A_101, %dma_start3A_102] : memref<125x80xi32, #tpu.memory_space<vmem>> -> memref<1x80xi32, #tpu.memory_space<vmem>>
    %dma_start3A_104 = tpu.memref_squeeze %dma_start3A_103 : memref<1x80xi32, #tpu.memory_space<vmem>> -> memref<80xi32, #tpu.memory_space<vmem>>
    %dma_start3A_105 = arith.constant 0 : i32
    %dma_start3A_106 = arith.constant 0 : i32
    %dma_start3A_107 = tpu.memref_slice %arg38[%dma_start3A_105, %dma_start3A_106] : memref<10240x16xf32, #tpu.memory_space<vmem_shared>> -> memref<10240x16xf32, #tpu.memory_space<vmem_shared>>
    tpu.enqueue_indirect_dma source(%arg9 : memref<80x16xf32, #tpu.memory_space<vmem>>) target(%dma_start3A_107 : memref<10240x16xf32, #tpu.memory_space<vmem_shared>>) offsets(%dma_start3A_104 : memref<80xi32, #tpu.memory_space<vmem>>) semaphore(%arg29 : memref<!tpu.dma_semaphore, #tpu.memory_space<semaphore_mem>>) {add = true}
    %dma_wait3A_108 = arith.constant 122 : i32
    %dma_wait3A_109 = arith.constant 0 : i32
    %dma_wait3A_110 = tpu.memref_slice %arg6[%dma_wait3A_108, %dma_wait3A_109] : memref<125x80xi32, #tpu.memory_space<vmem>> -> memref<1x80xi32, #tpu.memory_space<vmem>>
    %dma_wait3A_111 = tpu.memref_squeeze %dma_wait3A_110 : memref<1x80xi32, #tpu.memory_space<vmem>> -> memref<80xi32, #tpu.memory_space<vmem>>
    %dma_wait3A_112 = arith.constant 0 : i32
    %dma_wait3A_113 = arith.constant 0 : i32
    %dma_wait3A_114 = tpu.memref_slice %arg2[%dma_wait3A_112, %dma_wait3A_113] : memref<10000x16xf32, #tpu.memory_space<hbm>> -> memref<10000x16xf32, #tpu.memory_space<hbm>>
    tpu.wait_indirect_dma semaphore(%arg20 : memref<!tpu.dma_semaphore, #tpu.memory_space<semaphore_mem>>) src(%dma_wait3A_114 : memref<10000x16xf32, #tpu.memory_space<hbm>>) dst(%arg10 : memref<80x16xf32, #tpu.memory_space<vmem>>)
    %dma_start3A_115 = arith.constant 122 : i32
    %dma_start3A_116 = arith.constant 0 : i32
    %dma_start3A_117 = tpu.memref_slice %arg7[%dma_start3A_115, %dma_start3A_116] : memref<125x80xi32, #tpu.memory_space<vmem>> -> memref<1x80xi32, #tpu.memory_space<vmem>>
    %dma_start3A_118 = tpu.memref_squeeze %dma_start3A_117 : memref<1x80xi32, #tpu.memory_space<vmem>> -> memref<80xi32, #tpu.memory_space<vmem>>
    %dma_start3A_119 = arith.constant 0 : i32
    %dma_start3A_120 = arith.constant 0 : i32
    %dma_start3A_121 = tpu.memref_slice %arg38[%dma_start3A_119, %dma_start3A_120] : memref<10240x16xf32, #tpu.memory_space<vmem_shared>> -> memref<10240x16xf32, #tpu.memory_space<vmem_shared>>
    tpu.enqueue_indirect_dma source(%arg10 : memref<80x16xf32, #tpu.memory_space<vmem>>) target(%dma_start3A_121 : memref<10240x16xf32, #tpu.memory_space<vmem_shared>>) offsets(%dma_start3A_118 : memref<80xi32, #tpu.memory_space<vmem>>) semaphore(%arg30 : memref<!tpu.dma_semaphore, #tpu.memory_space<semaphore_mem>>) {add = true}
    %dma_wait3A_122 = arith.constant 123 : i32
    %dma_wait3A_123 = arith.constant 0 : i32
    %dma_wait3A_124 = tpu.memref_slice %arg6[%dma_wait3A_122, %dma_wait3A_123] : memref<125x80xi32, #tpu.memory_space<vmem>> -> memref<1x80xi32, #tpu.memory_space<vmem>>
    %dma_wait3A_125 = tpu.memref_squeeze %dma_wait3A_124 : memref<1x80xi32, #tpu.memory_space<vmem>> -> memref<80xi32, #tpu.memory_space<vmem>>
    %dma_wait3A_126 = arith.constant 0 : i32
    %dma_wait3A_127 = arith.constant 0 : i32
    %dma_wait3A_128 = tpu.memref_slice %arg2[%dma_wait3A_126, %dma_wait3A_127] : memref<10000x16xf32, #tpu.memory_space<hbm>> -> memref<10000x16xf32, #tpu.memory_space<hbm>>
    tpu.wait_indirect_dma semaphore(%arg21 : memref<!tpu.dma_semaphore, #tpu.memory_space<semaphore_mem>>) src(%dma_wait3A_128 : memref<10000x16xf32, #tpu.memory_space<hbm>>) dst(%arg11 : memref<80x16xf32, #tpu.memory_space<vmem>>)
    %dma_start3A_129 = arith.constant 123 : i32
    %dma_start3A_130 = arith.constant 0 : i32
    %dma_start3A_131 = tpu.memref_slice %arg7[%dma_start3A_129, %dma_start3A_130] : memref<125x80xi32, #tpu.memory_space<vmem>> -> memref<1x80xi32, #tpu.memory_space<vmem>>
    %dma_start3A_132 = tpu.memref_squeeze %dma_start3A_131 : memref<1x80xi32, #tpu.memory_space<vmem>> -> memref<80xi32, #tpu.memory_space<vmem>>
    %dma_start3A_133 = arith.constant 0 : i32
    %dma_start3A_134 = arith.constant 0 : i32
    %dma_start3A_135 = tpu.memref_slice %arg38[%dma_start3A_133, %dma_start3A_134] : memref<10240x16xf32, #tpu.memory_space<vmem_shared>> -> memref<10240x16xf32, #tpu.memory_space<vmem_shared>>
    tpu.enqueue_indirect_dma source(%arg11 : memref<80x16xf32, #tpu.memory_space<vmem>>) target(%dma_start3A_135 : memref<10240x16xf32, #tpu.memory_space<vmem_shared>>) offsets(%dma_start3A_132 : memref<80xi32, #tpu.memory_space<vmem>>) semaphore(%arg31 : memref<!tpu.dma_semaphore, #tpu.memory_space<semaphore_mem>>) {add = true}
    %dma_wait3A_136 = arith.constant 124 : i32
    %dma_wait3A_137 = arith.constant 0 : i32
    %dma_wait3A_138 = tpu.memref_slice %arg6[%dma_wait3A_136, %dma_wait3A_137] : memref<125x80xi32, #tpu.memory_space<vmem>> -> memref<1x80xi32, #tpu.memory_space<vmem>>
    %dma_wait3A_139 = tpu.memref_squeeze %dma_wait3A_138 : memref<1x80xi32, #tpu.memory_space<vmem>> -> memref<80xi32, #tpu.memory_space<vmem>>
    %dma_wait3A_140 = arith.constant 0 : i32
    %dma_wait3A_141 = arith.constant 0 : i32
    %dma_wait3A_142 = tpu.memref_slice %arg2[%dma_wait3A_140, %dma_wait3A_141] : memref<10000x16xf32, #tpu.memory_space<hbm>> -> memref<10000x16xf32, #tpu.memory_space<hbm>>
    tpu.wait_indirect_dma semaphore(%arg22 : memref<!tpu.dma_semaphore, #tpu.memory_space<semaphore_mem>>) src(%dma_wait3A_142 : memref<10000x16xf32, #tpu.memory_space<hbm>>) dst(%arg12 : memref<80x16xf32, #tpu.memory_space<vmem>>)
    %dma_start3A_143 = arith.constant 124 : i32
    %dma_start3A_144 = arith.constant 0 : i32
    %dma_start3A_145 = tpu.memref_slice %arg7[%dma_start3A_143, %dma_start3A_144] : memref<125x80xi32, #tpu.memory_space<vmem>> -> memref<1x80xi32, #tpu.memory_space<vmem>>
    %dma_start3A_146 = tpu.memref_squeeze %dma_start3A_145 : memref<1x80xi32, #tpu.memory_space<vmem>> -> memref<80xi32, #tpu.memory_space<vmem>>
    %dma_start3A_147 = arith.constant 0 : i32
    %dma_start3A_148 = arith.constant 0 : i32
    %dma_start3A_149 = tpu.memref_slice %arg38[%dma_start3A_147, %dma_start3A_148] : memref<10240x16xf32, #tpu.memory_space<vmem_shared>> -> memref<10240x16xf32, #tpu.memory_space<vmem_shared>>
    tpu.enqueue_indirect_dma source(%arg12 : memref<80x16xf32, #tpu.memory_space<vmem>>) target(%dma_start3A_149 : memref<10240x16xf32, #tpu.memory_space<vmem_shared>>) offsets(%dma_start3A_146 : memref<80xi32, #tpu.memory_space<vmem>>) semaphore(%arg32 : memref<!tpu.dma_semaphore, #tpu.memory_space<semaphore_mem>>) {add = true}
    %dma_wait3A_150 = arith.constant 115 : i32
    %dma_wait3A_151 = arith.constant 0 : i32
    %dma_wait3A_152 = tpu.memref_slice %arg7[%dma_wait3A_150, %dma_wait3A_151] : memref<125x80xi32, #tpu.memory_space<vmem>> -> memref<1x80xi32, #tpu.memory_space<vmem>>
    %dma_wait3A_153 = tpu.memref_squeeze %dma_wait3A_152 : memref<1x80xi32, #tpu.memory_space<vmem>> -> memref<80xi32, #tpu.memory_space<vmem>>
    %dma_wait3A_154 = arith.constant 0 : i32
    %dma_wait3A_155 = arith.constant 0 : i32
    %dma_wait3A_156 = tpu.memref_slice %arg38[%dma_wait3A_154, %dma_wait3A_155] : memref<10240x16xf32, #tpu.memory_space<vmem_shared>> -> memref<10240x16xf32, #tpu.memory_space<vmem_shared>>
    tpu.wait_indirect_dma semaphore(%arg33 : memref<!tpu.dma_semaphore, #tpu.memory_space<semaphore_mem>>) src(%arg13 : memref<80x16xf32, #tpu.memory_space<vmem>>) dst(%dma_wait3A_156 : memref<10240x16xf32, #tpu.memory_space<vmem_shared>>)
    %dma_wait3A_157 = arith.constant 116 : i32
    %dma_wait3A_158 = arith.constant 0 : i32
    %dma_wait3A_159 = tpu.memref_slice %arg7[%dma_wait3A_157, %dma_wait3A_158] : memref<125x80xi32, #tpu.memory_space<vmem>> -> memref<1x80xi32, #tpu.memory_space<vmem>>
    %dma_wait3A_160 = tpu.memref_squeeze %dma_wait3A_159 : memref<1x80xi32, #tpu.memory_space<vmem>> -> memref<80xi32, #tpu.memory_space<vmem>>
    %dma_wait3A_161 = arith.constant 0 : i32
    %dma_wait3A_162 = arith.constant 0 : i32
    %dma_wait3A_163 = tpu.memref_slice %arg38[%dma_wait3A_161, %dma_wait3A_162] : memref<10240x16xf32, #tpu.memory_space<vmem_shared>> -> memref<10240x16xf32, #tpu.memory_space<vmem_shared>>
    tpu.wait_indirect_dma semaphore(%arg34 : memref<!tpu.dma_semaphore, #tpu.memory_space<semaphore_mem>>) src(%arg14 : memref<80x16xf32, #tpu.memory_space<vmem>>) dst(%dma_wait3A_163 : memref<10240x16xf32, #tpu.memory_space<vmem_shared>>)
    %dma_wait3A_164 = arith.constant 117 : i32
    %dma_wait3A_165 = arith.constant 0 : i32
    %dma_wait3A_166 = tpu.memref_slice %arg7[%dma_wait3A_164, %dma_wait3A_165] : memref<125x80xi32, #tpu.memory_space<vmem>> -> memref<1x80xi32, #tpu.memory_space<vmem>>
    %dma_wait3A_167 = tpu.memref_squeeze %dma_wait3A_166 : memref<1x80xi32, #tpu.memory_space<vmem>> -> memref<80xi32, #tpu.memory_space<vmem>>
    %dma_wait3A_168 = arith.constant 0 : i32
    %dma_wait3A_169 = arith.constant 0 : i32
    %dma_wait3A_170 = tpu.memref_slice %arg38[%dma_wait3A_168, %dma_wait3A_169] : memref<10240x16xf32, #tpu.memory_space<vmem_shared>> -> memref<10240x16xf32, #tpu.memory_space<vmem_shared>>
    tpu.wait_indirect_dma semaphore(%arg35 : memref<!tpu.dma_semaphore, #tpu.memory_space<semaphore_mem>>) src(%arg15 : memref<80x16xf32, #tpu.memory_space<vmem>>) dst(%dma_wait3A_170 : memref<10240x16xf32, #tpu.memory_space<vmem_shared>>)
    %dma_wait3A_171 = arith.constant 118 : i32
    %dma_wait3A_172 = arith.constant 0 : i32
    %dma_wait3A_173 = tpu.memref_slice %arg7[%dma_wait3A_171, %dma_wait3A_172] : memref<125x80xi32, #tpu.memory_space<vmem>> -> memref<1x80xi32, #tpu.memory_space<vmem>>
    %dma_wait3A_174 = tpu.memref_squeeze %dma_wait3A_173 : memref<1x80xi32, #tpu.memory_space<vmem>> -> memref<80xi32, #tpu.memory_space<vmem>>
    %dma_wait3A_175 = arith.constant 0 : i32
    %dma_wait3A_176 = arith.constant 0 : i32
    %dma_wait3A_177 = tpu.memref_slice %arg38[%dma_wait3A_175, %dma_wait3A_176] : memref<10240x16xf32, #tpu.memory_space<vmem_shared>> -> memref<10240x16xf32, #tpu.memory_space<vmem_shared>>
    tpu.wait_indirect_dma semaphore(%arg36 : memref<!tpu.dma_semaphore, #tpu.memory_space<semaphore_mem>>) src(%arg16 : memref<80x16xf32, #tpu.memory_space<vmem>>) dst(%dma_wait3A_177 : memref<10240x16xf32, #tpu.memory_space<vmem_shared>>)
    %dma_wait3A_178 = arith.constant 119 : i32
    %dma_wait3A_179 = arith.constant 0 : i32
    %dma_wait3A_180 = tpu.memref_slice %arg7[%dma_wait3A_178, %dma_wait3A_179] : memref<125x80xi32, #tpu.memory_space<vmem>> -> memref<1x80xi32, #tpu.memory_space<vmem>>
    %dma_wait3A_181 = tpu.memref_squeeze %dma_wait3A_180 : memref<1x80xi32, #tpu.memory_space<vmem>> -> memref<80xi32, #tpu.memory_space<vmem>>
    %dma_wait3A_182 = arith.constant 0 : i32
    %dma_wait3A_183 = arith.constant 0 : i32
    %dma_wait3A_184 = tpu.memref_slice %arg38[%dma_wait3A_182, %dma_wait3A_183] : memref<10240x16xf32, #tpu.memory_space<vmem_shared>> -> memref<10240x16xf32, #tpu.memory_space<vmem_shared>>
    tpu.wait_indirect_dma semaphore(%arg37 : memref<!tpu.dma_semaphore, #tpu.memory_space<semaphore_mem>>) src(%arg17 : memref<80x16xf32, #tpu.memory_space<vmem>>) dst(%dma_wait3A_184 : memref<10240x16xf32, #tpu.memory_space<vmem_shared>>)
    %dma_wait3A_185 = arith.constant 120 : i32
    %dma_wait3A_186 = arith.constant 0 : i32
    %dma_wait3A_187 = tpu.memref_slice %arg7[%dma_wait3A_185, %dma_wait3A_186] : memref<125x80xi32, #tpu.memory_space<vmem>> -> memref<1x80xi32, #tpu.memory_space<vmem>>
    %dma_wait3A_188 = tpu.memref_squeeze %dma_wait3A_187 : memref<1x80xi32, #tpu.memory_space<vmem>> -> memref<80xi32, #tpu.memory_space<vmem>>
    %dma_wait3A_189 = arith.constant 0 : i32
    %dma_wait3A_190 = arith.constant 0 : i32
    %dma_wait3A_191 = tpu.memref_slice %arg38[%dma_wait3A_189, %dma_wait3A_190] : memref<10240x16xf32, #tpu.memory_space<vmem_shared>> -> memref<10240x16xf32, #tpu.memory_space<vmem_shared>>
    tpu.wait_indirect_dma semaphore(%arg28 : memref<!tpu.dma_semaphore, #tpu.memory_space<semaphore_mem>>) src(%arg8 : memref<80x16xf32, #tpu.memory_space<vmem>>) dst(%dma_wait3A_191 : memref<10240x16xf32, #tpu.memory_space<vmem_shared>>)
    %dma_wait3A_192 = arith.constant 121 : i32
    %dma_wait3A_193 = arith.constant 0 : i32
    %dma_wait3A_194 = tpu.memref_slice %arg7[%dma_wait3A_192, %dma_wait3A_193] : memref<125x80xi32, #tpu.memory_space<vmem>> -> memref<1x80xi32, #tpu.memory_space<vmem>>
    %dma_wait3A_195 = tpu.memref_squeeze %dma_wait3A_194 : memref<1x80xi32, #tpu.memory_space<vmem>> -> memref<80xi32, #tpu.memory_space<vmem>>
    %dma_wait3A_196 = arith.constant 0 : i32
    %dma_wait3A_197 = arith.constant 0 : i32
    %dma_wait3A_198 = tpu.memref_slice %arg38[%dma_wait3A_196, %dma_wait3A_197] : memref<10240x16xf32, #tpu.memory_space<vmem_shared>> -> memref<10240x16xf32, #tpu.memory_space<vmem_shared>>
    tpu.wait_indirect_dma semaphore(%arg29 : memref<!tpu.dma_semaphore, #tpu.memory_space<semaphore_mem>>) src(%arg9 : memref<80x16xf32, #tpu.memory_space<vmem>>) dst(%dma_wait3A_198 : memref<10240x16xf32, #tpu.memory_space<vmem_shared>>)
    %dma_wait3A_199 = arith.constant 122 : i32
    %dma_wait3A_200 = arith.constant 0 : i32
    %dma_wait3A_201 = tpu.memref_slice %arg7[%dma_wait3A_199, %dma_wait3A_200] : memref<125x80xi32, #tpu.memory_space<vmem>> -> memref<1x80xi32, #tpu.memory_space<vmem>>
    %dma_wait3A_202 = tpu.memref_squeeze %dma_wait3A_201 : memref<1x80xi32, #tpu.memory_space<vmem>> -> memref<80xi32, #tpu.memory_space<vmem>>
    %dma_wait3A_203 = arith.constant 0 : i32
    %dma_wait3A_204 = arith.constant 0 : i32
    %dma_wait3A_205 = tpu.memref_slice %arg38[%dma_wait3A_203, %dma_wait3A_204] : memref<10240x16xf32, #tpu.memory_space<vmem_shared>> -> memref<10240x16xf32, #tpu.memory_space<vmem_shared>>
    tpu.wait_indirect_dma semaphore(%arg30 : memref<!tpu.dma_semaphore, #tpu.memory_space<semaphore_mem>>) src(%arg10 : memref<80x16xf32, #tpu.memory_space<vmem>>) dst(%dma_wait3A_205 : memref<10240x16xf32, #tpu.memory_space<vmem_shared>>)
    %dma_wait3A_206 = arith.constant 123 : i32
    %dma_wait3A_207 = arith.constant 0 : i32
    %dma_wait3A_208 = tpu.memref_slice %arg7[%dma_wait3A_206, %dma_wait3A_207] : memref<125x80xi32, #tpu.memory_space<vmem>> -> memref<1x80xi32, #tpu.memory_space<vmem>>
    %dma_wait3A_209 = tpu.memref_squeeze %dma_wait3A_208 : memref<1x80xi32, #tpu.memory_space<vmem>> -> memref<80xi32, #tpu.memory_space<vmem>>
    %dma_wait3A_210 = arith.constant 0 : i32
    %dma_wait3A_211 = arith.constant 0 : i32
    %dma_wait3A_212 = tpu.memref_slice %arg38[%dma_wait3A_210, %dma_wait3A_211] : memref<10240x16xf32, #tpu.memory_space<vmem_shared>> -> memref<10240x16xf32, #tpu.memory_space<vmem_shared>>
    tpu.wait_indirect_dma semaphore(%arg31 : memref<!tpu.dma_semaphore, #tpu.memory_space<semaphore_mem>>) src(%arg11 : memref<80x16xf32, #tpu.memory_space<vmem>>) dst(%dma_wait3A_212 : memref<10240x16xf32, #tpu.memory_space<vmem_shared>>)
    %dma_wait3A_213 = arith.constant 124 : i32
    %dma_wait3A_214 = arith.constant 0 : i32
    %dma_wait3A_215 = tpu.memref_slice %arg7[%dma_wait3A_213, %dma_wait3A_214] : memref<125x80xi32, #tpu.memory_space<vmem>> -> memref<1x80xi32, #tpu.memory_space<vmem>>
    %dma_wait3A_216 = tpu.memref_squeeze %dma_wait3A_215 : memref<1x80xi32, #tpu.memory_space<vmem>> -> memref<80xi32, #tpu.memory_space<vmem>>
    %dma_wait3A_217 = arith.constant 0 : i32
    %dma_wait3A_218 = arith.constant 0 : i32
    %dma_wait3A_219 = tpu.memref_slice %arg38[%dma_wait3A_217, %dma_wait3A_218] : memref<10240x16xf32, #tpu.memory_space<vmem_shared>> -> memref<10240x16xf32, #tpu.memory_space<vmem_shared>>
    tpu.wait_indirect_dma semaphore(%arg32 : memref<!tpu.dma_semaphore, #tpu.memory_space<semaphore_mem>>) src(%arg12 : memref<80x16xf32, #tpu.memory_space<vmem>>) dst(%dma_wait3A_219 : memref<10240x16xf32, #tpu.memory_space<vmem_shared>>)
    %barrier3A_220 = arith.constant 0 : index
    tpu.barrier barrier_id(%barrier3A_220)
    "tpu.region"() ({
      %run_scoped3A_221 = tpu.sem_alloc : memref<!tpu.dma_semaphore, #tpu.memory_space<semaphore_mem>>
      %dma_start3A_222 = arith.constant 0 : i32
      %dma_start3A_223 = tpu.memref_slice %arg5[%arg0, %mul3A_0, %dma_start3A_222] : memref<2x10240x16xf32, #tpu.memory_space<hbm>> -> memref<1x640x16xf32, #tpu.memory_space<hbm>>
      %dma_start3A_224 = tpu.memref_squeeze %dma_start3A_223 : memref<1x640x16xf32, #tpu.memory_space<hbm>> -> memref<640x16xf32, #tpu.memory_space<hbm>>
      %dma_start3A_225 = arith.constant 0 : i32
      %dma_start3A_226 = tpu.memref_slice %arg38[%mul3A_0, %dma_start3A_225] : memref<10240x16xf32, #tpu.memory_space<vmem_shared>> -> memref<640x16xf32, #tpu.memory_space<vmem_shared>>
      tpu.enqueue_dma source(%dma_start3A_226 : memref<640x16xf32, #tpu.memory_space<vmem_shared>>) target(%dma_start3A_224 : memref<640x16xf32, #tpu.memory_space<hbm>>) target_semaphore(%run_scoped3A_221 : memref<!tpu.dma_semaphore, #tpu.memory_space<semaphore_mem>>)
      %dma_wait3A_227 = arith.constant 0 : i32
      %dma_wait3A_228 = tpu.memref_slice %arg5[%arg0, %mul3A_0, %dma_wait3A_227] : memref<2x10240x16xf32, #tpu.memory_space<hbm>> -> memref<1x640x16xf32, #tpu.memory_space<hbm>>
      %dma_wait3A_229 = tpu.memref_squeeze %dma_wait3A_228 : memref<1x640x16xf32, #tpu.memory_space<hbm>> -> memref<640x16xf32, #tpu.memory_space<hbm>>
      %dma_wait3A_230 = arith.constant 0 : i32
      %dma_wait3A_231 = tpu.memref_slice %arg38[%mul3A_0, %dma_wait3A_230] : memref<10240x16xf32, #tpu.memory_space<vmem_shared>> -> memref<640x16xf32, #tpu.memory_space<vmem_shared>>
      tpu.wait_dma2 semaphore(%run_scoped3A_221 : memref<!tpu.dma_semaphore, #tpu.memory_space<semaphore_mem>>) src(%dma_wait3A_231 : memref<640x16xf32, #tpu.memory_space<vmem_shared>>) dst(%dma_wait3A_229 : memref<640x16xf32, #tpu.memory_space<hbm>>)
      tpu.yield
    }) : () -> ()
    return
  }
}

module attributes {stable_mosaic.version = 14 : i64} {
  func.func @body(%arg0: i32, %arg1: memref<1000x128xf32, #tpu.memory_space<vmem>>, %arg2: memref<128x64xf32, #tpu.memory_space<vmem>>, %arg3: memref<2x1000x16xf32, #tpu.memory_space<vmem>>, %arg4: memref<1000x64xf32, #tpu.memory_space<vmem>>) attributes {dimension_semantics = [#tpu.dimension_semantics<arbitrary>], iteration_bounds = array<i64: 10>, scalar_prefetch = 0 : i64, scratch_operands = 0 : i64, tpu.core_type = #tpu.core_type<tc>, window_params = [{transform_indices = @transform_0, window_bounds = array<i64: 1000, 128>}, {pipeline_mode = #tpu.pipeline_mode<synchronous>, transform_indices = @transform_1, window_bounds = array<i64: 128, 64>}, {transform_indices = @transform_2, window_bounds = array<i64: 2, 1000, 16>}, {transform_indices = @transform_3, window_bounds = array<i64: 1000, 64>}]} {
    %get3A = arith.constant 0 : index
    %get3A_0 = arith.constant 0 : index
    %get3A_1 = vector.load %arg1[%get3A, %get3A_0] : memref<1000x128xf32, #tpu.memory_space<vmem>>, vector<1000x128xf32>
    %get3A_2 = arith.constant 0 : index
    %get3A_3 = arith.constant 0 : index
    %get3A_4 = vector.load %arg2[%get3A_2, %get3A_3] : memref<128x64xf32, #tpu.memory_space<vmem>>, vector<128x64xf32>
    %dot_general3A = arith.constant dense<0.000000e+00> : vector<1000x64xf32>
    %dot_general3A_5 = tpu.matmul %get3A_1, %get3A_4, %dot_general3A {dimension_numbers = #tpu.dot_dimension_numbers<[1], [0], [0], [1], [0, 0, 1, 1], [], []>, transpose_lhs_hint = false} : vector<1000x128xf32>, vector<128x64xf32>, vector<1000x64xf32> -> vector<1000x64xf32>
    %get3A_6 = arith.constant 0 : index
    %get3A_7 = arith.constant 0 : index
    %get3A_8 = arith.constant 0 : index
    %get3A_9 = vector.load %arg3[%get3A_6, %get3A_7, %get3A_8] : memref<2x1000x16xf32, #tpu.memory_space<vmem>>, vector<1x1000x16xf32>
    %get3A_10 = vector.shape_cast %get3A_9 : vector<1x1000x16xf32> to vector<1000x16xf32>
    %get3A_11 = arith.constant 1 : index
    %get3A_12 = arith.constant 0 : index
    %get3A_13 = arith.constant 0 : index
    %get3A_14 = vector.load %arg3[%get3A_11, %get3A_12, %get3A_13] : memref<2x1000x16xf32, #tpu.memory_space<vmem>>, vector<1x1000x16xf32>
    %get3A_15 = vector.shape_cast %get3A_14 : vector<1x1000x16xf32> to vector<1000x16xf32>
    %add3A = arith.addf %get3A_10, %get3A_15 : vector<1000x16xf32>
    %add3A_16 = arith.constant 1.000000e+00 : f32
    %add3A_17 = vector.broadcast %add3A_16 : f32 to vector<1000x16xf32>
    %add3A_18 = arith.addf %add3A, %add3A_17 : vector<1000x16xf32>
    %slice3A = vector.extract_strided_slice %add3A_18 {offsets = [0, 0], sizes = [1000, 1], strides = [1, 1]} : vector<1000x16xf32> to vector<1000x1xf32>
    %rsqrt3A = math.rsqrt %slice3A : vector<1000x1xf32>
    %mul3A = vector.broadcast %rsqrt3A : vector<1000x1xf32> to vector<1000x64xf32>
    %mul3A_19 = arith.mulf %dot_general3A_5, %mul3A : vector<1000x64xf32>
    %swap3A = arith.constant 0 : index
    %swap3A_20 = arith.constant 0 : index
    %swap3A_21 = vector.load %arg4[%swap3A, %swap3A_20] : memref<1000x64xf32, #tpu.memory_space<vmem>>, vector<1000x64xf32>
    tpu.vector_store %arg4[%swap3A, %swap3A_20], %mul3A_19 {strides = array<i32>} : memref<1000x64xf32, #tpu.memory_space<vmem>>, vector<1000x64xf32>,
    return
  }
  func.func @transform_0(%arg0: i32) -> (i32, i32) {
    %c0_i32 = arith.constant 0 : i32
    %c0_i32_0 = arith.constant 0 : i32
    return %arg0, %c0_i32 : i32, i32
  }
  func.func @transform_1(%arg0: i32) -> (i32, i32) {
    %c0_i32 = arith.constant 0 : i32
    %c0_i32_0 = arith.constant 0 : i32
    %c0_i32_1 = arith.constant 0 : i32
    return %c0_i32, %c0_i32_0 : i32, i32
  }
  func.func @transform_2(%arg0: i32) -> (i32, i32, i32) {
    %c0_i32 = arith.constant 0 : i32
    %c0_i32_0 = arith.constant 0 : i32
    %c0_i32_1 = arith.constant 0 : i32
    return %c0_i32, %arg0, %c0_i32_0 : i32, i32, i32
  }
  func.func @transform_3(%arg0: i32) -> (i32, i32) {
    %c0_i32 = arith.constant 0 : i32
    %c0_i32_0 = arith.constant 0 : i32
    return %arg0, %c0_i32 : i32, i32
  }
}

module attributes {stable_mosaic.version = 14 : i64} {
  func.func @body(%arg0: i32, %arg1: memref<2x1000x64xf32, #tpu.memory_space<vmem>>, %arg2: memref<1000x64xf32, #tpu.memory_space<vmem>>, %arg3: memref<2x1000x16xf32, #tpu.memory_space<vmem>>, %arg4: memref<1x64xf32, #tpu.memory_space<vmem>>, %arg5: memref<64x16xf32, #tpu.memory_space<vmem>>, %arg6: memref<1000x16xf32, #tpu.memory_space<vmem>>) attributes {dimension_semantics = [#tpu.dimension_semantics<arbitrary>], iteration_bounds = array<i64: 10>, scalar_prefetch = 0 : i64, scratch_operands = 0 : i64, tpu.core_type = #tpu.core_type<tc>, window_params = [{transform_indices = @transform_0, window_bounds = array<i64: 2, 1000, 64>}, {transform_indices = @transform_1, window_bounds = array<i64: 1000, 64>}, {transform_indices = @transform_2, window_bounds = array<i64: 2, 1000, 16>}, {pipeline_mode = #tpu.pipeline_mode<synchronous>, transform_indices = @transform_3, window_bounds = array<i64: 1, 64>}, {pipeline_mode = #tpu.pipeline_mode<synchronous>, transform_indices = @transform_4, window_bounds = array<i64: 64, 16>}, {transform_indices = @transform_5, window_bounds = array<i64: 1000, 16>}]} {
    %get3A = arith.constant 0 : index
    %get3A_0 = arith.constant 0 : index
    %get3A_1 = arith.constant 0 : index
    %get3A_2 = vector.load %arg3[%get3A, %get3A_0, %get3A_1] : memref<2x1000x16xf32, #tpu.memory_space<vmem>>, vector<1x1000x16xf32>
    %get3A_3 = vector.shape_cast %get3A_2 : vector<1x1000x16xf32> to vector<1000x16xf32>
    %get3A_4 = arith.constant 1 : index
    %get3A_5 = arith.constant 0 : index
    %get3A_6 = arith.constant 0 : index
    %get3A_7 = vector.load %arg3[%get3A_4, %get3A_5, %get3A_6] : memref<2x1000x16xf32, #tpu.memory_space<vmem>>, vector<1x1000x16xf32>
    %get3A_8 = vector.shape_cast %get3A_7 : vector<1x1000x16xf32> to vector<1000x16xf32>
    %add3A = arith.addf %get3A_3, %get3A_8 : vector<1000x16xf32>
    %add3A_9 = arith.constant 1.000000e+00 : f32
    %add3A_10 = vector.broadcast %add3A_9 : f32 to vector<1000x16xf32>
    %add3A_11 = arith.addf %add3A, %add3A_10 : vector<1000x16xf32>
    %slice3A = vector.extract_strided_slice %add3A_11 {offsets = [0, 0], sizes = [1000, 1], strides = [1, 1]} : vector<1000x16xf32> to vector<1000x1xf32>
    %rsqrt3A = math.rsqrt %slice3A : vector<1000x1xf32>
    %get3A_12 = arith.constant 0 : index
    %get3A_13 = arith.constant 0 : index
    %get3A_14 = arith.constant 0 : index
    %get3A_15 = vector.load %arg1[%get3A_12, %get3A_13, %get3A_14] : memref<2x1000x64xf32, #tpu.memory_space<vmem>>, vector<1x1000x64xf32>
    %get3A_16 = vector.shape_cast %get3A_15 : vector<1x1000x64xf32> to vector<1000x64xf32>
    %get3A_17 = arith.constant 1 : index
    %get3A_18 = arith.constant 0 : index
    %get3A_19 = arith.constant 0 : index
    %get3A_20 = vector.load %arg1[%get3A_17, %get3A_18, %get3A_19] : memref<2x1000x64xf32, #tpu.memory_space<vmem>>, vector<1x1000x64xf32>
    %get3A_21 = vector.shape_cast %get3A_20 : vector<1x1000x64xf32> to vector<1000x64xf32>
    %add3A_22 = arith.addf %get3A_16, %get3A_21 : vector<1000x64xf32>
    %get3A_23 = arith.constant 0 : index
    %get3A_24 = arith.constant 0 : index
    %get3A_25 = vector.load %arg2[%get3A_23, %get3A_24] : memref<1000x64xf32, #tpu.memory_space<vmem>>, vector<1000x64xf32>
    %add3A_26 = arith.addf %add3A_22, %get3A_25 : vector<1000x64xf32>
    %mul3A = vector.broadcast %rsqrt3A : vector<1000x1xf32> to vector<1000x64xf32>
    %mul3A_27 = arith.mulf %mul3A, %add3A_26 : vector<1000x64xf32>
    %get3A_28 = arith.constant 0 : index
    %get3A_29 = arith.constant 0 : index
    %get3A_30 = vector.load %arg4[%get3A_28, %get3A_29] : memref<1x64xf32, #tpu.memory_space<vmem>>, vector<1x64xf32>
    %add3A_31 = vector.broadcast %get3A_30 : vector<1x64xf32> to vector<1000x64xf32>
    %add3A_32 = arith.addf %mul3A_27, %add3A_31 : vector<1000x64xf32>
    %max3A = arith.constant 0.000000e+00 : f32
    %max3A_33 = vector.broadcast %max3A : f32 to vector<1000x64xf32>
    %max3A_34 = arith.maximumf %add3A_32, %max3A_33 : vector<1000x64xf32>
    %get3A_35 = arith.constant 0 : index
    %get3A_36 = arith.constant 0 : index
    %get3A_37 = vector.load %arg5[%get3A_35, %get3A_36] : memref<64x16xf32, #tpu.memory_space<vmem>>, vector<64x16xf32>
    %dot_general3A = arith.constant dense<0.000000e+00> : vector<1000x16xf32>
    %dot_general3A_38 = tpu.matmul %max3A_34, %get3A_37, %dot_general3A {dimension_numbers = #tpu.dot_dimension_numbers<[1], [0], [0], [1], [0, 0, 1, 1], [], []>, transpose_lhs_hint = false} : vector<1000x64xf32>, vector<64x16xf32>, vector<1000x16xf32> -> vector<1000x16xf32>
    %mul3A_39 = vector.broadcast %rsqrt3A : vector<1000x1xf32> to vector<1000x16xf32>
    %mul3A_40 = arith.mulf %mul3A_39, %dot_general3A_38 : vector<1000x16xf32>
    %swap3A = arith.constant 0 : index
    %swap3A_41 = arith.constant 0 : index
    %swap3A_42 = vector.load %arg6[%swap3A, %swap3A_41] : memref<1000x16xf32, #tpu.memory_space<vmem>>, vector<1000x16xf32>
    tpu.vector_store %arg6[%swap3A, %swap3A_41], %mul3A_40 {strides = array<i32>} : memref<1000x16xf32, #tpu.memory_space<vmem>>, vector<1000x16xf32>,
    return
  }
  func.func @transform_0(%arg0: i32) -> (i32, i32, i32) {
    %c0_i32 = arith.constant 0 : i32
    %c0_i32_0 = arith.constant 0 : i32
    %c0_i32_1 = arith.constant 0 : i32
    return %c0_i32, %arg0, %c0_i32_0 : i32, i32, i32
  }
  func.func @transform_1(%arg0: i32) -> (i32, i32) {
    %c0_i32 = arith.constant 0 : i32
    %c0_i32_0 = arith.constant 0 : i32
    return %arg0, %c0_i32 : i32, i32
  }
  func.func @transform_2(%arg0: i32) -> (i32, i32, i32) {
    %c0_i32 = arith.constant 0 : i32
    %c0_i32_0 = arith.constant 0 : i32
    %c0_i32_1 = arith.constant 0 : i32
    return %c0_i32, %arg0, %c0_i32_0 : i32, i32, i32
  }
  func.func @transform_3(%arg0: i32) -> (i32, i32) {
    %c0_i32 = arith.constant 0 : i32
    %c0_i32_0 = arith.constant 0 : i32
    %c0_i32_1 = arith.constant 0 : i32
    return %c0_i32, %c0_i32_0 : i32, i32
  }
  func.func @transform_4(%arg0: i32) -> (i32, i32) {
    %c0_i32 = arith.constant 0 : i32
    %c0_i32_0 = arith.constant 0 : i32
    %c0_i32_1 = arith.constant 0 : i32
    return %c0_i32, %c0_i32_0 : i32, i32
  }
  func.func @transform_5(%arg0: i32) -> (i32, i32) {
    %c0_i32 = arith.constant 0 : i32
    %c0_i32_0 = arith.constant 0 : i32
    return %arg0, %c0_i32 : i32, i32
  }
}

module attributes {stable_mosaic.version = 14 : i64} {
  func.func @body(%arg0: i32, %arg1: memref<2x1000x16xf32, #tpu.memory_space<vmem>>, %arg2: memref<1000x16xf32, #tpu.memory_space<vmem>>, %arg3: memref<2x1000x16xf32, #tpu.memory_space<vmem>>, %arg4: memref<1x16xf32, #tpu.memory_space<vmem>>, %arg5: memref<1000x2xf32, #tpu.memory_space<vmem>>) attributes {dimension_semantics = [#tpu.dimension_semantics<arbitrary>], iteration_bounds = array<i64: 10>, scalar_prefetch = 0 : i64, scratch_operands = 0 : i64, tpu.core_type = #tpu.core_type<tc>, window_params = [{transform_indices = @transform_0, window_bounds = array<i64: 2, 1000, 16>}, {transform_indices = @transform_1, window_bounds = array<i64: 1000, 16>}, {transform_indices = @transform_2, window_bounds = array<i64: 2, 1000, 16>}, {pipeline_mode = #tpu.pipeline_mode<synchronous>, transform_indices = @transform_3, window_bounds = array<i64: 1, 16>}, {transform_indices = @transform_4, window_bounds = array<i64: 1000, 2>}]} {
    %get3A = arith.constant 0 : index
    %get3A_0 = arith.constant 0 : index
    %get3A_1 = arith.constant 0 : index
    %get3A_2 = vector.load %arg3[%get3A, %get3A_0, %get3A_1] : memref<2x1000x16xf32, #tpu.memory_space<vmem>>, vector<1x1000x16xf32>
    %get3A_3 = vector.shape_cast %get3A_2 : vector<1x1000x16xf32> to vector<1000x16xf32>
    %get3A_4 = arith.constant 1 : index
    %get3A_5 = arith.constant 0 : index
    %get3A_6 = arith.constant 0 : index
    %get3A_7 = vector.load %arg3[%get3A_4, %get3A_5, %get3A_6] : memref<2x1000x16xf32, #tpu.memory_space<vmem>>, vector<1x1000x16xf32>
    %get3A_8 = vector.shape_cast %get3A_7 : vector<1x1000x16xf32> to vector<1000x16xf32>
    %add3A = arith.addf %get3A_3, %get3A_8 : vector<1000x16xf32>
    %add3A_9 = arith.constant 1.000000e+00 : f32
    %add3A_10 = vector.broadcast %add3A_9 : f32 to vector<1000x16xf32>
    %add3A_11 = arith.addf %add3A, %add3A_10 : vector<1000x16xf32>
    %slice3A = vector.extract_strided_slice %add3A_11 {offsets = [0, 0], sizes = [1000, 1], strides = [1, 1]} : vector<1000x16xf32> to vector<1000x1xf32>
    %rsqrt3A = math.rsqrt %slice3A : vector<1000x1xf32>
    %get3A_12 = arith.constant 0 : index
    %get3A_13 = arith.constant 0 : index
    %get3A_14 = arith.constant 0 : index
    %get3A_15 = vector.load %arg1[%get3A_12, %get3A_13, %get3A_14] : memref<2x1000x16xf32, #tpu.memory_space<vmem>>, vector<1x1000x16xf32>
    %get3A_16 = vector.shape_cast %get3A_15 : vector<1x1000x16xf32> to vector<1000x16xf32>
    %get3A_17 = arith.constant 1 : index
    %get3A_18 = arith.constant 0 : index
    %get3A_19 = arith.constant 0 : index
    %get3A_20 = vector.load %arg1[%get3A_17, %get3A_18, %get3A_19] : memref<2x1000x16xf32, #tpu.memory_space<vmem>>, vector<1x1000x16xf32>
    %get3A_21 = vector.shape_cast %get3A_20 : vector<1x1000x16xf32> to vector<1000x16xf32>
    %add3A_22 = arith.addf %get3A_16, %get3A_21 : vector<1000x16xf32>
    %get3A_23 = arith.constant 0 : index
    %get3A_24 = arith.constant 0 : index
    %get3A_25 = vector.load %arg2[%get3A_23, %get3A_24] : memref<1000x16xf32, #tpu.memory_space<vmem>>, vector<1000x16xf32>
    %add3A_26 = arith.addf %add3A_22, %get3A_25 : vector<1000x16xf32>
    %mul3A = vector.broadcast %rsqrt3A : vector<1000x1xf32> to vector<1000x16xf32>
    %mul3A_27 = arith.mulf %mul3A, %add3A_26 : vector<1000x16xf32>
    %get3A_28 = arith.constant 0 : index
    %get3A_29 = arith.constant 0 : index
    %get3A_30 = vector.load %arg4[%get3A_28, %get3A_29] : memref<1x16xf32, #tpu.memory_space<vmem>>, vector<1x16xf32>
    %add3A_31 = vector.broadcast %get3A_30 : vector<1x16xf32> to vector<1000x16xf32>
    %add3A_32 = arith.addf %mul3A_27, %add3A_31 : vector<1000x16xf32>
    %slice3A_33 = vector.extract_strided_slice %add3A_32 {offsets = [0, 0], sizes = [1000, 2], strides = [1, 1]} : vector<1000x16xf32> to vector<1000x2xf32>
    %swap3A = arith.constant 0 : index
    %swap3A_34 = arith.constant 0 : index
    %swap3A_35 = vector.load %arg5[%swap3A, %swap3A_34] : memref<1000x2xf32, #tpu.memory_space<vmem>>, vector<1000x2xf32>
    tpu.vector_store %arg5[%swap3A, %swap3A_34], %slice3A_33 {strides = array<i32>} : memref<1000x2xf32, #tpu.memory_space<vmem>>, vector<1000x2xf32>,
    return
  }
  func.func @transform_0(%arg0: i32) -> (i32, i32, i32) {
    %c0_i32 = arith.constant 0 : i32
    %c0_i32_0 = arith.constant 0 : i32
    %c0_i32_1 = arith.constant 0 : i32
    return %c0_i32, %arg0, %c0_i32_0 : i32, i32, i32
  }
  func.func @transform_1(%arg0: i32) -> (i32, i32) {
    %c0_i32 = arith.constant 0 : i32
    %c0_i32_0 = arith.constant 0 : i32
    return %arg0, %c0_i32 : i32, i32
  }
  func.func @transform_2(%arg0: i32) -> (i32, i32, i32) {
    %c0_i32 = arith.constant 0 : i32
    %c0_i32_0 = arith.constant 0 : i32
    %c0_i32_1 = arith.constant 0 : i32
    return %c0_i32, %arg0, %c0_i32_0 : i32, i32, i32
  }
  func.func @transform_3(%arg0: i32) -> (i32, i32) {
    %c0_i32 = arith.constant 0 : i32
    %c0_i32_0 = arith.constant 0 : i32
    %c0_i32_1 = arith.constant 0 : i32
    return %c0_i32, %c0_i32_0 : i32, i32
  }
  func.func @transform_4(%arg0: i32) -> (i32, i32) {
    %c0_i32 = arith.constant 0 : i32
    %c0_i32_0 = arith.constant 0 : i32
    return %arg0, %c0_i32 : i32, i32
  }
}

</mosaic_0001>

<sc_bundles>
// kernel: kernel.11.cloned.1.call-start
scs
__scs_entry_jumppad:
0x0: {  	(pc) =	sbr.rel $0x88, $3  }
0x1: {  	(tag) =	ssettag $0x0;
	lr =	simm.s32 $0x1  }
0x2: {  	[smem:$0x3F9B] =	sst lr;
	_ =	strace $0xD0000000  }
0x3: {  	_ = 	snop  }
0x4: {  	_ = 	snop  }
0x5: {  	_ = 	snop  }
0x6: {  	_ = 	snop  }
0x7: {  	_ = 	snop  }
__scs_overlays_trampoline_lowered:
0x8: {  	[smem:$0x3FAA] =	sst s0  }
0x9: {  	[smem:$0x3FAB] =	sst s1  }
0xa: {  	[smem:$0x3FAC] =	sst s2  }
0xb: {  	[smem:$0x3FAD] =	sst s3  }
0xc: {  	[smem:$0x3FAE] =	sst s4  }
0xd: {  	[smem:$0x3FAF] =	sst s5  }
0xe: {  	[smem:$0x3FB0] =	sst s6  }
0xf: {  	[smem:$0x3FB1] =	sst s7  }
0x10: {  	[smem:$0x3FB2] =	sst s8  }
0x11: {  	[smem:$0x3FB3] =	sst s9;
	s0 =	simm.s32 @!p0 $0x0  }
0x12: {  	s1 =	sld [smem:$0x3F99];
	s0 =	simm.s32 @p0 $0x1  }
0x13: {  	[smem:$0x3FB4] =	sst s0;
	s0 =	simm.s32 @!p1 $0x0  }
0x14: {  	s2 =	sld [smem:$0x3F98];
	s0 =	simm.s32 @p1 $0x1  }
0x15: {  	[smem:$0x3FB5] =	sst s0;
	s0 =	simm.s32 @!p2 $0x0  }
0x16: {  	s3 =	sld [smem:$0x3FDB];
	s0 =	simm.s32 @p2 $0x1  }
0x17: {  	s4 =	simm.s32 $0x1BF5;
	[smem:$0x3FB7] =	sst s0  }
0x18: {  	s0 =	sld [smem:$0x3F9A];
	_ =	swait.ge [sflag:s4], $0x0  }
0x19: {  	s7 =	sld [smem:$0x3F9B]  }
0x1a: {  	s8 =	sadd.s32 $0xFFFFE003, lr  }
0x1b: {  	s9 =	sadd.s32 $0xFFFFFEF7, lr;
	s5 =	simm.s32 $0xFFFFFFFF;
	p2 =	slt.u32 s8, $0xFFFFF086  }
0x1c: {  	p1 =	slt.u32 s9, $0xF7A;
	s5 =	simm.s32 @!p2 $0x0  }
0x1d: {  	s5 =	simm.s32 @p1 $0x1;
	p0 =	seq.s32 s7, s2  }
0x1e: {  	s7 =	smul.u32 @!p0 $0xF7A, s2;
	p2 =	seq.s32 @!p0 s5, $0x0  }
0x1f: {  	s9 =	smul.u32 $0xF7A, s1;
	s8 =	simm.s32 @!p0 $0x1BF5;
	p2 =	por !p2, p0  }
0x20: {  	[sflag:s8] =	ssyncset.s32 @!p0 $0xFFFFF086;
	s6 =	sadd.s32 @!p0 s3, s7;
	s7 =	simm.s32 @!p0 $0x108  }
0x21: {  	s3 =	sadd.s32 s3, s9;
	s6 =	sadd.s32 @!p0 $0x88, s6;
	s7 =	simm.s32 @p2 $0x1082  }
0x22: {  	[simem:s7], [sflag:s8] =	dma.local @!p0 [hbm:s6], $0xF7A  }
0x23: {  	s9 =	sor.u32 $0xD0000000, s2;
	s6 =	simm.s32 $0x108;
	_ =	swait.ge @!p0 [sflag:s8], $0x0  }
0x24: {  	s3 =	sadd.s32 $0x88, s3;
	s6 =	simm.s32 @!p1 $0x1082;
	[sflag:s4] =	ssyncset.s32 $0xFFFFF086  }
0x25: {  	[simem:s6], [sflag:s4] =	dma.local [hbm:s3], $0xF7A  }
0x26: {  	[smem:$0x3F9B] =	sst s1;
	(tag) =	ssettag s2;
	_ =	strace s9  }
0x27: {  	s1 =	sld [smem:$0x3FAB]  }
0x28: {  	s2 =	sld [smem:$0x3FAC]  }
0x29: {  	s4 =	sld [smem:$0x3FAE]  }
0x2a: {  	p0 =	seq.s32 s5, $0x0;
	s5 =	sld [smem:$0x3FAF]  }
0x2b: {  	s6 =	sld [smem:$0x3FB0]  }
0x2c: {  	s7 =	sld [smem:$0x3FB1]  }
0x2d: {  	s3 =	simm.s32 $0x108;
	s8 =	sld [smem:$0x3FB2]  }
0x2e: {  	s3 =	simm.s32 @!p0 $0x1082;
	s9 =	sld [smem:$0x3FB3]  }
0x2f: {  	lr =	sadd.s32 s0, s3;
	s0 =	sld [smem:$0x3FAA]  }
0x30: {  	s3 =	sld [smem:$0x3FAD]  }
0x31: {  	[smem:$0x3FB6] =	sst s10  }
0x32: {  	s10 =	sld [smem:$0x3FB4];
	_ =	sdelay $0x3  }
0x33: {  	p0 =	seq.s32 s10, $0x1;
	s10 =	sld [smem:$0x3FB6];
	_ =	sdelay $0x3  }
0x34: {  	[smem:$0x3FB6] =	sst s10  }
0x35: {  	s10 =	sld [smem:$0x3FB5];
	_ =	sdelay $0x3  }
0x36: {  	p1 =	seq.s32 s10, $0x1;
	s10 =	sld [smem:$0x3FB6];
	_ =	sdelay $0x3  }
0x37: {  	[smem:$0x3FB6] =	sst s10  }
0x38: {  	s10 =	sld [smem:$0x3FB7]  }
0x39: {  	_ = 	snop;
	(pc) =	sbr.ind lr, $3  }
0x3a: {  	_ = 	snop  }
0x3b: {  	_ = 	snop  }
0x3c: {  	p2 =	seq.s32 s10, $0x1;
	s10 =	sld [smem:$0x3FB6]  }
0x3d: {  	_ =	shalt  }
0x3e: {  	_ =	shalt  }
0x3f: {  	_ =	shalt  }
0x40: {  	_ =	shalt  }
0x41: {  	_ =	shalt  }
0x42: {  	_ =	shalt  }
0x43: {  	_ =	shalt  }
0x44: {  	_ =	shalt  }
0x45: {  	_ =	shalt  }
0x46: {  	_ =	shalt  }
0x47: {  	_ =	shalt  }
0x48: {  	_ =	shalt  }
0x49: {  	_ =	shalt  }
0x4a: {  	_ =	shalt  }
0x4b: {  	_ =	shalt  }
0x4c: {  	_ =	shalt  }
0x4d: {  	_ =	shalt  }
0x4e: {  	_ =	shalt  }
0x4f: {  	_ =	shalt  }
0x50: {  	_ =	shalt  }
0x51: {  	_ =	shalt  }
0x52: {  	_ =	shalt  }
0x53: {  	_ =	shalt  }
0x54: {  	_ =	shalt  }
0x55: {  	_ =	shalt  }
0x56: {  	_ =	shalt  }
0x57: {  	_ =	shalt  }
0x58: {  	_ =	shalt  }
0x59: {  	_ =	shalt  }
0x5a: {  	_ =	shalt  }
0x5b: {  	_ =	shalt  }
0x5c: {  	_ =	shalt  }
0x5d: {  	_ =	shalt  }
0x5e: {  	_ =	shalt  }
0x5f: {  	_ =	shalt  }
0x60: {  	_ =	shalt  }
0x61: {  	_ =	shalt  }
0x62: {  	_ =	shalt  }
0x63: {  	_ =	shalt  }
0x64: {  	_ =	shalt  }
0x65: {  	_ =	shalt  }
0x66: {  	_ =	shalt  }
0x67: {  	_ =	shalt  }
0x68: {  	_ =	shalt  }
0x69: {  	_ =	shalt  }
0x6a: {  	_ =	shalt  }
0x6b: {  	_ =	shalt  }
0x6c: {  	_ =	shalt  }
0x6d: {  	_ =	shalt  }
0x6e: {  	_ =	shalt  }
0x6f: {  	_ =	shalt  }
0x70: {  	_ =	shalt  }
0x71: {  	_ =	shalt  }
0x72: {  	_ =	shalt  }
0x73: {  	_ =	shalt  }
0x74: {  	_ =	shalt  }
0x75: {  	_ =	shalt  }
0x76: {  	_ =	shalt  }
0x77: {  	_ =	shalt  }
0x78: {  	_ =	shalt  }
0x79: {  	_ =	shalt  }
0x7a: {  	_ =	shalt  }
0x7b: {  	_ =	shalt  }
0x7c: {  	_ =	shalt  }
0x7d: {  	_ =	shalt  }
0x7e: {  	_ =	shalt  }
0x7f: {  	_ =	shalt  }
0x80: {  	_ =	shalt  }
0x81: {  	_ =	shalt  }
0x82: {  	_ =	shalt  }
0x83: {  	_ =	shalt  }
0x84: {  	_ =	shalt  }
0x85: {  	_ =	shalt  }
0x86: {  	_ =	shalt  }
0x87: {  	_ =	shalt  }
.Lfunc_end0:
.L_simem_size_0:
called_computation.1_lowered:
.L_overlay_start_0:
0x88: {  	s2 =	sld [smem:$0x3FD9]  }
0x89: {  	s3 =	sld [smem:$0x3FFE];
	_ =	sdelay $0x1  }
0x8a: {  	s1 =	srdreg.scid  }
0x8b: {  	s0 =	sand.u32 $0x1, s1  }
0x8c: {  	s16 =	sshll.u32 s0, $0xA;
	s2 =	sadd.s32 s3, s2  }
0x8d: {  	s2 =	sadd.s32 s2, s16  }
0x8e: {  	[smem:$0x3FC2] =	sst s2  }
0x8f: {  	_ = 	snop  }
0x90: {  	(tm) =	ssettm $0x1  }
0x91: {  	s17 =	sld [smem:$0x3FFB];
	_ =	sdelay $0x3  }
0x92: {  	_ =	strace s17  }
0x93: {  	s2 =	sld [smem:$0x3FFC];
	_ =	sdelay $0x3  }
0x94: {  	_ =	strace s2  }
0x95: {  	s2 =	sld [smem:$0x3FFD];
	_ =	sdelay $0x3  }
0x96: {  	_ =	strace s2  }
0x97: {  	_ =	strace $0x8FFFFFFF  }
0x98: {  	s18 =	sld [smem:$0x3FDB];
	_ =	sdelay $0x1  }
0x99: {  	s19 =	simm.s32 $_scs_section_size  }
0x9a: {  	s4 =	simm.s32 $_size__tile_overlayer_lowered;
	s5 =	simm.s32 $_tile_overlayer_lowered  }
0x9b: {  	s22 =	simm.s32 $0x1BFF;
	s21 =	sshll.u32 s5, $0x1;
	s2 =	sadd.s32 s19, s18  }
0x9c: {  	s6 =	simm.s32 $0x0;
	s20 =	sshll.u32 s4, $0x1;
	s4 =	sadd.s32 s21, s2  }
0x9d: {  	[timem:s6], [sflag:s22] =	dma.local [hbm:s4], s20  }
0x9e: {  	_ =	swait.ge [sflag:s22], s20  }
0x9f: {  	s3 =	ssub.s32 $0x0, s20;
	[sflag:s22] =	ssyncset.done $0x0  }
0xa0: {  	[sflag:s22] =	ssyncadd.s32 s3;
	_ =	sdelay $0x1  }
0xa1: {  	s23 =	simm.s32 $0x1B8B  }
0xa2: {  	_ =	swait.ge [sflag:s23], $0x1  }
0xa3: {  	[sflag:s23] =	ssyncset.done $0x0  }
0xa4: {  	s25 =	simm.s32 $0x1B8E;
	s24 =	sld [smem:$0x3FFE];
	[sflag:s23] =	ssyncadd.s32 $0xFFFFFFFF  }
0xa5: {  	s26 =	simm.s32 $execute0_lowered;
	[smem:$0x3FD2] =	sst s25  }
0xa6: {  	s4 =	sshll.u32 s26, $0x1;
	_ =	strace $0x80000049;
	[dreg:$0x1] =	wrdreg $0xFFFFFFFF  }
0xa7: {  	s28 =	simm.s32 $_size_execute0_lowered;
	s2 =	sadd.s32 s2, s4;
	[dreg:$0x0] =	wrdreg $0x0  }
0xa8: {  	s4 =	sshll.u32 s28, $0x1;
	[dreg:$0x2] =	wrdreg s2  }
0xa9: {  	[dreg:$0x3] =	wrdreg s4  }
0xaa: {  	[dreg:$0x4] =	wrdreg $0xC0  }
0xab: {  	_ =	task [dreg:s6], $0x5FFFF  }
0xac: {  	[dreg:$0x1] =	wrdreg $0xFFFFFFFF  }
0xad: {  	[dreg:$0x0] =	wrdreg $0x60  }
0xae: {  	[dreg:$0x2] =	wrdreg s24  }
0xaf: {  	[dreg:$0x3] =	wrdreg $0x116200  }
0xb0: {  	[dreg:$0x4] =	wrdreg $0x9  }
0xb1: {  	_ =	task.clear_ibuf [dreg:s6], $0x5FFFF;
	_ =	strace $0x90000049  }
0xb2: {  	s29 =	simm.s32 $0x9;
	_ =	strace $0x8000004B  }
0xb3: {  	_ =	swait.ge [sflag:s29], $0x1  }
0xb4: {  	[sflag:s29] =	ssyncadd.s32 $0xFFFFFFFF  }
0xb5: {  	_ =	strace $0x9000004B  }
0xb6: {  	_ =	sfence  }
0xb7: {  	s30 =	sld [smem:$0x0];
	_ =	sdelay $0x2  }
0xb8: {  	s31 =	sshll.u32 s1, $0xD;
	s1 =	sshrl.u32 s1, $0x2  }
0xb9: {  	s3 =	sand.u32 $0x4000, s31;
	s1 =	sadd.s32 s1, s30  }
0xba: {  	s0 =	sor.u32 s3, s0;
	s1 =	sshll.u32 s1, $0x11  }
0xbb: {  	s0 =	sor.u32 s1, s0  }
0xbc: {  	s0 =	sadd.s32 $0x8F2B, s0  }
0xbd: {  	[sflag:s0] =	ssyncadd.remote.s32 $0x1  }
0xbe: {  	_ =	sfence.sel $0xFFFF  }
0xbf: {  	[dreg:$0x0] =	wrdreg $0xFFFFFFFF;
	(pc) =	sbr.abs _section_cstart, $3  }
0xc0: {  	[dreg:$0x1] =	wrdreg $0xFFFFFFFF  }
0xc1: {  	_ =	task.clear_ibuf [dreg:s6], $0x2FFFF;
	_ =	strace $0x9FFFFFFF  }
0xc2: {  	(tm) =	ssettm $0x7FFFFFFF  }
0xc3: {  	_ =	shalt  }
tec
execute0_lowered:
.L_overlay_start_1:
0x0: {  	(tag) =	ssettag $0x1  }
0x1: {  	s0 =	srdreg.scid;
	s3 =	rddreg [dreg:$0x0]  }
0x2: {  	s8 =	stileid.u32;
	s2 =	rddreg [dreg:$0x1]  }
0x3: {  	s4 =	simm.s32 $0x0;
	s14 =	simm.s32 $0x50;
	s23 =	simm.s32 $0x5  }
0x4: {  	s28 =	simm.s32 $0xC;
	s30 =	simm.s32 $0xD;
	s9 =	simm.s32 $0x8  }
0x5: {  	s10 =	simm.s32 $0x9;
	s11 =	simm.s32 $0x11;
	s12 =	simm.s32 $0x12  }
0x6: {  	s15 =	simm.s32 $0x13;
	s16 =	simm.s32 $0x14;
	s0 =	sand.u32 $0x1, s0  }
0x7: {  	s5 =	smul.u32 $0xA000, s8;
	[smem:$0x7FF] =	sst s4;
	s4 =	sadd.s32 $0x91A00, s3  }
0x8: {  	s26 =	sshll.u32 s8, $0x6;
	s1 =	sshll.u32 s0, $0x4;
	s6 =	smul.u32 $0xA0000, s0  }
0x9: {  	_ =	strace $0x8000004A;
	s0 =	ssub.s32 $0x2, s0;
	s1 =	sor.u32 s8, s1  }
0xa: {  	s7 =	sshrl.u32 s5, $0x3;
	s25 =	sshrl.u32 s0, $0x1;
	s8 =	simm.s32 $0x7  }
0xb: {  	s1 =	smul.u32 $0x2710, s1;
	s6 =	sadd.s32 s5, s6;
	s7 =	sadd.s32 s7, s3  }
0xc: {  	s0 =	ssub.s32 s0, s25;
	s5 =	sadd.s32 s5, s2;
	s25 =	simm.s32 $0xB  }
0xd: {  	s6 =	sshrl.u32 s6, $0x3;
	s7 =	sadd.s32 $0xA5400, s7;
	s0 =	smax.u32 s0, $0x1  }
0xe: {  	s24 =	sshrl.u32 s5, $0x3;
	s5 =	simm.s32 $0xF;
	[dreg:$0x3] =	wrdreg s7  }
0xf: {  	s1 =	sshrl.u32 s1, $0x3;
	s7 =	sor.u32 $0x1C15, s26;
	[dreg:$0x8] =	wrdreg s0  }
.Ltmp0:
0x10: {  	[dreg:$0x9] =	wrdreg s24;
	s1 =	sadd.s32 s1, s3;
	(pc) =	sbr.rel .LBB2_1-.Ltmp0, $4  }
0x11: {  	s0 =	simm.s32 $0x0;
	[dreg:$0x4] =	wrdreg s7;
	s29 =	sadd.s32 $0x1E00, s1  }
0x12: {  	s3 =	sadd.s32 s6, s3;
	s1 =	sadd.s32 $0xBA40, s1;
	[dreg:$0x5] =	wrdreg s29  }
0x13: {  	s6 =	simm.s32 $0x10;
	s31 =	sadd.s32 $0xB9400, s3;
	[dreg:$0x6] =	wrdreg s1  }
0x14: {  	s3 =	simm.s32 $0xA;
	[dreg:$0x7] =	wrdreg s31;
	s1 =	simm.s32 $0xE  }
.LBB2_4:
0x15: {  	s0 =	simm.s32 $0x1  }
0x16: {  	_ =	swait.ge [sflag:s0], $0x1400  }
0x17: {  	s18 =	simm.s32 $0x4E20;
	[sflag:s0] =	ssyncset.done $0x0  }
0x18: {  	s22 =	simm.s32 $0x4C90;
	s24 =	simm.s32 $0x2;
	[sflag:s0] =	ssyncadd.s32 $0xFFFFEC00  }
0x19: {  	[spmem:s2] =	stream.indirect.scatter.add.f32 [tilespmem:s18], [sflag:$0xB], $0x40, s22, s14, $0xb8;
	[tilespmem:$0x1B620] =	vst v63  }
0x1a: {  	_ =	swait.ge [sflag:s24], $0x1400  }
0x1b: {  	s26 =	simm.s32 $0x6220;
	[sflag:s24] =	ssyncset.done $0x0  }
0x1c: {  	s29 =	simm.s32 $0x4CE0;
	s31 =	simm.s32 $0x3;
	[sflag:s24] =	ssyncadd.s32 $0xFFFFEC00  }
0x1d: {  	[spmem:s2] =	stream.indirect.scatter.add.f32 [tilespmem:s26], [sflag:$0xC], $0x40, s29, s14, $0xb8;
	[tilespmem:$0x1B620] =	vst v63  }
0x1e: {  	_ =	swait.ge [sflag:s31], $0x1400  }
0x1f: {  	s7 =	simm.s32 $0x4D30;
	[sflag:s31] =	ssyncset.done $0x0  }
0x20: {  	s13 =	simm.s32 $0x4;
	s0 =	simm.s32 $0x7620;
	[sflag:s31] =	ssyncadd.s32 $0xFFFFEC00  }
0x21: {  	[spmem:s2] =	stream.indirect.scatter.add.f32 [tilespmem:s0], [sflag:$0xD], $0x40, s7, s14, $0xb8;
	[tilespmem:$0x1B620] =	vst v63  }
0x22: {  	_ =	swait.ge [sflag:s13], $0x1400  }
0x23: {  	[sflag:s13] =	ssyncset.done $0x0  }
0x24: {  	s17 =	simm.s32 $0x8A20;
	s19 =	simm.s32 $0x4D80;
	[sflag:s13] =	ssyncadd.s32 $0xFFFFEC00  }
0x25: {  	[spmem:s2] =	stream.indirect.scatter.add.f32 [tilespmem:s17], [sflag:$0xE], $0x40, s19, s14, $0xb8;
	[tilespmem:$0x1B620] =	vst v63  }
0x26: {  	_ =	swait.ge [sflag:s23], $0x1400  }
0x27: {  	[sflag:s23] =	ssyncset.done $0x0  }
0x28: {  	s20 =	simm.s32 $0x9E20;
	s7 =	simm.s32 $0x4DD0;
	[sflag:s23] =	ssyncadd.s32 $0xFFFFEC00  }
0x29: {  	[spmem:s2] =	stream.indirect.scatter.add.f32 [tilespmem:s20], [sflag:$0xF], $0x40, s7, s14, $0xb8;
	[tilespmem:$0x1B620] =	vst v63  }
0x2a: {  	_ =	swait.ge [sflag:s6], $0x1400  }
0x2b: {  	[sflag:s6] =	ssyncset.done $0x0  }
0x2c: {  	[sflag:s6] =	ssyncadd.s32 $0xFFFFEC00  }
0x2d: {  	_ =	swait.ge [sflag:s11], $0x1400  }
0x2e: {  	[sflag:s11] =	ssyncset.done $0x0  }
0x2f: {  	[sflag:s11] =	ssyncadd.s32 $0xFFFFEC00  }
0x30: {  	_ =	swait.ge [sflag:s12], $0x1400  }
0x31: {  	[sflag:s12] =	ssyncset.done $0x0  }
0x32: {  	[sflag:s12] =	ssyncadd.s32 $0xFFFFEC00  }
0x33: {  	_ =	swait.ge [sflag:s15], $0x1400  }
0x34: {  	[sflag:s15] =	ssyncset.done $0x0  }
0x35: {  	[sflag:s15] =	ssyncadd.s32 $0xFFFFEC00  }
0x36: {  	_ =	swait.ge [sflag:s16], $0x1400  }
0x37: {  	[sflag:s16] =	ssyncset.done $0x0  }
0x38: {  	[sflag:s16] =	ssyncadd.s32 $0xFFFFEC00  }
0x39: {  	_ =	swait.ge [sflag:s25], $0x1400  }
0x3a: {  	[sflag:s25] =	ssyncset.done $0x0  }
0x3b: {  	[sflag:s25] =	ssyncadd.s32 $0xFFFFEC00  }
0x3c: {  	_ =	swait.ge [sflag:s28], $0x1400  }
0x3d: {  	[sflag:s28] =	ssyncset.done $0x0  }
0x3e: {  	[sflag:s28] =	ssyncadd.s32 $0xFFFFEC00  }
0x3f: {  	_ =	swait.ge [sflag:s30], $0x1400  }
0x40: {  	[sflag:s30] =	ssyncset.done $0x0  }
0x41: {  	[sflag:s30] =	ssyncadd.s32 $0xFFFFEC00  }
0x42: {  	_ =	swait.ge [sflag:s1], $0x1400  }
0x43: {  	[sflag:s1] =	ssyncset.done $0x0  }
0x44: {  	[sflag:s1] =	ssyncadd.s32 $0xFFFFEC00  }
0x45: {  	_ =	swait.ge [sflag:s5], $0x1400  }
0x46: {  	[sflag:s5] =	ssyncset.done $0x0  }
0x47: {  	[sflag:s5] =	ssyncadd.s32 $0xFFFFEC00  }
0x48: {  	[bflag:$0x0] =	sbarrier.arrive $0xFFFF  }
0x49: {  	s7 =	rddreg [dreg:$0x4]  }
0x4a: {  	s21 =	rddreg [dreg:$0x7]  }
0x4b: {  	s22 =	simm.s32 $0x15;
	s24 =	rddreg [dreg:$0x9]  }
0x4c: {  	[hbm:s21], [sflag:s7] =	dma.local [spmem:s24], $0x1400  }
0x4d: {  	_ =	swait.ge [sflag:s22], $0x1400  }
0x4e: {  	s26 =	rddreg [dreg:$0xa]  }
0x4f: {  	s29 =	rddreg [dreg:$0x8];
	s0 =	sadd.s32 $0x1, s26  }
0x50: {  	p0 =	sne.s32 s0, s29  }
.Ltmp1:
0x51: {  	_ = 	snop;
	(pc) =	sbr.rel @!p0 .LBB2_5-.Ltmp1, $3  }
0x52: {  	_ =	sdelay $0x1  }
0x53: {  	s31 =	simm.s32 $0x15;
	[sflag:s22] =	ssyncset.done $0x0  }
0x54: {  	[sflag:s31] =	ssyncadd.s32 $0xFFFFEC00  }
.LBB2_1:
0x55: {  	[dreg:$0xa] =	wrdreg s0  }
0x56: {  	s0 =	smov.u32 s7;
	s26 =	simm.s32 $0x15;
	s18 =	rddreg [dreg:$0x3]  }
0x57: {  	[spmem:s24], [sflag:s0] =	dma.local [hbm:s18], $0x1400  }
0x58: {  	_ =	swait.ge [sflag:s26], $0x1400  }
0x59: {  	[sflag:s26] =	ssyncset.done $0x0  }
0x5a: {  	s0 =	simm.s32 $0x0;
	s18 =	rddreg [dreg:$0x5];
	[sflag:s26] =	ssyncadd.s32 $0xFFFFEC00  }
0x5b: {  	[tilespmem:s0], [sflag:$0x15] =	stream.linear.gather [hbm4b:s18+s0], $0x2710, $0x38;
	[tilespmem:$0x1B620] =	vst v63  }
0x5c: {  	_ =	swait.ge [sflag:s26], $0x2710  }
0x5d: {  	[sflag:s26] =	ssyncset.done $0x0  }
0x5e: {  	s18 =	simm.s32 $0x2710;
	s24 =	rddreg [dreg:$0x6];
	[sflag:s26] =	ssyncadd.s32 $0xFFFFD8F0  }
0x5f: {  	[tilespmem:s18], [sflag:$0x15] =	stream.linear.gather [hbm4b:s24+s0], $0x2710, $0x38;
	[tilespmem:$0x1B620] =	vst v63  }
0x60: {  	_ =	swait.ge [sflag:s26], $0x2710  }
0x61: {  	[sflag:s26] =	ssyncset.done $0x0  }
0x62: {  	[sflag:s26] =	ssyncadd.s32 $0xFFFFD8F0  }
0x63: {  	s0 =	simm.s32 $0x0;
	s24 =	simm.s32 $0x4E20;
	[bflag:$0x0] =	sbarrier.arrive $0xFFFF  }
0x64: {  	[tilespmem:s24], [sflag:$0x1] =	stream.indirect.gather [hbm4b:s4+s14], $0x40, s0, s14, $0xb8;
	[tilespmem:$0x1B620] =	vst v63  }
0x65: {  	s20 =	simm.s32 $0x6220  }
0x66: {  	[tilespmem:s20], [sflag:$0x2] =	stream.indirect.gather [hbm4b:s4+s14], $0x40, s14, s14, $0xb8;
	[tilespmem:$0x1B620] =	vst v63  }
0x67: {  	s29 =	simm.s32 $0x7620;
	s26 =	simm.s32 $0xA0  }
0x68: {  	[tilespmem:s29], [sflag:$0x3] =	stream.indirect.gather [hbm4b:s4+s14], $0x40, s26, s14, $0xb8;
	[tilespmem:$0x1B620] =	vst v63  }
0x69: {  	s22 =	simm.s32 $0x8A20;
	s0 =	simm.s32 $0xF0  }
0x6a: {  	[tilespmem:s22], [sflag:$0x4] =	stream.indirect.gather [hbm4b:s4+s14], $0x40, s0, s14, $0xb8;
	[tilespmem:$0x1B620] =	vst v63  }
0x6b: {  	s31 =	simm.s32 $0x9E20;
	s20 =	simm.s32 $0x140  }
0x6c: {  	[tilespmem:s31], [sflag:$0x5] =	stream.indirect.gather [hbm4b:s4+s14], $0x40, s20, s14, $0xb8;
	[tilespmem:$0x1B620] =	vst v63  }
0x6d: {  	s13 =	simm.s32 $0xB220;
	s22 =	simm.s32 $0x190  }
0x6e: {  	[tilespmem:s13], [sflag:$0x6] =	stream.indirect.gather [hbm4b:s4+s14], $0x40, s22, s14, $0xb8;
	[tilespmem:$0x1B620] =	vst v63  }
0x6f: {  	s17 =	simm.s32 $0xC620;
	s24 =	simm.s32 $0x1E0  }
0x70: {  	[tilespmem:s17], [sflag:$0x7] =	stream.indirect.gather [hbm4b:s4+s14], $0x40, s24, s14, $0xb8;
	[tilespmem:$0x1B620] =	vst v63  }
0x71: {  	s19 =	simm.s32 $0xDA20;
	s26 =	simm.s32 $0x230  }
0x72: {  	[tilespmem:s19], [sflag:$0x8] =	stream.indirect.gather [hbm4b:s4+s14], $0x40, s26, s14, $0xb8;
	[tilespmem:$0x1B620] =	vst v63  }
0x73: {  	s7 =	simm.s32 $0xEE20;
	s29 =	simm.s32 $0x280  }
0x74: {  	[tilespmem:s7], [sflag:$0x9] =	stream.indirect.gather [hbm4b:s4+s14], $0x40, s29, s14, $0xb8;
	[tilespmem:$0x1B620] =	vst v63  }
0x75: {  	s21 =	simm.s32 $0x10220;
	s31 =	simm.s32 $0x2D0;
	s24 =	simm.s32 $0x0  }
0x76: {  	[tilespmem:s21], [sflag:$0xA] =	stream.indirect.gather [hbm4b:s4+s14], $0x40, s31, s14, $0xb8;
	[tilespmem:$0x1B620] =	vst v63  }
.LBB2_2:
0x77: {  	s0 =	simm.s32 $0x1  }
0x78: {  	_ =	swait.ge [sflag:s0], $0x1400  }
0x79: {  	s18 =	sshra.s32 s24, $0x2;
	s20 =	simm.s32 $0x4E20;
	[sflag:s0] =	ssyncset.done $0x0  }
0x7a: {  	s31 =	simm.s32 $0x2;
	s26 =	sadd.s32 $0x2710, s18;
	[sflag:s0] =	ssyncadd.s32 $0xFFFFEC00  }
0x7b: {  	[spmem:s2] =	stream.indirect.scatter.add.f32 [tilespmem:s20], [sflag:$0xB], $0x40, s26, s14, $0xb8;
	[tilespmem:$0x1B620] =	vst v63  }
0x7c: {  	_ =	swait.ge [sflag:s31], $0x1400  }
0x7d: {  	s29 =	simm.s32 $0x6220;
	[sflag:s31] =	ssyncset.done $0x0  }
0x7e: {  	s22 =	sadd.s32 $0x2760, s18;
	[sflag:s31] =	ssyncadd.s32 $0xFFFFEC00;
	s31 =	simm.s32 $0x3  }
0x7f: {  	[spmem:s2] =	stream.indirect.scatter.add.f32 [tilespmem:s29], [sflag:$0xC], $0x40, s22, s14, $0xb8;
	[tilespmem:$0x1B620] =	vst v63  }
0x80: {  	_ =	swait.ge [sflag:s31], $0x1400  }
0x81: {  	s0 =	sadd.s32 $0x27B0, s18;
	[sflag:s31] =	ssyncset.done $0x0  }
0x82: {  	s22 =	simm.s32 $0x7620;
	[sflag:s31] =	ssyncadd.s32 $0xFFFFEC00;
	s31 =	simm.s32 $0x4  }
0x83: {  	[spmem:s2] =	stream.indirect.scatter.add.f32 [tilespmem:s22], [sflag:$0xD], $0x40, s0, s14, $0xb8;
	[tilespmem:$0x1B620] =	vst v63  }
0x84: {  	_ =	swait.ge [sflag:s31], $0x1400  }
0x85: {  	[sflag:s31] =	ssyncset.done $0x0  }
0x86: {  	s0 =	sadd.s32 $0x2800, s18;
	[sflag:s31] =	ssyncadd.s32 $0xFFFFEC00;
	s31 =	simm.s32 $0x8A20  }
0x87: {  	[spmem:s2] =	stream.indirect.scatter.add.f32 [tilespmem:s31], [sflag:$0xE], $0x40, s0, s14, $0xb8;
	[tilespmem:$0x1B620] =	vst v63  }
0x88: {  	_ =	swait.ge [sflag:s23], $0x1400  }
0x89: {  	[sflag:s23] =	ssyncset.done $0x0  }
0x8a: {  	s26 =	sadd.s32 $0x2850, s18;
	s0 =	simm.s32 $0x9E20;
	[sflag:s23] =	ssyncadd.s32 $0xFFFFEC00  }
0x8b: {  	[spmem:s2] =	stream.indirect.scatter.add.f32 [tilespmem:s0], [sflag:$0xF], $0x40, s26, s14, $0xb8;
	[tilespmem:$0x1B620] =	vst v63  }
0x8c: {  	_ =	swait.ge [sflag:s25], $0x1400  }
0x8d: {  	[sflag:s25] =	ssyncset.done $0x0  }
0x8e: {  	s26 =	sadd.s32 $0x320, s18;
	[sflag:s25] =	ssyncadd.s32 $0xFFFFEC00  }
0x8f: {  	[tilespmem:s20], [sflag:$0x1] =	stream.indirect.gather [hbm4b:s4+s14], $0x40, s26, s14, $0xb8;
	[tilespmem:$0x1B620] =	vst v63  }
0x90: {  	_ =	swait.ge [sflag:s28], $0x1400  }
0x91: {  	[sflag:s28] =	ssyncset.done $0x0  }
0x92: {  	s20 =	sadd.s32 $0x370, s18;
	[sflag:s28] =	ssyncadd.s32 $0xFFFFEC00  }
0x93: {  	[tilespmem:s29], [sflag:$0x2] =	stream.indirect.gather [hbm4b:s4+s14], $0x40, s20, s14, $0xb8;
	[tilespmem:$0x1B620] =	vst v63  }
0x94: {  	_ =	swait.ge [sflag:s30], $0x1400  }
0x95: {  	[sflag:s30] =	ssyncset.done $0x0  }
0x96: {  	s20 =	sadd.s32 $0x3C0, s18;
	[sflag:s30] =	ssyncadd.s32 $0xFFFFEC00  }
0x97: {  	[tilespmem:s22], [sflag:$0x3] =	stream.indirect.gather [hbm4b:s4+s14], $0x40, s20, s14, $0xb8;
	[tilespmem:$0x1B620] =	vst v63  }
0x98: {  	_ =	swait.ge [sflag:s1], $0x1400  }
0x99: {  	[sflag:s1] =	ssyncset.done $0x0  }
0x9a: {  	s22 =	sadd.s32 $0x410, s18;
	[sflag:s1] =	ssyncadd.s32 $0xFFFFEC00  }
0x9b: {  	[tilespmem:s31], [sflag:$0x4] =	stream.indirect.gather [hbm4b:s4+s14], $0x40, s22, s14, $0xb8;
	[tilespmem:$0x1B620] =	vst v63  }
0x9c: {  	_ =	swait.ge [sflag:s5], $0x1400  }
0x9d: {  	[sflag:s5] =	ssyncset.done $0x0  }
0x9e: {  	s29 =	sadd.s32 $0x460, s18;
	s31 =	simm.s32 $0x6;
	[sflag:s5] =	ssyncadd.s32 $0xFFFFEC00  }
0x9f: {  	[tilespmem:s0], [sflag:$0x5] =	stream.indirect.gather [hbm4b:s4+s14], $0x40, s29, s14, $0xb8;
	[tilespmem:$0x1B620] =	vst v63  }
0xa0: {  	_ =	swait.ge [sflag:s31], $0x1400  }
0xa1: {  	[sflag:s31] =	ssyncset.done $0x0  }
0xa2: {  	s0 =	sadd.s32 $0x28A0, s18;
	[sflag:s31] =	ssyncadd.s32 $0xFFFFEC00  }
0xa3: {  	[spmem:s2] =	stream.indirect.scatter.add.f32 [tilespmem:s13], [sflag:$0x10], $0x40, s0, s14, $0xb8;
	[tilespmem:$0x1B620] =	vst v63  }
0xa4: {  	_ =	swait.ge [sflag:s8], $0x1400  }
0xa5: {  	[sflag:s8] =	ssyncset.done $0x0  }
0xa6: {  	s20 =	sadd.s32 $0x28F0, s18;
	[sflag:s8] =	ssyncadd.s32 $0xFFFFEC00  }
0xa7: {  	[spmem:s2] =	stream.indirect.scatter.add.f32 [tilespmem:s17], [sflag:$0x11], $0x40, s20, s14, $0xb8;
	[tilespmem:$0x1B620] =	vst v63  }
0xa8: {  	_ =	swait.ge [sflag:s9], $0x1400  }
0xa9: {  	[sflag:s9] =	ssyncset.done $0x0  }
0xaa: {  	s22 =	sadd.s32 $0x2940, s18;
	[sflag:s9] =	ssyncadd.s32 $0xFFFFEC00  }
0xab: {  	[spmem:s2] =	stream.indirect.scatter.add.f32 [tilespmem:s19], [sflag:$0x12], $0x40, s22, s14, $0xb8;
	[tilespmem:$0x1B620] =	vst v63  }
0xac: {  	_ =	swait.ge [sflag:s10], $0x1400  }
0xad: {  	[sflag:s10] =	ssyncset.done $0x0  }
0xae: {  	p0 =	seq.s32 s24, $0x8980;
	s29 =	sadd.s32 $0x2990, s18;
	[sflag:s10] =	ssyncadd.s32 $0xFFFFEC00  }
0xaf: {  	[spmem:s2] =	stream.indirect.scatter.add.f32 [tilespmem:s7], [sflag:$0x13], $0x40, s29, s14, $0xb8;
	[tilespmem:$0x1B620] =	vst v63  }
.Ltmp2:
0xb0: {  	_ = 	snop;
	(pc) =	sbr.rel @p0 .LBB2_4-.Ltmp2, $4  }
0xb1: {  	s31 =	sadd.s32 $0x29E0, s18;
	s0 =	simm.s32 $0xB220;
	_ =	swait.ge [sflag:s3], $0x1400  }
0xb2: {  	s13 =	simm.s32 $0xC620;
	s17 =	simm.s32 $0xDA20;
	[sflag:s3] =	ssyncset.done $0x0  }
0xb3: {  	s19 =	simm.s32 $0x10220;
	s7 =	simm.s32 $0xEE20;
	[sflag:s3] =	ssyncadd.s32 $0xFFFFEC00  }
0xb4: {  	[spmem:s2] =	stream.indirect.scatter.add.f32 [tilespmem:s21], [sflag:$0x14], $0x40, s31, s14, $0xb8;
	[tilespmem:$0x1B620] =	vst v63  }
0xb5: {  	_ =	swait.ge [sflag:s6], $0x1400  }
0xb6: {  	[sflag:s6] =	ssyncset.done $0x0  }
0xb7: {  	s26 =	sadd.s32 $0x4B0, s18;
	[sflag:s6] =	ssyncadd.s32 $0xFFFFEC00  }
0xb8: {  	[tilespmem:s0], [sflag:$0x6] =	stream.indirect.gather [hbm4b:s4+s14], $0x40, s26, s14, $0xb8;
	[tilespmem:$0x1B620] =	vst v63  }
0xb9: {  	_ =	swait.ge [sflag:s11], $0x1400  }
0xba: {  	[sflag:s11] =	ssyncset.done $0x0  }
0xbb: {  	s21 =	sadd.s32 $0x500, s18;
	[sflag:s11] =	ssyncadd.s32 $0xFFFFEC00  }
0xbc: {  	[tilespmem:s13], [sflag:$0x7] =	stream.indirect.gather [hbm4b:s4+s14], $0x40, s21, s14, $0xb8;
	[tilespmem:$0x1B620] =	vst v63  }
0xbd: {  	_ =	swait.ge [sflag:s12], $0x1400  }
0xbe: {  	[sflag:s12] =	ssyncset.done $0x0  }
0xbf: {  	s22 =	sadd.s32 $0x550, s18;
	[sflag:s12] =	ssyncadd.s32 $0xFFFFEC00  }
0xc0: {  	[tilespmem:s17], [sflag:$0x8] =	stream.indirect.gather [hbm4b:s4+s14], $0x40, s22, s14, $0xb8;
	[tilespmem:$0x1B620] =	vst v63  }
0xc1: {  	_ =	swait.ge [sflag:s15], $0x1400  }
0xc2: {  	[sflag:s15] =	ssyncset.done $0x0  }
0xc3: {  	s29 =	sadd.s32 $0x5A0, s18;
	[sflag:s15] =	ssyncadd.s32 $0xFFFFEC00  }
0xc4: {  	[tilespmem:s7], [sflag:$0x9] =	stream.indirect.gather [hbm4b:s4+s14], $0x40, s29, s14, $0xb8;
	[tilespmem:$0x1B620] =	vst v63  }
.Ltmp3:
0xc5: {  	_ =	swait.ge [sflag:s16], $0x1400;
	(pc) =	sbr.rel .LBB2_2-.Ltmp3, $4  }
0xc6: {  	s31 =	sadd.s32 $0x5F0, s18;
	s24 =	sadd.s32 $0xC80, s24;
	[sflag:s16] =	ssyncset.done $0x0  }
0xc7: {  	s21 =	simm.s32 $0x10220;
	s13 =	simm.s32 $0xB220;
	[sflag:s16] =	ssyncadd.s32 $0xFFFFEC00  }
0xc8: {  	[tilespmem:s19], [sflag:$0xA] =	stream.indirect.gather [hbm4b:s4+s14], $0x40, s31, s14, $0xb8;
	[tilespmem:$0x1B620] =	vst v63  }
0xc9: {  	s17 =	simm.s32 $0xC620;
	s7 =	simm.s32 $0xEE20;
	s19 =	simm.s32 $0xDA20  }
.LBB2_5:
0xca: {  	_ =	sfence.sel $0x180000  }
0xcb: {  	[bflag:$0x0] =	sbarrier.arrive $0xFFFF  }
0xcc: {  	_ =	strace $0x9000004A  }
0xcd: {  	s0 =	stileid.u32;
	[bflag:$0x2] =	sbarrier.arrive $0xFFFF  }
0xce: {  	p0 =	sne.s32 s0, $0x0;
	s0 =	rddreg [dreg:$0x2]  }
0xcf: {  	s0 =	sadd.s32 @!p0 $0x100000, s0  }
0xd0: {  	[sflag:s0] =	ssyncadd.tile.s32 @!p0 $0x1;
	_ =	shalt  }
.Lfunc_end2:
_tile_overlayer_lowered:
.L_overlay_start_2:
0xd1: {  	(tag) =	ssettag $0x2  }
0xd2: {  	s0 =	rddreg [dreg:$0x0];
	s2 =	stileid.u32  }
0xd3: {  	s1 =	rddreg [dreg:$0x1];
	p0 =	sne.s32 s2, $0x0  }
0xd4: {  	s3 =	rddreg [dreg:$0x2];
	[bflag:$0x3] =	sbarrier.arrive $0xFFFF;
	s2 =	simm.s32 @!p0 $0x1C15  }
0xd5: {  	[timem:s3], [sflag:s2] =	dma.local @!p0 [hbm:s0], s1  }
0xd6: {  	s0 =	simm.s32 @!p0 $0x15  }
0xd7: {  	_ =	swait.ge @!p0 [sflag:s0], s1  }
0xd8: {  	s1 =	ssub.s32 @!p0 $0x0, s1;
	[sflag:s0] =	ssyncset.done @!p0 $0x0  }
0xd9: {  	[sflag:s0] =	ssyncadd.s32 @!p0 s1  }
0xda: {  	[bflag:$0x3] =	sbarrier.arrive $0xFFFF  }
0xdb: {  	_ =	shalt  }

// kernel: kernel.14.cloned.1.call-start
scs
__scs_entry_jumppad:
0x0: {  	(pc) =	sbr.rel $0x88, $3  }
0x1: {  	(tag) =	ssettag $0x0;
	lr =	simm.s32 $0x1  }
0x2: {  	[smem:$0x3F9B] =	sst lr;
	_ =	strace $0xD0000000  }
0x3: {  	_ = 	snop  }
0x4: {  	_ = 	snop  }
0x5: {  	_ = 	snop  }
0x6: {  	_ = 	snop  }
0x7: {  	_ = 	snop  }
__scs_overlays_trampoline_lowered:
0x8: {  	[smem:$0x3FAA] =	sst s0  }
0x9: {  	[smem:$0x3FAB] =	sst s1  }
0xa: {  	[smem:$0x3FAC] =	sst s2  }
0xb: {  	[smem:$0x3FAD] =	sst s3  }
0xc: {  	[smem:$0x3FAE] =	sst s4  }
0xd: {  	[smem:$0x3FAF] =	sst s5  }
0xe: {  	[smem:$0x3FB0] =	sst s6  }
0xf: {  	[smem:$0x3FB1] =	sst s7  }
0x10: {  	[smem:$0x3FB2] =	sst s8  }
0x11: {  	[smem:$0x3FB3] =	sst s9;
	s0 =	simm.s32 @!p0 $0x0  }
0x12: {  	s1 =	sld [smem:$0x3F99];
	s0 =	simm.s32 @p0 $0x1  }
0x13: {  	[smem:$0x3FB4] =	sst s0;
	s0 =	simm.s32 @!p1 $0x0  }
0x14: {  	s2 =	sld [smem:$0x3F98];
	s0 =	simm.s32 @p1 $0x1  }
0x15: {  	[smem:$0x3FB5] =	sst s0;
	s0 =	simm.s32 @!p2 $0x0  }
0x16: {  	s3 =	sld [smem:$0x3FDB];
	s0 =	simm.s32 @p2 $0x1  }
0x17: {  	s4 =	simm.s32 $0x1BF5;
	[smem:$0x3FB7] =	sst s0  }
0x18: {  	s0 =	sld [smem:$0x3F9A];
	_ =	swait.ge [sflag:s4], $0x0  }
0x19: {  	s7 =	sld [smem:$0x3F9B]  }
0x1a: {  	s8 =	sadd.s32 $0xFFFFE003, lr  }
0x1b: {  	s9 =	sadd.s32 $0xFFFFFEF7, lr;
	s5 =	simm.s32 $0xFFFFFFFF;
	p2 =	slt.u32 s8, $0xFFFFF086  }
0x1c: {  	p1 =	slt.u32 s9, $0xF7A;
	s5 =	simm.s32 @!p2 $0x0  }
0x1d: {  	s5 =	simm.s32 @p1 $0x1;
	p0 =	seq.s32 s7, s2  }
0x1e: {  	s7 =	smul.u32 @!p0 $0xF7A, s2;
	p2 =	seq.s32 @!p0 s5, $0x0  }
0x1f: {  	s9 =	smul.u32 $0xF7A, s1;
	s8 =	simm.s32 @!p0 $0x1BF5;
	p2 =	por !p2, p0  }
0x20: {  	[sflag:s8] =	ssyncset.s32 @!p0 $0xFFFFF086;
	s6 =	sadd.s32 @!p0 s3, s7;
	s7 =	simm.s32 @!p0 $0x108  }
0x21: {  	s3 =	sadd.s32 s3, s9;
	s6 =	sadd.s32 @!p0 $0x88, s6;
	s7 =	simm.s32 @p2 $0x1082  }
0x22: {  	[simem:s7], [sflag:s8] =	dma.local @!p0 [hbm:s6], $0xF7A  }
0x23: {  	s9 =	sor.u32 $0xD0000000, s2;
	s6 =	simm.s32 $0x108;
	_ =	swait.ge @!p0 [sflag:s8], $0x0  }
0x24: {  	s3 =	sadd.s32 $0x88, s3;
	s6 =	simm.s32 @!p1 $0x1082;
	[sflag:s4] =	ssyncset.s32 $0xFFFFF086  }
0x25: {  	[simem:s6], [sflag:s4] =	dma.local [hbm:s3], $0xF7A  }
0x26: {  	[smem:$0x3F9B] =	sst s1;
	(tag) =	ssettag s2;
	_ =	strace s9  }
0x27: {  	s1 =	sld [smem:$0x3FAB]  }
0x28: {  	s2 =	sld [smem:$0x3FAC]  }
0x29: {  	s4 =	sld [smem:$0x3FAE]  }
0x2a: {  	p0 =	seq.s32 s5, $0x0;
	s5 =	sld [smem:$0x3FAF]  }
0x2b: {  	s6 =	sld [smem:$0x3FB0]  }
0x2c: {  	s7 =	sld [smem:$0x3FB1]  }
0x2d: {  	s3 =	simm.s32 $0x108;
	s8 =	sld [smem:$0x3FB2]  }
0x2e: {  	s3 =	simm.s32 @!p0 $0x1082;
	s9 =	sld [smem:$0x3FB3]  }
0x2f: {  	lr =	sadd.s32 s0, s3;
	s0 =	sld [smem:$0x3FAA]  }
0x30: {  	s3 =	sld [smem:$0x3FAD]  }
0x31: {  	[smem:$0x3FB6] =	sst s10  }
0x32: {  	s10 =	sld [smem:$0x3FB4];
	_ =	sdelay $0x3  }
0x33: {  	p0 =	seq.s32 s10, $0x1;
	s10 =	sld [smem:$0x3FB6];
	_ =	sdelay $0x3  }
0x34: {  	[smem:$0x3FB6] =	sst s10  }
0x35: {  	s10 =	sld [smem:$0x3FB5];
	_ =	sdelay $0x3  }
0x36: {  	p1 =	seq.s32 s10, $0x1;
	s10 =	sld [smem:$0x3FB6];
	_ =	sdelay $0x3  }
0x37: {  	[smem:$0x3FB6] =	sst s10  }
0x38: {  	s10 =	sld [smem:$0x3FB7]  }
0x39: {  	_ = 	snop;
	(pc) =	sbr.ind lr, $3  }
0x3a: {  	_ = 	snop  }
0x3b: {  	_ = 	snop  }
0x3c: {  	p2 =	seq.s32 s10, $0x1;
	s10 =	sld [smem:$0x3FB6]  }
0x3d: {  	_ =	shalt  }
0x3e: {  	_ =	shalt  }
0x3f: {  	_ =	shalt  }
0x40: {  	_ =	shalt  }
0x41: {  	_ =	shalt  }
0x42: {  	_ =	shalt  }
0x43: {  	_ =	shalt  }
0x44: {  	_ =	shalt  }
0x45: {  	_ =	shalt  }
0x46: {  	_ =	shalt  }
0x47: {  	_ =	shalt  }
0x48: {  	_ =	shalt  }
0x49: {  	_ =	shalt  }
0x4a: {  	_ =	shalt  }
0x4b: {  	_ =	shalt  }
0x4c: {  	_ =	shalt  }
0x4d: {  	_ =	shalt  }
0x4e: {  	_ =	shalt  }
0x4f: {  	_ =	shalt  }
0x50: {  	_ =	shalt  }
0x51: {  	_ =	shalt  }
0x52: {  	_ =	shalt  }
0x53: {  	_ =	shalt  }
0x54: {  	_ =	shalt  }
0x55: {  	_ =	shalt  }
0x56: {  	_ =	shalt  }
0x57: {  	_ =	shalt  }
0x58: {  	_ =	shalt  }
0x59: {  	_ =	shalt  }
0x5a: {  	_ =	shalt  }
0x5b: {  	_ =	shalt  }
0x5c: {  	_ =	shalt  }
0x5d: {  	_ =	shalt  }
0x5e: {  	_ =	shalt  }
0x5f: {  	_ =	shalt  }
0x60: {  	_ =	shalt  }
0x61: {  	_ =	shalt  }
0x62: {  	_ =	shalt  }
0x63: {  	_ =	shalt  }
0x64: {  	_ =	shalt  }
0x65: {  	_ =	shalt  }
0x66: {  	_ =	shalt  }
0x67: {  	_ =	shalt  }
0x68: {  	_ =	shalt  }
0x69: {  	_ =	shalt  }
0x6a: {  	_ =	shalt  }
0x6b: {  	_ =	shalt  }
0x6c: {  	_ =	shalt  }
0x6d: {  	_ =	shalt  }
0x6e: {  	_ =	shalt  }
0x6f: {  	_ =	shalt  }
0x70: {  	_ =	shalt  }
0x71: {  	_ =	shalt  }
0x72: {  	_ =	shalt  }
0x73: {  	_ =	shalt  }
0x74: {  	_ =	shalt  }
0x75: {  	_ =	shalt  }
0x76: {  	_ =	shalt  }
0x77: {  	_ =	shalt  }
0x78: {  	_ =	shalt  }
0x79: {  	_ =	shalt  }
0x7a: {  	_ =	shalt  }
0x7b: {  	_ =	shalt  }
0x7c: {  	_ =	shalt  }
0x7d: {  	_ =	shalt  }
0x7e: {  	_ =	shalt  }
0x7f: {  	_ =	shalt  }
0x80: {  	_ =	shalt  }
0x81: {  	_ =	shalt  }
0x82: {  	_ =	shalt  }
0x83: {  	_ =	shalt  }
0x84: {  	_ =	shalt  }
0x85: {  	_ =	shalt  }
0x86: {  	_ =	shalt  }
0x87: {  	_ =	shalt  }
.Lfunc_end0:
.L_simem_size_0:
called_computation.2_lowered:
.L_overlay_start_0:
0x88: {  	s2 =	sld [smem:$0x3FD9]  }
0x89: {  	s3 =	sld [smem:$0x3FFE];
	_ =	sdelay $0x1  }
0x8a: {  	s1 =	srdreg.scid  }
0x8b: {  	s0 =	sand.u32 $0x1, s1  }
0x8c: {  	s16 =	sshll.u32 s0, $0xA;
	s2 =	sadd.s32 s3, s2  }
0x8d: {  	s2 =	sadd.s32 s2, s16  }
0x8e: {  	[smem:$0x3FC2] =	sst s2  }
0x8f: {  	_ = 	snop  }
0x90: {  	(tm) =	ssettm $0x1  }
0x91: {  	s17 =	sld [smem:$0x3FFB];
	_ =	sdelay $0x3  }
0x92: {  	_ =	strace s17  }
0x93: {  	s2 =	sld [smem:$0x3FFC];
	_ =	sdelay $0x3  }
0x94: {  	_ =	strace s2  }
0x95: {  	s2 =	sld [smem:$0x3FFD];
	_ =	sdelay $0x3  }
0x96: {  	_ =	strace s2  }
0x97: {  	_ =	strace $0x8FFFFFFF  }
0x98: {  	s18 =	sld [smem:$0x3FDB];
	_ =	sdelay $0x1  }
0x99: {  	s19 =	simm.s32 $_scs_section_size  }
0x9a: {  	s4 =	simm.s32 $_size__tile_overlayer_lowered;
	s5 =	simm.s32 $_tile_overlayer_lowered  }
0x9b: {  	s22 =	simm.s32 $0x1BFF;
	s21 =	sshll.u32 s5, $0x1;
	s2 =	sadd.s32 s19, s18  }
0x9c: {  	s6 =	simm.s32 $0x0;
	s20 =	sshll.u32 s4, $0x1;
	s4 =	sadd.s32 s21, s2  }
0x9d: {  	[timem:s6], [sflag:s22] =	dma.local [hbm:s4], s20  }
0x9e: {  	_ =	swait.ge [sflag:s22], s20  }
0x9f: {  	s3 =	ssub.s32 $0x0, s20;
	[sflag:s22] =	ssyncset.done $0x0  }
0xa0: {  	[sflag:s22] =	ssyncadd.s32 s3;
	_ =	sdelay $0x1  }
0xa1: {  	s23 =	simm.s32 $0x1B8B  }
0xa2: {  	_ =	swait.ge [sflag:s23], $0x1  }
0xa3: {  	[sflag:s23] =	ssyncset.done $0x0  }
0xa4: {  	s25 =	simm.s32 $0x1B8E;
	s24 =	sld [smem:$0x3FFE];
	[sflag:s23] =	ssyncadd.s32 $0xFFFFFFFF  }
0xa5: {  	s26 =	simm.s32 $execute0_lowered;
	[smem:$0x3FD2] =	sst s25  }
0xa6: {  	s4 =	sshll.u32 s26, $0x1;
	_ =	strace $0x8000004C;
	[dreg:$0x1] =	wrdreg $0xFFFFFFFF  }
0xa7: {  	s28 =	simm.s32 $_size_execute0_lowered;
	s2 =	sadd.s32 s2, s4;
	[dreg:$0x0] =	wrdreg $0x0  }
0xa8: {  	s4 =	sshll.u32 s28, $0x1;
	[dreg:$0x2] =	wrdreg s2  }
0xa9: {  	[dreg:$0x3] =	wrdreg s4  }
0xaa: {  	[dreg:$0x4] =	wrdreg $0xC0  }
0xab: {  	_ =	task [dreg:s6], $0x5FFFF  }
0xac: {  	[dreg:$0x1] =	wrdreg $0xFFFFFFFF  }
0xad: {  	[dreg:$0x0] =	wrdreg $0x60  }
0xae: {  	[dreg:$0x2] =	wrdreg s24  }
0xaf: {  	[dreg:$0x3] =	wrdreg $0x80200  }
0xb0: {  	[dreg:$0x4] =	wrdreg $0x9  }
0xb1: {  	_ =	task.clear_ibuf [dreg:s6], $0x5FFFF;
	_ =	strace $0x9000004C  }
0xb2: {  	s29 =	simm.s32 $0x9;
	_ =	strace $0x8000004E  }
0xb3: {  	_ =	swait.ge [sflag:s29], $0x1  }
0xb4: {  	[sflag:s29] =	ssyncadd.s32 $0xFFFFFFFF  }
0xb5: {  	_ =	strace $0x9000004E  }
0xb6: {  	_ =	sfence  }
0xb7: {  	s30 =	sld [smem:$0x0];
	_ =	sdelay $0x2  }
0xb8: {  	s31 =	sshll.u32 s1, $0xD;
	s1 =	sshrl.u32 s1, $0x2  }
0xb9: {  	s3 =	sand.u32 $0x4000, s31;
	s1 =	sadd.s32 s1, s30  }
0xba: {  	s0 =	sor.u32 s3, s0;
	s1 =	sshll.u32 s1, $0x11  }
0xbb: {  	s0 =	sor.u32 s1, s0  }
0xbc: {  	s0 =	sadd.s32 $0x8F2B, s0  }
0xbd: {  	[sflag:s0] =	ssyncadd.remote.s32 $0x1  }
0xbe: {  	_ =	sfence.sel $0xFFFF  }
0xbf: {  	[dreg:$0x0] =	wrdreg $0xFFFFFFFF;
	(pc) =	sbr.abs _section_cstart, $3  }
0xc0: {  	[dreg:$0x1] =	wrdreg $0xFFFFFFFF  }
0xc1: {  	_ =	task.clear_ibuf [dreg:s6], $0x2FFFF;
	_ =	strace $0x9FFFFFFF  }
0xc2: {  	(tm) =	ssettm $0x7FFFFFFF  }
0xc3: {  	_ =	shalt  }
tec
execute0_lowered:
.L_overlay_start_1:
0x0: {  	(tag) =	ssettag $0x1  }
0x1: {  	s0 =	srdreg.scid;
	s3 =	rddreg [dreg:$0x0]  }
0x2: {  	s8 =	stileid.u32;
	s2 =	rddreg [dreg:$0x1]  }
0x3: {  	s4 =	simm.s32 $0x0;
	s14 =	simm.s32 $0x50;
	s23 =	simm.s32 $0x5  }
0x4: {  	s28 =	simm.s32 $0xC;
	s30 =	simm.s32 $0xD;
	s9 =	simm.s32 $0x8  }
0x5: {  	s10 =	simm.s32 $0x9;
	s11 =	simm.s32 $0x11;
	s12 =	simm.s32 $0x12  }
0x6: {  	s15 =	simm.s32 $0x13;
	s16 =	simm.s32 $0x14;
	s0 =	sand.u32 $0x1, s0  }
0x7: {  	s5 =	smul.u32 $0x2800, s8;
	[smem:$0x7FF] =	sst s4;
	s4 =	sadd.s32 $0x6A800, s3  }
0x8: {  	s26 =	sshll.u32 s8, $0x6;
	s1 =	sshll.u32 s0, $0x4;
	s6 =	smul.u32 $0x28000, s0  }
0x9: {  	_ =	strace $0x8000004D;
	s0 =	ssub.s32 $0x2, s0;
	s1 =	sor.u32 s8, s1  }
0xa: {  	s7 =	sshrl.u32 s5, $0x3;
	s25 =	sshrl.u32 s0, $0x1;
	s8 =	simm.s32 $0x7  }
0xb: {  	s1 =	smul.u32 $0x2710, s1;
	s6 =	sadd.s32 s5, s6;
	s7 =	sadd.s32 s7, s3  }
0xc: {  	s0 =	ssub.s32 s0, s25;
	s5 =	sadd.s32 s5, s2;
	s25 =	simm.s32 $0xB  }
0xd: {  	s6 =	sshrl.u32 s6, $0x3;
	s7 =	sadd.s32 $0x15800, s7;
	s0 =	smax.u32 s0, $0x1  }
0xe: {  	s24 =	sshrl.u32 s5, $0x3;
	s5 =	simm.s32 $0xF;
	[dreg:$0x3] =	wrdreg s7  }
0xf: {  	s1 =	sshrl.u32 s1, $0x3;
	s7 =	sor.u32 $0x1C15, s26;
	[dreg:$0x8] =	wrdreg s0  }
.Ltmp0:
0x10: {  	[dreg:$0x9] =	wrdreg s24;
	s1 =	sadd.s32 s1, s3;
	(pc) =	sbr.rel .LBB2_1-.Ltmp0, $4  }
0x11: {  	s0 =	simm.s32 $0x0;
	[dreg:$0x4] =	wrdreg s7;
	s29 =	sadd.s32 $0x1E00, s1  }
0x12: {  	s3 =	sadd.s32 s6, s3;
	s1 =	sadd.s32 $0xBA40, s1;
	[dreg:$0x5] =	wrdreg s29  }
0x13: {  	s6 =	simm.s32 $0x10;
	s31 =	sadd.s32 $0x6F800, s3;
	[dreg:$0x6] =	wrdreg s1  }
0x14: {  	s3 =	simm.s32 $0xA;
	[dreg:$0x7] =	wrdreg s31;
	s1 =	simm.s32 $0xE  }
.LBB2_4:
0x15: {  	s0 =	simm.s32 $0x1  }
0x16: {  	_ =	swait.ge [sflag:s0], $0x500  }
0x17: {  	s18 =	simm.s32 $0x4E20;
	[sflag:s0] =	ssyncset.done $0x0  }
0x18: {  	s22 =	simm.s32 $0x4C90;
	s24 =	simm.s32 $0x2;
	[sflag:s0] =	ssyncadd.s32 $0xFFFFFB00  }
0x19: {  	[spmem:s2] =	stream.indirect.scatter.add.f32 [tilespmem:s18], [sflag:$0xB], $0x10, s22, s14, $0xb8;
	[tilespmem:$0xA820] =	vst v63  }
0x1a: {  	_ =	swait.ge [sflag:s24], $0x500  }
0x1b: {  	s26 =	simm.s32 $0x5320;
	[sflag:s24] =	ssyncset.done $0x0  }
0x1c: {  	s29 =	simm.s32 $0x4CE0;
	s31 =	simm.s32 $0x3;
	[sflag:s24] =	ssyncadd.s32 $0xFFFFFB00  }
0x1d: {  	[spmem:s2] =	stream.indirect.scatter.add.f32 [tilespmem:s26], [sflag:$0xC], $0x10, s29, s14, $0xb8;
	[tilespmem:$0xA820] =	vst v63  }
0x1e: {  	_ =	swait.ge [sflag:s31], $0x500  }
0x1f: {  	s7 =	simm.s32 $0x4D30;
	[sflag:s31] =	ssyncset.done $0x0  }
0x20: {  	s13 =	simm.s32 $0x4;
	s0 =	simm.s32 $0x5820;
	[sflag:s31] =	ssyncadd.s32 $0xFFFFFB00  }
0x21: {  	[spmem:s2] =	stream.indirect.scatter.add.f32 [tilespmem:s0], [sflag:$0xD], $0x10, s7, s14, $0xb8;
	[tilespmem:$0xA820] =	vst v63  }
0x22: {  	_ =	swait.ge [sflag:s13], $0x500  }
0x23: {  	[sflag:s13] =	ssyncset.done $0x0  }
0x24: {  	s17 =	simm.s32 $0x5D20;
	s19 =	simm.s32 $0x4D80;
	[sflag:s13] =	ssyncadd.s32 $0xFFFFFB00  }
0x25: {  	[spmem:s2] =	stream.indirect.scatter.add.f32 [tilespmem:s17], [sflag:$0xE], $0x10, s19, s14, $0xb8;
	[tilespmem:$0xA820] =	vst v63  }
0x26: {  	_ =	swait.ge [sflag:s23], $0x500  }
0x27: {  	[sflag:s23] =	ssyncset.done $0x0  }
0x28: {  	s20 =	simm.s32 $0x6220;
	s7 =	simm.s32 $0x4DD0;
	[sflag:s23] =	ssyncadd.s32 $0xFFFFFB00  }
0x29: {  	[spmem:s2] =	stream.indirect.scatter.add.f32 [tilespmem:s20], [sflag:$0xF], $0x10, s7, s14, $0xb8;
	[tilespmem:$0xA820] =	vst v63  }
0x2a: {  	_ =	swait.ge [sflag:s6], $0x500  }
0x2b: {  	[sflag:s6] =	ssyncset.done $0x0  }
0x2c: {  	[sflag:s6] =	ssyncadd.s32 $0xFFFFFB00  }
0x2d: {  	_ =	swait.ge [sflag:s11], $0x500  }
0x2e: {  	[sflag:s11] =	ssyncset.done $0x0  }
0x2f: {  	[sflag:s11] =	ssyncadd.s32 $0xFFFFFB00  }
0x30: {  	_ =	swait.ge [sflag:s12], $0x500  }
0x31: {  	[sflag:s12] =	ssyncset.done $0x0  }
0x32: {  	[sflag:s12] =	ssyncadd.s32 $0xFFFFFB00  }
0x33: {  	_ =	swait.ge [sflag:s15], $0x500  }
0x34: {  	[sflag:s15] =	ssyncset.done $0x0  }
0x35: {  	[sflag:s15] =	ssyncadd.s32 $0xFFFFFB00  }
0x36: {  	_ =	swait.ge [sflag:s16], $0x500  }
0x37: {  	[sflag:s16] =	ssyncset.done $0x0  }
0x38: {  	[sflag:s16] =	ssyncadd.s32 $0xFFFFFB00  }
0x39: {  	_ =	swait.ge [sflag:s25], $0x500  }
0x3a: {  	[sflag:s25] =	ssyncset.done $0x0  }
0x3b: {  	[sflag:s25] =	ssyncadd.s32 $0xFFFFFB00  }
0x3c: {  	_ =	swait.ge [sflag:s28], $0x500  }
0x3d: {  	[sflag:s28] =	ssyncset.done $0x0  }
0x3e: {  	[sflag:s28] =	ssyncadd.s32 $0xFFFFFB00  }
0x3f: {  	_ =	swait.ge [sflag:s30], $0x500  }
0x40: {  	[sflag:s30] =	ssyncset.done $0x0  }
0x41: {  	[sflag:s30] =	ssyncadd.s32 $0xFFFFFB00  }
0x42: {  	_ =	swait.ge [sflag:s1], $0x500  }
0x43: {  	[sflag:s1] =	ssyncset.done $0x0  }
0x44: {  	[sflag:s1] =	ssyncadd.s32 $0xFFFFFB00  }
0x45: {  	_ =	swait.ge [sflag:s5], $0x500  }
0x46: {  	[sflag:s5] =	ssyncset.done $0x0  }
0x47: {  	[sflag:s5] =	ssyncadd.s32 $0xFFFFFB00  }
0x48: {  	[bflag:$0x0] =	sbarrier.arrive $0xFFFF  }
0x49: {  	s7 =	rddreg [dreg:$0x4]  }
0x4a: {  	s21 =	rddreg [dreg:$0x7]  }
0x4b: {  	s22 =	simm.s32 $0x15;
	s24 =	rddreg [dreg:$0x9]  }
0x4c: {  	[hbm:s21], [sflag:s7] =	dma.local [spmem:s24], $0x500  }
0x4d: {  	_ =	swait.ge [sflag:s22], $0x500  }
0x4e: {  	s26 =	rddreg [dreg:$0xa]  }
0x4f: {  	s29 =	rddreg [dreg:$0x8];
	s0 =	sadd.s32 $0x1, s26  }
0x50: {  	p0 =	sne.s32 s0, s29  }
.Ltmp1:
0x51: {  	_ = 	snop;
	(pc) =	sbr.rel @!p0 .LBB2_5-.Ltmp1, $3  }
0x52: {  	_ =	sdelay $0x1  }
0x53: {  	s31 =	simm.s32 $0x15;
	[sflag:s22] =	ssyncset.done $0x0  }
0x54: {  	[sflag:s31] =	ssyncadd.s32 $0xFFFFFB00  }
.LBB2_1:
0x55: {  	[dreg:$0xa] =	wrdreg s0  }
0x56: {  	s0 =	smov.u32 s7;
	s26 =	simm.s32 $0x15;
	s18 =	rddreg [dreg:$0x3]  }
0x57: {  	[spmem:s24], [sflag:s0] =	dma.local [hbm:s18], $0x500  }
0x58: {  	_ =	swait.ge [sflag:s26], $0x500  }
0x59: {  	[sflag:s26] =	ssyncset.done $0x0  }
0x5a: {  	s0 =	simm.s32 $0x0;
	s18 =	rddreg [dreg:$0x5];
	[sflag:s26] =	ssyncadd.s32 $0xFFFFFB00  }
0x5b: {  	[tilespmem:s0], [sflag:$0x15] =	stream.linear.gather [hbm4b:s18+s0], $0x2710, $0x38;
	[tilespmem:$0xA820] =	vst v63  }
0x5c: {  	_ =	swait.ge [sflag:s26], $0x2710  }
0x5d: {  	[sflag:s26] =	ssyncset.done $0x0  }
0x5e: {  	s18 =	simm.s32 $0x2710;
	s24 =	rddreg [dreg:$0x6];
	[sflag:s26] =	ssyncadd.s32 $0xFFFFD8F0  }
0x5f: {  	[tilespmem:s18], [sflag:$0x15] =	stream.linear.gather [hbm4b:s24+s0], $0x2710, $0x38;
	[tilespmem:$0xA820] =	vst v63  }
0x60: {  	_ =	swait.ge [sflag:s26], $0x2710  }
0x61: {  	[sflag:s26] =	ssyncset.done $0x0  }
0x62: {  	[sflag:s26] =	ssyncadd.s32 $0xFFFFD8F0  }
0x63: {  	s0 =	simm.s32 $0x0;
	s24 =	simm.s32 $0x4E20;
	[bflag:$0x0] =	sbarrier.arrive $0xFFFF  }
0x64: {  	[tilespmem:s24], [sflag:$0x1] =	stream.indirect.gather [hbm4b:s4+s14], $0x10, s0, s14, $0xb8;
	[tilespmem:$0xA820] =	vst v63  }
0x65: {  	s20 =	simm.s32 $0x5320  }
0x66: {  	[tilespmem:s20], [sflag:$0x2] =	stream.indirect.gather [hbm4b:s4+s14], $0x10, s14, s14, $0xb8;
	[tilespmem:$0xA820] =	vst v63  }
0x67: {  	s29 =	simm.s32 $0x5820;
	s26 =	simm.s32 $0xA0  }
0x68: {  	[tilespmem:s29], [sflag:$0x3] =	stream.indirect.gather [hbm4b:s4+s14], $0x10, s26, s14, $0xb8;
	[tilespmem:$0xA820] =	vst v63  }
0x69: {  	s22 =	simm.s32 $0x5D20;
	s0 =	simm.s32 $0xF0  }
0x6a: {  	[tilespmem:s22], [sflag:$0x4] =	stream.indirect.gather [hbm4b:s4+s14], $0x10, s0, s14, $0xb8;
	[tilespmem:$0xA820] =	vst v63  }
0x6b: {  	s31 =	simm.s32 $0x6220;
	s20 =	simm.s32 $0x140  }
0x6c: {  	[tilespmem:s31], [sflag:$0x5] =	stream.indirect.gather [hbm4b:s4+s14], $0x10, s20, s14, $0xb8;
	[tilespmem:$0xA820] =	vst v63  }
0x6d: {  	s13 =	simm.s32 $0x6720;
	s22 =	simm.s32 $0x190  }
0x6e: {  	[tilespmem:s13], [sflag:$0x6] =	stream.indirect.gather [hbm4b:s4+s14], $0x10, s22, s14, $0xb8;
	[tilespmem:$0xA820] =	vst v63  }
0x6f: {  	s17 =	simm.s32 $0x6C20;
	s24 =	simm.s32 $0x1E0  }
0x70: {  	[tilespmem:s17], [sflag:$0x7] =	stream.indirect.gather [hbm4b:s4+s14], $0x10, s24, s14, $0xb8;
	[tilespmem:$0xA820] =	vst v63  }
0x71: {  	s19 =	simm.s32 $0x7120;
	s26 =	simm.s32 $0x230  }
0x72: {  	[tilespmem:s19], [sflag:$0x8] =	stream.indirect.gather [hbm4b:s4+s14], $0x10, s26, s14, $0xb8;
	[tilespmem:$0xA820] =	vst v63  }
0x73: {  	s7 =	simm.s32 $0x7620;
	s29 =	simm.s32 $0x280  }
0x74: {  	[tilespmem:s7], [sflag:$0x9] =	stream.indirect.gather [hbm4b:s4+s14], $0x10, s29, s14, $0xb8;
	[tilespmem:$0xA820] =	vst v63  }
0x75: {  	s21 =	simm.s32 $0x7B20;
	s31 =	simm.s32 $0x2D0;
	s24 =	simm.s32 $0x0  }
0x76: {  	[tilespmem:s21], [sflag:$0xA] =	stream.indirect.gather [hbm4b:s4+s14], $0x10, s31, s14, $0xb8;
	[tilespmem:$0xA820] =	vst v63  }
.LBB2_2:
0x77: {  	s0 =	simm.s32 $0x1  }
0x78: {  	_ =	swait.ge [sflag:s0], $0x500  }
0x79: {  	s18 =	sshra.s32 s24, $0x2;
	s20 =	simm.s32 $0x4E20;
	[sflag:s0] =	ssyncset.done $0x0  }
0x7a: {  	s31 =	simm.s32 $0x2;
	s26 =	sadd.s32 $0x2710, s18;
	[sflag:s0] =	ssyncadd.s32 $0xFFFFFB00  }
0x7b: {  	[spmem:s2] =	stream.indirect.scatter.add.f32 [tilespmem:s20], [sflag:$0xB], $0x10, s26, s14, $0xb8;
	[tilespmem:$0xA820] =	vst v63  }
0x7c: {  	_ =	swait.ge [sflag:s31], $0x500  }
0x7d: {  	s29 =	simm.s32 $0x5320;
	[sflag:s31] =	ssyncset.done $0x0  }
0x7e: {  	s22 =	sadd.s32 $0x2760, s18;
	[sflag:s31] =	ssyncadd.s32 $0xFFFFFB00;
	s31 =	simm.s32 $0x3  }
0x7f: {  	[spmem:s2] =	stream.indirect.scatter.add.f32 [tilespmem:s29], [sflag:$0xC], $0x10, s22, s14, $0xb8;
	[tilespmem:$0xA820] =	vst v63  }
0x80: {  	_ =	swait.ge [sflag:s31], $0x500  }
0x81: {  	s0 =	sadd.s32 $0x27B0, s18;
	[sflag:s31] =	ssyncset.done $0x0  }
0x82: {  	s22 =	simm.s32 $0x5820;
	[sflag:s31] =	ssyncadd.s32 $0xFFFFFB00;
	s31 =	simm.s32 $0x4  }
0x83: {  	[spmem:s2] =	stream.indirect.scatter.add.f32 [tilespmem:s22], [sflag:$0xD], $0x10, s0, s14, $0xb8;
	[tilespmem:$0xA820] =	vst v63  }
0x84: {  	_ =	swait.ge [sflag:s31], $0x500  }
0x85: {  	[sflag:s31] =	ssyncset.done $0x0  }
0x86: {  	s0 =	sadd.s32 $0x2800, s18;
	[sflag:s31] =	ssyncadd.s32 $0xFFFFFB00;
	s31 =	simm.s32 $0x5D20  }
0x87: {  	[spmem:s2] =	stream.indirect.scatter.add.f32 [tilespmem:s31], [sflag:$0xE], $0x10, s0, s14, $0xb8;
	[tilespmem:$0xA820] =	vst v63  }
0x88: {  	_ =	swait.ge [sflag:s23], $0x500  }
0x89: {  	[sflag:s23] =	ssyncset.done $0x0  }
0x8a: {  	s26 =	sadd.s32 $0x2850, s18;
	s0 =	simm.s32 $0x6220;
	[sflag:s23] =	ssyncadd.s32 $0xFFFFFB00  }
0x8b: {  	[spmem:s2] =	stream.indirect.scatter.add.f32 [tilespmem:s0], [sflag:$0xF], $0x10, s26, s14, $0xb8;
	[tilespmem:$0xA820] =	vst v63  }
0x8c: {  	_ =	swait.ge [sflag:s25], $0x500  }
0x8d: {  	[sflag:s25] =	ssyncset.done $0x0  }
0x8e: {  	s26 =	sadd.s32 $0x320, s18;
	[sflag:s25] =	ssyncadd.s32 $0xFFFFFB00  }
0x8f: {  	[tilespmem:s20], [sflag:$0x1] =	stream.indirect.gather [hbm4b:s4+s14], $0x10, s26, s14, $0xb8;
	[tilespmem:$0xA820] =	vst v63  }
0x90: {  	_ =	swait.ge [sflag:s28], $0x500  }
0x91: {  	[sflag:s28] =	ssyncset.done $0x0  }
0x92: {  	s20 =	sadd.s32 $0x370, s18;
	[sflag:s28] =	ssyncadd.s32 $0xFFFFFB00  }
0x93: {  	[tilespmem:s29], [sflag:$0x2] =	stream.indirect.gather [hbm4b:s4+s14], $0x10, s20, s14, $0xb8;
	[tilespmem:$0xA820] =	vst v63  }
0x94: {  	_ =	swait.ge [sflag:s30], $0x500  }
0x95: {  	[sflag:s30] =	ssyncset.done $0x0  }
0x96: {  	s20 =	sadd.s32 $0x3C0, s18;
	[sflag:s30] =	ssyncadd.s32 $0xFFFFFB00  }
0x97: {  	[tilespmem:s22], [sflag:$0x3] =	stream.indirect.gather [hbm4b:s4+s14], $0x10, s20, s14, $0xb8;
	[tilespmem:$0xA820] =	vst v63  }
0x98: {  	_ =	swait.ge [sflag:s1], $0x500  }
0x99: {  	[sflag:s1] =	ssyncset.done $0x0  }
0x9a: {  	s22 =	sadd.s32 $0x410, s18;
	[sflag:s1] =	ssyncadd.s32 $0xFFFFFB00  }
0x9b: {  	[tilespmem:s31], [sflag:$0x4] =	stream.indirect.gather [hbm4b:s4+s14], $0x10, s22, s14, $0xb8;
	[tilespmem:$0xA820] =	vst v63  }
0x9c: {  	_ =	swait.ge [sflag:s5], $0x500  }
0x9d: {  	[sflag:s5] =	ssyncset.done $0x0  }
0x9e: {  	s29 =	sadd.s32 $0x460, s18;
	s31 =	simm.s32 $0x6;
	[sflag:s5] =	ssyncadd.s32 $0xFFFFFB00  }
0x9f: {  	[tilespmem:s0], [sflag:$0x5] =	stream.indirect.gather [hbm4b:s4+s14], $0x10, s29, s14, $0xb8;
	[tilespmem:$0xA820] =	vst v63  }
0xa0: {  	_ =	swait.ge [sflag:s31], $0x500  }
0xa1: {  	[sflag:s31] =	ssyncset.done $0x0  }
0xa2: {  	s0 =	sadd.s32 $0x28A0, s18;
	[sflag:s31] =	ssyncadd.s32 $0xFFFFFB00  }
0xa3: {  	[spmem:s2] =	stream.indirect.scatter.add.f32 [tilespmem:s13], [sflag:$0x10], $0x10, s0, s14, $0xb8;
	[tilespmem:$0xA820] =	vst v63  }
0xa4: {  	_ =	swait.ge [sflag:s8], $0x500  }
0xa5: {  	[sflag:s8] =	ssyncset.done $0x0  }
0xa6: {  	s20 =	sadd.s32 $0x28F0, s18;
	[sflag:s8] =	ssyncadd.s32 $0xFFFFFB00  }
0xa7: {  	[spmem:s2] =	stream.indirect.scatter.add.f32 [tilespmem:s17], [sflag:$0x11], $0x10, s20, s14, $0xb8;
	[tilespmem:$0xA820] =	vst v63  }
0xa8: {  	_ =	swait.ge [sflag:s9], $0x500  }
0xa9: {  	[sflag:s9] =	ssyncset.done $0x0  }
0xaa: {  	s22 =	sadd.s32 $0x2940, s18;
	[sflag:s9] =	ssyncadd.s32 $0xFFFFFB00  }
0xab: {  	[spmem:s2] =	stream.indirect.scatter.add.f32 [tilespmem:s19], [sflag:$0x12], $0x10, s22, s14, $0xb8;
	[tilespmem:$0xA820] =	vst v63  }
0xac: {  	_ =	swait.ge [sflag:s10], $0x500  }
0xad: {  	[sflag:s10] =	ssyncset.done $0x0  }
0xae: {  	p0 =	seq.s32 s24, $0x8980;
	s29 =	sadd.s32 $0x2990, s18;
	[sflag:s10] =	ssyncadd.s32 $0xFFFFFB00  }
0xaf: {  	[spmem:s2] =	stream.indirect.scatter.add.f32 [tilespmem:s7], [sflag:$0x13], $0x10, s29, s14, $0xb8;
	[tilespmem:$0xA820] =	vst v63  }
.Ltmp2:
0xb0: {  	_ = 	snop;
	(pc) =	sbr.rel @p0 .LBB2_4-.Ltmp2, $4  }
0xb1: {  	s31 =	sadd.s32 $0x29E0, s18;
	s0 =	simm.s32 $0x6720;
	_ =	swait.ge [sflag:s3], $0x500  }
0xb2: {  	s13 =	simm.s32 $0x6C20;
	s17 =	simm.s32 $0x7120;
	[sflag:s3] =	ssyncset.done $0x0  }
0xb3: {  	s19 =	simm.s32 $0x7B20;
	s7 =	simm.s32 $0x7620;
	[sflag:s3] =	ssyncadd.s32 $0xFFFFFB00  }
0xb4: {  	[spmem:s2] =	stream.indirect.scatter.add.f32 [tilespmem:s21], [sflag:$0x14], $0x10, s31, s14, $0xb8;
	[tilespmem:$0xA820] =	vst v63  }
0xb5: {  	_ =	swait.ge [sflag:s6], $0x500  }
0xb6: {  	[sflag:s6] =	ssyncset.done $0x0  }
0xb7: {  	s26 =	sadd.s32 $0x4B0, s18;
	[sflag:s6] =	ssyncadd.s32 $0xFFFFFB00  }
0xb8: {  	[tilespmem:s0], [sflag:$0x6] =	stream.indirect.gather [hbm4b:s4+s14], $0x10, s26, s14, $0xb8;
	[tilespmem:$0xA820] =	vst v63  }
0xb9: {  	_ =	swait.ge [sflag:s11], $0x500  }
0xba: {  	[sflag:s11] =	ssyncset.done $0x0  }
0xbb: {  	s21 =	sadd.s32 $0x500, s18;
	[sflag:s11] =	ssyncadd.s32 $0xFFFFFB00  }
0xbc: {  	[tilespmem:s13], [sflag:$0x7] =	stream.indirect.gather [hbm4b:s4+s14], $0x10, s21, s14, $0xb8;
	[tilespmem:$0xA820] =	vst v63  }
0xbd: {  	_ =	swait.ge [sflag:s12], $0x500  }
0xbe: {  	[sflag:s12] =	ssyncset.done $0x0  }
0xbf: {  	s22 =	sadd.s32 $0x550, s18;
	[sflag:s12] =	ssyncadd.s32 $0xFFFFFB00  }
0xc0: {  	[tilespmem:s17], [sflag:$0x8] =	stream.indirect.gather [hbm4b:s4+s14], $0x10, s22, s14, $0xb8;
	[tilespmem:$0xA820] =	vst v63  }
0xc1: {  	_ =	swait.ge [sflag:s15], $0x500  }
0xc2: {  	[sflag:s15] =	ssyncset.done $0x0  }
0xc3: {  	s29 =	sadd.s32 $0x5A0, s18;
	[sflag:s15] =	ssyncadd.s32 $0xFFFFFB00  }
0xc4: {  	[tilespmem:s7], [sflag:$0x9] =	stream.indirect.gather [hbm4b:s4+s14], $0x10, s29, s14, $0xb8;
	[tilespmem:$0xA820] =	vst v63  }
.Ltmp3:
0xc5: {  	_ =	swait.ge [sflag:s16], $0x500;
	(pc) =	sbr.rel .LBB2_2-.Ltmp3, $4  }
0xc6: {  	s31 =	sadd.s32 $0x5F0, s18;
	s24 =	sadd.s32 $0xC80, s24;
	[sflag:s16] =	ssyncset.done $0x0  }
0xc7: {  	s21 =	simm.s32 $0x7B20;
	s13 =	simm.s32 $0x6720;
	[sflag:s16] =	ssyncadd.s32 $0xFFFFFB00  }
0xc8: {  	[tilespmem:s19], [sflag:$0xA] =	stream.indirect.gather [hbm4b:s4+s14], $0x10, s31, s14, $0xb8;
	[tilespmem:$0xA820] =	vst v63  }
0xc9: {  	s17 =	simm.s32 $0x6C20;
	s7 =	simm.s32 $0x7620;
	s19 =	simm.s32 $0x7120  }
.LBB2_5:
0xca: {  	_ =	sfence.sel $0x180000  }
0xcb: {  	[bflag:$0x0] =	sbarrier.arrive $0xFFFF  }
0xcc: {  	_ =	strace $0x9000004D  }
0xcd: {  	s0 =	stileid.u32;
	[bflag:$0x2] =	sbarrier.arrive $0xFFFF  }
0xce: {  	p0 =	sne.s32 s0, $0x0;
	s0 =	rddreg [dreg:$0x2]  }
0xcf: {  	s0 =	sadd.s32 @!p0 $0x100000, s0  }
0xd0: {  	[sflag:s0] =	ssyncadd.tile.s32 @!p0 $0x1;
	_ =	shalt  }
.Lfunc_end2:
_tile_overlayer_lowered:
.L_overlay_start_2:
0xd1: {  	(tag) =	ssettag $0x2  }
0xd2: {  	s0 =	rddreg [dreg:$0x0];
	s2 =	stileid.u32  }
0xd3: {  	s1 =	rddreg [dreg:$0x1];
	p0 =	sne.s32 s2, $0x0  }
0xd4: {  	s3 =	rddreg [dreg:$0x2];
	[bflag:$0x3] =	sbarrier.arrive $0xFFFF;
	s2 =	simm.s32 @!p0 $0x1C15  }
0xd5: {  	[timem:s3], [sflag:s2] =	dma.local @!p0 [hbm:s0], s1  }
0xd6: {  	s0 =	simm.s32 @!p0 $0x15  }
0xd7: {  	_ =	swait.ge @!p0 [sflag:s0], s1  }
0xd8: {  	s1 =	ssub.s32 @!p0 $0x0, s1;
	[sflag:s0] =	ssyncset.done @!p0 $0x0  }
0xd9: {  	[sflag:s0] =	ssyncadd.s32 @!p0 s1  }
0xda: {  	[bflag:$0x3] =	sbarrier.arrive $0xFFFF  }
0xdb: {  	_ =	shalt  }

// kernel: kernel.8.cloned.1.call-start
scs
__scs_entry_jumppad:
0x0: {  	(pc) =	sbr.rel $0x88, $3  }
0x1: {  	(tag) =	ssettag $0x0;
	lr =	simm.s32 $0x1  }
0x2: {  	[smem:$0x3F9B] =	sst lr;
	_ =	strace $0xD0000000  }
0x3: {  	_ = 	snop  }
0x4: {  	_ = 	snop  }
0x5: {  	_ = 	snop  }
0x6: {  	_ = 	snop  }
0x7: {  	_ = 	snop  }
__scs_overlays_trampoline_lowered:
0x8: {  	[smem:$0x3FAA] =	sst s0  }
0x9: {  	[smem:$0x3FAB] =	sst s1  }
0xa: {  	[smem:$0x3FAC] =	sst s2  }
0xb: {  	[smem:$0x3FAD] =	sst s3  }
0xc: {  	[smem:$0x3FAE] =	sst s4  }
0xd: {  	[smem:$0x3FAF] =	sst s5  }
0xe: {  	[smem:$0x3FB0] =	sst s6  }
0xf: {  	[smem:$0x3FB1] =	sst s7  }
0x10: {  	[smem:$0x3FB2] =	sst s8  }
0x11: {  	[smem:$0x3FB3] =	sst s9;
	s0 =	simm.s32 @!p0 $0x0  }
0x12: {  	s1 =	sld [smem:$0x3F99];
	s0 =	simm.s32 @p0 $0x1  }
0x13: {  	[smem:$0x3FB4] =	sst s0;
	s0 =	simm.s32 @!p1 $0x0  }
0x14: {  	s2 =	sld [smem:$0x3F98];
	s0 =	simm.s32 @p1 $0x1  }
0x15: {  	[smem:$0x3FB5] =	sst s0;
	s0 =	simm.s32 @!p2 $0x0  }
0x16: {  	s3 =	sld [smem:$0x3FDB];
	s0 =	simm.s32 @p2 $0x1  }
0x17: {  	s4 =	simm.s32 $0x1BF5;
	[smem:$0x3FB7] =	sst s0  }
0x18: {  	s0 =	sld [smem:$0x3F9A];
	_ =	swait.ge [sflag:s4], $0x0  }
0x19: {  	s7 =	sld [smem:$0x3F9B]  }
0x1a: {  	s8 =	sadd.s32 $0xFFFFE003, lr  }
0x1b: {  	s9 =	sadd.s32 $0xFFFFFEF7, lr;
	s5 =	simm.s32 $0xFFFFFFFF;
	p2 =	slt.u32 s8, $0xFFFFF086  }
0x1c: {  	p1 =	slt.u32 s9, $0xF7A;
	s5 =	simm.s32 @!p2 $0x0  }
0x1d: {  	s5 =	simm.s32 @p1 $0x1;
	p0 =	seq.s32 s7, s2  }
0x1e: {  	s7 =	smul.u32 @!p0 $0xF7A, s2;
	p2 =	seq.s32 @!p0 s5, $0x0  }
0x1f: {  	s9 =	smul.u32 $0xF7A, s1;
	s8 =	simm.s32 @!p0 $0x1BF5;
	p2 =	por !p2, p0  }
0x20: {  	[sflag:s8] =	ssyncset.s32 @!p0 $0xFFFFF086;
	s6 =	sadd.s32 @!p0 s3, s7;
	s7 =	simm.s32 @!p0 $0x108  }
0x21: {  	s3 =	sadd.s32 s3, s9;
	s6 =	sadd.s32 @!p0 $0x88, s6;
	s7 =	simm.s32 @p2 $0x1082  }
0x22: {  	[simem:s7], [sflag:s8] =	dma.local @!p0 [hbm:s6], $0xF7A  }
0x23: {  	s9 =	sor.u32 $0xD0000000, s2;
	s6 =	simm.s32 $0x108;
	_ =	swait.ge @!p0 [sflag:s8], $0x0  }
0x24: {  	s3 =	sadd.s32 $0x88, s3;
	s6 =	simm.s32 @!p1 $0x1082;
	[sflag:s4] =	ssyncset.s32 $0xFFFFF086  }
0x25: {  	[simem:s6], [sflag:s4] =	dma.local [hbm:s3], $0xF7A  }
0x26: {  	[smem:$0x3F9B] =	sst s1;
	(tag) =	ssettag s2;
	_ =	strace s9  }
0x27: {  	s1 =	sld [smem:$0x3FAB]  }
0x28: {  	s2 =	sld [smem:$0x3FAC]  }
0x29: {  	s4 =	sld [smem:$0x3FAE]  }
0x2a: {  	p0 =	seq.s32 s5, $0x0;
	s5 =	sld [smem:$0x3FAF]  }
0x2b: {  	s6 =	sld [smem:$0x3FB0]  }
0x2c: {  	s7 =	sld [smem:$0x3FB1]  }
0x2d: {  	s3 =	simm.s32 $0x108;
	s8 =	sld [smem:$0x3FB2]  }
0x2e: {  	s3 =	simm.s32 @!p0 $0x1082;
	s9 =	sld [smem:$0x3FB3]  }
0x2f: {  	lr =	sadd.s32 s0, s3;
	s0 =	sld [smem:$0x3FAA]  }
0x30: {  	s3 =	sld [smem:$0x3FAD]  }
0x31: {  	[smem:$0x3FB6] =	sst s10  }
0x32: {  	s10 =	sld [smem:$0x3FB4];
	_ =	sdelay $0x3  }
0x33: {  	p0 =	seq.s32 s10, $0x1;
	s10 =	sld [smem:$0x3FB6];
	_ =	sdelay $0x3  }
0x34: {  	[smem:$0x3FB6] =	sst s10  }
0x35: {  	s10 =	sld [smem:$0x3FB5];
	_ =	sdelay $0x3  }
0x36: {  	p1 =	seq.s32 s10, $0x1;
	s10 =	sld [smem:$0x3FB6];
	_ =	sdelay $0x3  }
0x37: {  	[smem:$0x3FB6] =	sst s10  }
0x38: {  	s10 =	sld [smem:$0x3FB7]  }
0x39: {  	_ = 	snop;
	(pc) =	sbr.ind lr, $3  }
0x3a: {  	_ = 	snop  }
0x3b: {  	_ = 	snop  }
0x3c: {  	p2 =	seq.s32 s10, $0x1;
	s10 =	sld [smem:$0x3FB6]  }
0x3d: {  	_ =	shalt  }
0x3e: {  	_ =	shalt  }
0x3f: {  	_ =	shalt  }
0x40: {  	_ =	shalt  }
0x41: {  	_ =	shalt  }
0x42: {  	_ =	shalt  }
0x43: {  	_ =	shalt  }
0x44: {  	_ =	shalt  }
0x45: {  	_ =	shalt  }
0x46: {  	_ =	shalt  }
0x47: {  	_ =	shalt  }
0x48: {  	_ =	shalt  }
0x49: {  	_ =	shalt  }
0x4a: {  	_ =	shalt  }
0x4b: {  	_ =	shalt  }
0x4c: {  	_ =	shalt  }
0x4d: {  	_ =	shalt  }
0x4e: {  	_ =	shalt  }
0x4f: {  	_ =	shalt  }
0x50: {  	_ =	shalt  }
0x51: {  	_ =	shalt  }
0x52: {  	_ =	shalt  }
0x53: {  	_ =	shalt  }
0x54: {  	_ =	shalt  }
0x55: {  	_ =	shalt  }
0x56: {  	_ =	shalt  }
0x57: {  	_ =	shalt  }
0x58: {  	_ =	shalt  }
0x59: {  	_ =	shalt  }
0x5a: {  	_ =	shalt  }
0x5b: {  	_ =	shalt  }
0x5c: {  	_ =	shalt  }
0x5d: {  	_ =	shalt  }
0x5e: {  	_ =	shalt  }
0x5f: {  	_ =	shalt  }
0x60: {  	_ =	shalt  }
0x61: {  	_ =	shalt  }
0x62: {  	_ =	shalt  }
0x63: {  	_ =	shalt  }
0x64: {  	_ =	shalt  }
0x65: {  	_ =	shalt  }
0x66: {  	_ =	shalt  }
0x67: {  	_ =	shalt  }
0x68: {  	_ =	shalt  }
0x69: {  	_ =	shalt  }
0x6a: {  	_ =	shalt  }
0x6b: {  	_ =	shalt  }
0x6c: {  	_ =	shalt  }
0x6d: {  	_ =	shalt  }
0x6e: {  	_ =	shalt  }
0x6f: {  	_ =	shalt  }
0x70: {  	_ =	shalt  }
0x71: {  	_ =	shalt  }
0x72: {  	_ =	shalt  }
0x73: {  	_ =	shalt  }
0x74: {  	_ =	shalt  }
0x75: {  	_ =	shalt  }
0x76: {  	_ =	shalt  }
0x77: {  	_ =	shalt  }
0x78: {  	_ =	shalt  }
0x79: {  	_ =	shalt  }
0x7a: {  	_ =	shalt  }
0x7b: {  	_ =	shalt  }
0x7c: {  	_ =	shalt  }
0x7d: {  	_ =	shalt  }
0x7e: {  	_ =	shalt  }
0x7f: {  	_ =	shalt  }
0x80: {  	_ =	shalt  }
0x81: {  	_ =	shalt  }
0x82: {  	_ =	shalt  }
0x83: {  	_ =	shalt  }
0x84: {  	_ =	shalt  }
0x85: {  	_ =	shalt  }
0x86: {  	_ =	shalt  }
0x87: {  	_ =	shalt  }
.Lfunc_end0:
.L_simem_size_0:
called_computation_lowered:
.L_overlay_start_0:
0x88: {  	s2 =	sld [smem:$0x3FD9]  }
0x89: {  	s3 =	sld [smem:$0x3FFE];
	_ =	sdelay $0x1  }
0x8a: {  	s1 =	srdreg.scid  }
0x8b: {  	s0 =	sand.u32 $0x1, s1  }
0x8c: {  	s16 =	sshll.u32 s0, $0xA;
	s2 =	sadd.s32 s3, s2  }
0x8d: {  	s2 =	sadd.s32 s2, s16  }
0x8e: {  	[smem:$0x3FC2] =	sst s2  }
0x8f: {  	_ = 	snop  }
0x90: {  	(tm) =	ssettm $0x1  }
0x91: {  	s17 =	sld [smem:$0x3FFB];
	_ =	sdelay $0x3  }
0x92: {  	_ =	strace s17  }
0x93: {  	s2 =	sld [smem:$0x3FFC];
	_ =	sdelay $0x3  }
0x94: {  	_ =	strace s2  }
0x95: {  	s2 =	sld [smem:$0x3FFD];
	_ =	sdelay $0x3  }
0x96: {  	_ =	strace s2  }
0x97: {  	_ =	strace $0x8FFFFFFF  }
0x98: {  	s18 =	sld [smem:$0x3FDB];
	_ =	sdelay $0x1  }
0x99: {  	s19 =	simm.s32 $_scs_section_size  }
0x9a: {  	s4 =	simm.s32 $_size__tile_overlayer_lowered;
	s5 =	simm.s32 $_tile_overlayer_lowered  }
0x9b: {  	s22 =	simm.s32 $0x1BFF;
	s21 =	sshll.u32 s5, $0x1;
	s2 =	sadd.s32 s19, s18  }
0x9c: {  	s6 =	simm.s32 $0x0;
	s20 =	sshll.u32 s4, $0x1;
	s4 =	sadd.s32 s21, s2  }
0x9d: {  	[timem:s6], [sflag:s22] =	dma.local [hbm:s4], s20  }
0x9e: {  	_ =	swait.ge [sflag:s22], s20  }
0x9f: {  	s3 =	ssub.s32 $0x0, s20;
	[sflag:s22] =	ssyncset.done $0x0  }
0xa0: {  	[sflag:s22] =	ssyncadd.s32 s3;
	_ =	sdelay $0x1  }
0xa1: {  	s23 =	simm.s32 $0x1B8B  }
0xa2: {  	_ =	swait.ge [sflag:s23], $0x1  }
0xa3: {  	[sflag:s23] =	ssyncset.done $0x0  }
0xa4: {  	s25 =	simm.s32 $0x1B8E;
	s24 =	sld [smem:$0x3FFE];
	[sflag:s23] =	ssyncadd.s32 $0xFFFFFFFF  }
0xa5: {  	s26 =	simm.s32 $execute0_lowered;
	[smem:$0x3FD2] =	sst s25  }
0xa6: {  	s4 =	sshll.u32 s26, $0x1;
	_ =	strace $0x80000046;
	[dreg:$0x1] =	wrdreg $0xFFFFFFFF  }
0xa7: {  	s28 =	simm.s32 $_size_execute0_lowered;
	s2 =	sadd.s32 s2, s4;
	[dreg:$0x0] =	wrdreg $0x0  }
0xa8: {  	s4 =	sshll.u32 s28, $0x1;
	[dreg:$0x2] =	wrdreg s2  }
0xa9: {  	[dreg:$0x3] =	wrdreg s4  }
0xaa: {  	[dreg:$0x4] =	wrdreg $0xC0  }
0xab: {  	_ =	task [dreg:s6], $0x5FFFF  }
0xac: {  	[dreg:$0x1] =	wrdreg $0xFFFFFFFF  }
0xad: {  	[dreg:$0x0] =	wrdreg $0x60  }
0xae: {  	[dreg:$0x2] =	wrdreg s24  }
0xaf: {  	[dreg:$0x3] =	wrdreg $0x2C100  }
0xb0: {  	[dreg:$0x4] =	wrdreg $0x9  }
0xb1: {  	_ =	task.clear_ibuf [dreg:s6], $0x5FFFF;
	_ =	strace $0x90000046  }
0xb2: {  	s29 =	simm.s32 $0x9;
	_ =	strace $0x80000048  }
0xb3: {  	_ =	swait.ge [sflag:s29], $0x1  }
0xb4: {  	[sflag:s29] =	ssyncadd.s32 $0xFFFFFFFF  }
0xb5: {  	_ =	strace $0x90000048  }
0xb6: {  	_ =	sfence  }
0xb7: {  	s30 =	sld [smem:$0x0];
	_ =	sdelay $0x2  }
0xb8: {  	s31 =	sshll.u32 s1, $0xD;
	s1 =	sshrl.u32 s1, $0x2  }
0xb9: {  	s3 =	sand.u32 $0x4000, s31;
	s1 =	sadd.s32 s1, s30  }
0xba: {  	s0 =	sor.u32 s3, s0;
	s1 =	sshll.u32 s1, $0x11  }
0xbb: {  	s0 =	sor.u32 s1, s0  }
0xbc: {  	s0 =	sadd.s32 $0x8F2B, s0  }
0xbd: {  	[sflag:s0] =	ssyncadd.remote.s32 $0x1  }
0xbe: {  	_ =	sfence.sel $0xFFFF  }
0xbf: {  	[dreg:$0x0] =	wrdreg $0xFFFFFFFF;
	(pc) =	sbr.abs _section_cstart, $3  }
0xc0: {  	[dreg:$0x1] =	wrdreg $0xFFFFFFFF  }
0xc1: {  	_ =	task.clear_ibuf [dreg:s6], $0x2FFFF;
	_ =	strace $0x9FFFFFFF  }
0xc2: {  	(tm) =	ssettm $0x7FFFFFFF  }
0xc3: {  	_ =	shalt  }
tec
execute0_lowered:
.L_overlay_start_1:
0x0: {  	(tag) =	ssettag $0x1  }
0x1: {  	s6 =	rddreg [dreg:$0x0]  }
0x2: {  	s2 =	rddreg [dreg:$0x1]  }
0x3: {  	s0 =	rddreg [dreg:$0x2];
	s1 =	stileid.u32  }
0x4: {  	s4 =	srdreg.scid;
	s3 =	simm.s32 $0x0;
	s12 =	simm.s32 $0x2710  }
0x5: {  	s13 =	simm.s32 $0x1;
	s14 =	simm.s32 $0x0;
	s5 =	smul.u32 $0x2800, s1  }
0x6: {  	s4 =	sand.u32 $0x1, s4;
	[smem:$0x7FF] =	sst s3;
	s31 =	sshll.u32 s1, $0x6  }
0x7: {  	s7 =	smul.u32 $0x28000, s4;
	_ =	strace $0x80000047;
	s9 =	sshll.u32 s4, $0x4  }
0x8: {  	s4 =	ssub.s32 $0x2, s4;
	s8 =	sshrl.u32 s5, $0x3;
	s9 =	sor.u32 s1, s9  }
0x9: {  	s10 =	sshrl.u32 s4, $0x1;
	s11 =	sadd.s32 s5, s2;
	s7 =	sadd.s32 s5, s7  }
0xa: {  	s9 =	smul.u32 $0x2710, s9;
	s8 =	sadd.s32 s8, s6;
	s10 =	ssub.s32 s4, s10  }
0xb: {  	s5 =	sor.u32 $0x1C02, s31;
	s7 =	sshrl.u32 s7, $0x3;
	s4 =	sadd.s32 $0x15800, s8  }
0xc: {  	s8 =	smax.u32 s10, $0x1;
	s7 =	sadd.s32 s7, s6;
	s9 =	sshrl.u32 s9, $0x3  }
0xd: {  	s10 =	simm.s32 $0x2;
	s6 =	sadd.s32 s6, s9;
	s7 =	sadd.s32 $0x1A800, s7  }
0xe: {  	v0 =	vimm.f32 $1.000000000e+00;
	s9 =	sshrl.u32 s11, $0x3;
	s11 =	simm.s32 $0x50;
	s6 =	sadd.s32 $0xBA40, s6  }
.LBB2_1:
0xf: {  	[spmem:s9], [sflag:s5] =	dma.local [hbm:s4], $0x500  }
0x10: {  	_ =	swait.ge [sflag:s10], $0x500  }
0x11: {  	[sflag:s10] =	ssyncset.done $0x0  }
0x12: {  	[sflag:s10] =	ssyncadd.s32 $0xFFFFFB00  }
0x13: {  	[tilespmem:s3], [sflag:$0x2] =	stream.linear.gather [hbm4b:s6+s3], $0x2710, $0x38;
	[tilespmem:$0x5410] =	vst v63  }
0x14: {  	_ =	swait.ge [sflag:s10], $0x2710  }
0x15: {  	[sflag:s10] =	ssyncset.done $0x0  }
0x16: {  	s15 =	simm.s32 $0x40;
	s16 =	simm.s32 $0x0;
	[sflag:s10] =	ssyncadd.s32 $0xFFFFD8F0  }
.LBB2_2:
0x17: {  	p0 =	sne.s32 s15, $0x13C0;
	[tilespmem:s16+$0x2710] =	vst v0;
	s16 =	smov.u32 s15;
	s15 =	sadd.s32 $0x40, s15  }
.Ltmp0:
0x18: {  	(pc) =	sbr.rel @p0 .LBB2_2-.Ltmp0, $2  }
0x19: {  	_ =	sdelay $0x2  }
0x1a: {  	s16 =	sshra.s32 s16, $0x2  }
0x1b: {  	[tilespmem:s16+$0x2710] =	vst v0  }
0x1c: {  	s15 =	simm.s32 $0x0;
	[bflag:$0x0] =	sbarrier.arrive $0xFFFF  }
.LBB2_4:
0x1d: {  	p0 =	sne.s32 s15, $0x9B00  }
.Ltmp1:
0x1e: {  	_ = 	snop;
	(pc) =	sbr.rel @p0 .LBB2_4-.Ltmp1, $3  }
0x1f: {  	_ =	sdelay $0x1  }
0x20: {  	s16 =	sshra.s32 s15, $0x2;
	s15 =	sadd.s32 $0x140, s15  }
0x21: {  	[spmem:s2] =	stream.indirect.scatter.add.f32 [tilespmem:s12], [sflag:$0x1], $0x10, s16, s11, $0xb8;
	[tilespmem:$0x5410] =	vst v63  }
0x22: {  	_ =	swait.ge [sflag:s13], $0x500  }
0x23: {  	s15 =	simm.s32 $0x7C;
	[sflag:s13] =	ssyncset.done $0x0  }
.LBB2_6:
0x24: {  	p0 =	sne.s32 s15, $0x1;
	s15 =	sadd.s32 $0xFFFFFFFF, s15;
	[sflag:s13] =	ssyncadd.s32 $0xFFFFFB00  }
.Ltmp2:
0x25: {  	(pc) =	sbr.rel @p0 .LBB2_6-.Ltmp2, $3  }
0x26: {  	_ =	sdelay $0x1  }
0x27: {  	_ =	swait.ge [sflag:s13], $0x500  }
0x28: {  	[sflag:s13] =	ssyncset.done $0x0  }
0x29: {  	s14 =	sadd.s32 $0x1, s14  }
0x2a: {  	[sflag:s13] =	ssyncadd.s32 $0xFFFFFB00;
	p0 =	sne.s32 s14, s8  }
.Ltmp3:
0x2b: {  	[bflag:$0x0] =	sbarrier.arrive $0xFFFF;
	(pc) =	sbr.rel @p0 .LBB2_1-.Ltmp3, $4  }
0x2c: {  	[hbm:s7], [sflag:s5] =	dma.local [spmem:s9], $0x500  }
0x2d: {  	_ =	swait.ge [sflag:s10], $0x500  }
0x2e: {  	[sflag:s10] =	ssyncset.done $0x0  }
0x2f: {  	[sflag:s10] =	ssyncadd.s32 $0xFFFFFB00  }
0x30: {  	_ =	sfence.sel $0x180000  }
0x31: {  	[bflag:$0x0] =	sbarrier.arrive $0xFFFF  }
0x32: {  	p0 =	sne.s32 s1, $0x0;
	_ =	strace $0x90000047  }
0x33: {  	s0 =	sadd.s32 @!p0 $0x100000, s0;
	[bflag:$0x2] =	sbarrier.arrive $0xFFFF  }
0x34: {  	[sflag:s0] =	ssyncadd.tile.s32 @!p0 $0x1;
	_ =	shalt  }
.Lfunc_end2:
_tile_overlayer_lowered:
.L_overlay_start_2:
0x35: {  	(tag) =	ssettag $0x2  }
0x36: {  	s0 =	rddreg [dreg:$0x0];
	s2 =	stileid.u32  }
0x37: {  	s1 =	rddreg [dreg:$0x1];
	p0 =	sne.s32 s2, $0x0  }
0x38: {  	s3 =	rddreg [dreg:$0x2];
	[bflag:$0x3] =	sbarrier.arrive $0xFFFF;
	s2 =	simm.s32 @!p0 $0x1C02  }
0x39: {  	[timem:s3], [sflag:s2] =	dma.local @!p0 [hbm:s0], s1  }
0x3a: {  	s0 =	simm.s32 @!p0 $0x2  }
0x3b: {  	_ =	swait.ge @!p0 [sflag:s0], s1  }
0x3c: {  	s1 =	ssub.s32 @!p0 $0x0, s1;
	[sflag:s0] =	ssyncset.done @!p0 $0x0  }
0x3d: {  	[sflag:s0] =	ssyncadd.s32 @!p0 s1  }
0x3e: {  	[bflag:$0x3] =	sbarrier.arrive $0xFFFF  }
0x3f: {  	_ =	shalt  }

</sc_bundles>
